<compile_context>
chip_gen: v7x
topology: tpu7x:2x2x1
jax: 0.10.2.dev20260603
libtpu: 0.0.44.dev20260713+nightly
codegen_flags: <defaults>
</compile_context>

<pallas_src>
import functools
import numpy as np
import jax
import jax.numpy as jnp
from jax import lax
from jax.experimental import pallas as pl
from jax.experimental.pallas import tpu as pltpu

N = 8192
NB = 8
K = 5
BNS = float(1.0 / np.sqrt(1.0 + 1e-5))
ROWT = 512
CW = 2048
NEG_BIG = -1e9

_NN = (((1,), (0,)), ((), ()))
_NT = (((1,), (1,)), ((), ()))
_TN = (((0,), (0,)), ((), ()))


def _mm(a, b):
    return lax.dot_general(a, b, _NN, preferred_element_type=jnp.float32)


def _mmt(a, b):
    return lax.dot_general(a, b, _NT, preferred_element_type=jnp.float32)


def _mtn(a, b):
    return lax.dot_general(a, b, _TN, preferred_element_type=jnp.float32)


def _mlp(h, w1_ref, bb1_ref, g1_ref, w2_ref, bb2_ref, g2_ref,
         w3_ref, b3_ref, sw_ref, sb_ref, hw_ref, hb_ref):
    bb1 = bb1_ref[...]
    x1 = jax.nn.relu(_mm(h, w1_ref[...]) + bb1[0:1, :])
    x1 = x1 * (g1_ref[...] * BNS) + bb1[1:2, :]
    bb2 = bb2_ref[...]
    x2 = jax.nn.relu(_mm(x1, w2_ref[...]) + bb2[0:1, :])
    x2 = x2 * (g2_ref[...] * BNS) + bb2[1:2, :]
    feat = _mm(x2, w3_ref[...]) + b3_ref[...]
    s = _mm(feat, sw_ref[...]) + sb_ref[...]
    hm = _mm(feat, hw_ref[...]) + hb_ref[...]
    return feat, s, hm


def _mlp_params(p, i):
    return (
        p[f'b{i}_W1'].T,
        jnp.stack([p[f'b{i}_b1'], p[f'b{i}_be1']]),
        p[f'b{i}_g1'][None, :],
        p[f'b{i}_W2'].T,
        jnp.stack([p[f'b{i}_b2'], p[f'b{i}_be2']]),
        p[f'b{i}_g2'][None, :],
        p[f'b{i}_W3'].T,
        p[f'b{i}_b3'][None, :],
        p[f'b{i}_sW'].T,
        p[f'b{i}_sb'][None, :],
        jnp.pad(p[f'b{i}_hW'].T, ((0, 0), (0, 64))),
        jnp.pad(p[f'b{i}_hb'][None, :], ((0, 0), (0, 64))),
    )


_MLP_SPECS = lambda cin: [
    pl.BlockSpec((cin, 128), lambda i, *_: (0, 0)),
    pl.BlockSpec((2, 128), lambda i, *_: (0, 0)),
    pl.BlockSpec((1, 128), lambda i, *_: (0, 0)),
    pl.BlockSpec((128, 128), lambda i, *_: (0, 0)),
    pl.BlockSpec((2, 128), lambda i, *_: (0, 0)),
    pl.BlockSpec((1, 128), lambda i, *_: (0, 0)),
    pl.BlockSpec((128, 64), lambda i, *_: (0, 0)),
    pl.BlockSpec((1, 64), lambda i, *_: (0, 0)),
    pl.BlockSpec((64, 16), lambda i, *_: (0, 0)),
    pl.BlockSpec((1, 16), lambda i, *_: (0, 0)),
    pl.BlockSpec((64, 128), lambda i, *_: (0, 0)),
    pl.BlockSpec((1, 128), lambda i, *_: (0, 0)),
]


def _a_body(x_ref, b_ref, *refs):
    mlp_refs, out_refs = refs[:12], refs[12:]
    x = x_ref[...]
    b = b_ref[...]
    oneh = (b == lax.broadcasted_iota(jnp.int32, (1, NB), 1)).astype(jnp.float32)
    ones_col = jnp.ones((N, 1), jnp.float32)
    cnt = _mtn(oneh, ones_col)
    ssum = _mtn(oneh, x)
    mean = ssum / jnp.maximum(cnt, 1.0)
    mns, mxs = [], []
    for bb in range(NB):
        m = b == bb
        mns.append(jnp.min(jnp.where(m, x, jnp.inf), axis=0, keepdims=True))
        mxs.append(jnp.max(jnp.where(m, x, -jnp.inf), axis=0, keepdims=True))
    mn = jnp.concatenate(mns, axis=0)
    mx = jnp.concatenate(mxs, axis=0)
    nonempty = cnt > 0.0
    mn = jnp.where(nonempty, mn, 0.0)
    mx = jnp.where(nonempty, mx, 0.0)
    mmm = jnp.concatenate([mean, mn, mx], axis=1)
    h80 = jnp.concatenate([_mm(oneh, mmm), x], axis=1)
    feat, s, hm = _mlp(h80, *mlp_refs)
    out_refs[0][...] = feat
    out_refs[1][...] = s
    out_refs[2][...] = hm


def _a_call(x, bcol, p):
    return pl.pallas_call(
        _a_body,
        out_shape=[
            jax.ShapeDtypeStruct((N, 64), jnp.float32),
            jax.ShapeDtypeStruct((N, 16), jnp.float32),
            jax.ShapeDtypeStruct((N, 128), jnp.float32),
        ],
    )(x, bcol, *_mlp_params(p, 0))


def _grav_topk(t, lo8_ref, nch_ref, sr_ref, br_ref, s_ref, ball_ref):
    l0 = lo8_ref[t]
    nc = nch_ref[t]
    s_r = sr_ref[...]
    sq_r = jnp.sum(s_r * s_r, axis=1, keepdims=True)
    aug_r = jnp.concatenate([s_r * -2.0, jnp.ones((ROWT, 1), jnp.float32)],
                            axis=1)
    br = br_ref[...]
    liota = lax.broadcasted_iota(jnp.int32, (ROWT, CW), 1)

    def chunk_base(j):
        return pl.multiple_of(jnp.minimum(l0 + j * CW, N - CW), 128)

    def chunk_negd(base):
        s_c = s_ref[pl.ds(base, CW), :]
        sq_c = jnp.sum(s_c * s_c, axis=1, keepdims=True)
        aug_c = jnp.concatenate([s_c, sq_c], axis=1)
        d2 = sq_r + _mmt(aug_r, aug_c)
        d2 = jnp.maximum(d2, 0.0)
        bc = ball_ref[:, pl.ds(base, CW)]
        same = br == bc
        return jnp.where(same, -d2, NEG_BIG)

    def phase1(j, carry):
        bval, bidx = carry
        base = chunk_base(j)
        negd = chunk_negd(base)
        gcols = liota + base
        cval = jnp.concatenate([bval, negd], axis=1)
        cidx = jnp.concatenate([bidx, gcols], axis=1)
        nv, ni = [], []
        for _ in range(K):
            m = jnp.max(cval, axis=1, keepdims=True)
            gidx = jnp.min(jnp.where(cval == m, cidx, jnp.int32(1 << 30)),
                           axis=1, keepdims=True)
            cval = jnp.where(cidx == gidx, -jnp.inf, cval)
            nv.append(m)
            ni.append(gidx)
        return (jnp.concatenate(nv, axis=1), jnp.concatenate(ni, axis=1))

    bval0 = jnp.full((ROWT, K), -jnp.inf, jnp.float32)
    bidx0 = jnp.int32(1 << 30) + lax.broadcasted_iota(jnp.int32, (ROWT, K), 1)
    return lax.fori_loop(0, nc, phase1, (bval0, bidx0))


def _grav_params(p, i):
    return (
        p[f'b{i}_oW'].T,
        jnp.stack([p[f'b{i}_ob'], p[f'b{i}_pb']]),
        p[f'b{i}_pg'][None, :],
    )


def _b1_body(lo8_ref, nch_ref, sr_ref, br_ref, s_ref, ball_ref,
             bidx_ref, w_ref):
    t = pl.program_id(0)
    bval, bidx = _grav_topk(t, lo8_ref, nch_ref, sr_ref, br_ref, s_ref,
                            ball_ref)
    bidx_ref[...] = bidx
    w_ref[...] = jnp.exp(10.0 * bval)


def _b1_call(s, bcol, brow, lo8, nch):
    return pl.pallas_call(
        _b1_body,
        grid_spec=pltpu.PrefetchScalarGridSpec(
            num_scalar_prefetch=2,
            grid=(N // ROWT,),
            in_specs=[
                pl.BlockSpec((ROWT, 16), lambda i, *_: (i, 0)),
                pl.BlockSpec((ROWT, 1), lambda i, *_: (i, 0)),
                pl.BlockSpec((N, 16), lambda i, *_: (0, 0)),
                pl.BlockSpec((1, N), lambda i, *_: (0, 0)),
            ],
            out_specs=[
                pl.BlockSpec((ROWT, K), lambda i, *_: (i, 0)),
                pl.BlockSpec((ROWT, K), lambda i, *_: (i, 0)),
            ],
        ),
        out_shape=[
            jax.ShapeDtypeStruct((N, K), jnp.int32),
            jax.ShapeDtypeStruct((N, K), jnp.float32),
        ],
        compiler_params=pltpu.CompilerParams(
            dimension_semantics=("parallel",)),
    )(lo8, nch, s, bcol, s, brow)


_SC_NC = 2
_SC_NS = 16
_SC_NW = _SC_NC * _SC_NS
_SC_BPW = (N * K) // _SC_NW
_SC_GCH = 128
_SC_NCH = _SC_BPW // _SC_GCH


def _sc_gather(h, idx3):
    from jax.experimental.pallas import tpu_sc as plsc

    @functools.partial(
        pl.kernel,
        mesh=plsc.VectorSubcoreMesh(core_axis_name="c", subcore_axis_name="s"),
        out_type=jax.ShapeDtypeStruct((N * K, 128), jnp.float32),
        scratch_types=[
            pltpu.VMEM((_SC_NCH, _SC_GCH), jnp.int32),
            pltpu.VMEM((_SC_GCH, 128), jnp.float32),
            pltpu.SemaphoreType.DMA,
        ],
    )
    def k(h_hbm, idx_hbm, out_hbm, idx_v, rows_v, sem):
        wid = lax.axis_index("s") * _SC_NC + lax.axis_index("c")
        base = wid * _SC_BPW
        pltpu.sync_copy(idx_hbm.at[wid], idx_v)
        for ch in range(_SC_NCH):
            pltpu.async_copy(h_hbm.at[idx_v.at[ch]], rows_v, sem).wait()
            pltpu.sync_copy(rows_v, out_hbm.at[pl.ds(base + ch * _SC_GCH,
                                                     _SC_GCH)])

    return k(h, idx3)


def _combine(g_ref, w_ref, feat_ref, ow_ref, obp_ref, pg_ref):
    g = g_ref[...]
    w = w_ref[...]
    msum = jnp.zeros((ROWT, 64), jnp.float32)
    mmax = jnp.full((ROWT, 64), -jnp.inf, jnp.float32)
    for k in range(K):
        msg = g[:, 128 * k:128 * k + 64] * w[:, k:k + 1]
        msum = msum + msg
        mmax = jnp.maximum(mmax, msg)
    outcat = jnp.concatenate([feat_ref[...], msum * (1.0 / K), mmax], axis=1)
    obp = obp_ref[...]
    o = _mm(outcat, ow_ref[...]) + obp[0:1, :]
    return o * (pg_ref[...] * BNS) + obp[1:2, :]


_B2_SPECS = [
    pl.BlockSpec((ROWT, K * 128), lambda i, *_: (i, 0)),
    pl.BlockSpec((ROWT, K), lambda i, *_: (i, 0)),
    pl.BlockSpec((ROWT, 64), lambda i, *_: (i, 0)),
    pl.BlockSpec((192, 64), lambda i, *_: (0, 0)),
    pl.BlockSpec((2, 64), lambda i, *_: (0, 0)),
    pl.BlockSpec((1, 64), lambda i, *_: (0, 0)),
]


def _b2_body(g_ref, w_ref, feat_ref, ow_ref, obp_ref, pg_ref, *refs):
    mlp_refs, out_refs = refs[:12], refs[12:]
    o = _combine(g_ref, w_ref, feat_ref, ow_ref, obp_ref, pg_ref)
    feat, s, hm = _mlp(o, *mlp_refs)
    out_refs[0][...] = o
    out_refs[1][...] = feat
    out_refs[2][...] = s
    out_refs[3][...] = hm


def _b2_call(g320, w, feat, p, i):
    return pl.pallas_call(
        _b2_body,
        grid=(N // ROWT,),
        in_specs=_B2_SPECS + _MLP_SPECS(64),
        out_specs=[
            pl.BlockSpec((ROWT, 64), lambda i, *_: (i, 0)),
            pl.BlockSpec((ROWT, 64), lambda i, *_: (i, 0)),
            pl.BlockSpec((ROWT, 16), lambda i, *_: (i, 0)),
            pl.BlockSpec((ROWT, 128), lambda i, *_: (i, 0)),
        ],
        out_shape=[
            jax.ShapeDtypeStruct((N, 64), jnp.float32),
            jax.ShapeDtypeStruct((N, 64), jnp.float32),
            jax.ShapeDtypeStruct((N, 16), jnp.float32),
            jax.ShapeDtypeStruct((N, 128), jnp.float32),
        ],
        compiler_params=pltpu.CompilerParams(
            dimension_semantics=("parallel",)),
    )(g320, w, feat, *_grav_params(p, i), *_mlp_params(p, i + 1))


def _c2_body(g_ref, w_ref, feat_ref, ow_ref, obp_ref, pg_ref,
             b0_ref, b1_ref, *refs):
    head_refs, out_refs = refs[:11], refs[11:]
    o = _combine(g_ref, w_ref, feat_ref, ow_ref, obp_ref, pg_ref)
    h = jnp.concatenate([b0_ref[...], b1_ref[...], o], axis=1)
    (w0, bb0, g0, w1, bb1, g1, w2, bb2, g2, wo, bo) = head_refs
    for w_ref2, bb_ref, g_ref2 in ((w0, bb0, g0), (w1, bb1, g1),
                                   (w2, bb2, g2)):
        bb = bb_ref[...]
        h = jax.nn.relu(_mm(h, w_ref2[...]) + bb[0:1, :])
        h = h * (g_ref2[...] * BNS) + bb[1:2, :]
    out_refs[0][...] = jax.nn.sigmoid(_mm(h, wo[...]) + bo[...])


def _c2_call(g320, w, feat, blk0, blk1, p):
    head_args = []
    head_specs = []
    for j in range(3):
        cin = 192 if j == 0 else 256
        head_args += [p[f'd{j}_W'].T,
                      jnp.stack([p[f'd{j}_b'], p[f'd{j}_be']]),
                      p[f'd{j}_g'][None, :]]
        head_specs += [pl.BlockSpec((cin, 256), lambda i, *_: (0, 0)),
                       pl.BlockSpec((2, 256), lambda i, *_: (0, 0)),
                       pl.BlockSpec((1, 256), lambda i, *_: (0, 0))]
    head_args += [p['out_W'].T, p['out_b'][None, :]]
    head_specs += [pl.BlockSpec((256, 1), lambda i, *_: (0, 0)),
                   pl.BlockSpec((1, 1), lambda i, *_: (0, 0))]
    return pl.pallas_call(
        _c2_body,
        grid=(N // ROWT,),
        in_specs=_B2_SPECS
        + [pl.BlockSpec((ROWT, 64), lambda i, *_: (i, 0)),
           pl.BlockSpec((ROWT, 64), lambda i, *_: (i, 0))]
        + head_specs,
        out_specs=[pl.BlockSpec((ROWT, 1), lambda i, *_: (i, 0))],
        out_shape=[jax.ShapeDtypeStruct((N, 1), jnp.float32)],
        compiler_params=pltpu.CompilerParams(
            dimension_semantics=("parallel",)),
    )(g320, w, feat, *_grav_params(p, 2), blk0, blk1, *head_args)


def kernel(x, batch, params):
    b32 = batch.astype(jnp.int32)
    bcol = b32.reshape(N, 1)
    brow = b32.reshape(1, N)
    seg_start = jnp.searchsorted(b32, jnp.arange(NB, dtype=jnp.int32),
                                 side='left').astype(jnp.int32)
    seg_end = jnp.searchsorted(b32, jnp.arange(NB, dtype=jnp.int32),
                               side='right').astype(jnp.int32)
    bt0 = b32[::ROWT]
    bt1 = b32[ROWT - 1::ROWT]
    lo8 = (seg_start[bt0] & ~127).astype(jnp.int32)
    nch = ((seg_end[bt1] - lo8 + CW - 1) // CW).astype(jnp.int32)
    feat, s, hm = _a_call(x, bcol, params)
    blks = []
    for i in range(3):
        bidx, w = _b1_call(s, bcol, brow, lo8, nch)
        idx3 = bidx.reshape(_SC_NW, _SC_NCH, _SC_GCH)
        g320 = _sc_gather(hm, idx3).reshape(N, K * 128)
        if i < 2:
            blk, feat, s, hm = _b2_call(g320, w, feat, params, i)
            blks.append(blk)
        else:
            (out,) = _c2_call(g320, w, feat, blks[0], blks[1], params)
    return out

# --- scband reference (transcript-rebuilt; emitter-appended) ---
"""Pipeline reference for scband-b2-gravnet-module-21887153340471 (READ-ONLY COPY).

The authoritative reference and input builder live on the scoring server;
editing this copy changes nothing except your own understanding.
"""

import jax, jax.numpy as jnp
import numpy as np

NUM_BATCHES = 8
EPS = 1e-5
K = 5


def _lin_init(key, out_d, in_d):
    k1, k2 = jax.random.split(key)
    s = 1.0 / np.sqrt(in_d)
    W = jax.random.uniform(k1, (out_d, in_d), jnp.float32, -s, s)
    b = jax.random.uniform(k2, (out_d,), jnp.float32, -s, s)
    return W, b


def setup_inputs(seed: int = 0):
    key = jax.random.key(seed)
    ks = jax.random.split(key, 40)
    N = 8192
    x = jax.random.normal(ks[0], (N, 20), jnp.float32)
    batch = jnp.sort(jax.random.randint(ks[1], (N,), 0, NUM_BATCHES))
    params = {}
    i_k = 2
    for i in range(3):
        cin = 80 if i == 0 else 64
        W, b = _lin_init(ks[i_k], 128, cin); i_k += 1
        params[f'b{i}_W1'], params[f'b{i}_b1'] = W, b
        params[f'b{i}_g1'] = jnp.ones((128,), jnp.float32)
        params[f'b{i}_be1'] = jnp.zeros((128,), jnp.float32)
        W, b = _lin_init(ks[i_k], 128, 128); i_k += 1
        params[f'b{i}_W2'], params[f'b{i}_b2'] = W, b
        params[f'b{i}_g2'] = jnp.ones((128,), jnp.float32)
        params[f'b{i}_be2'] = jnp.zeros((128,), jnp.float32)
        W, b = _lin_init(ks[i_k], 64, 128); i_k += 1
        params[f'b{i}_W3'], params[f'b{i}_b3'] = W, b
        W, b = _lin_init(ks[i_k], 16, 64); i_k += 1
        params[f'b{i}_sW'], params[f'b{i}_sb'] = W, b
        W, b = _lin_init(ks[i_k], 64, 64); i_k += 1
        params[f'b{i}_hW'], params[f'b{i}_hb'] = W, b
        W, b = _lin_init(ks[i_k], 64, 192); i_k += 1
        params[f'b{i}_oW'], params[f'b{i}_ob'] = W, b
        params[f'b{i}_pg'] = jnp.ones((64,), jnp.float32)
        params[f'b{i}_pb'] = jnp.zeros((64,), jnp.float32)
    for j in range(3):
        cin = 192 if j == 0 else 256
        W, b = _lin_init(ks[i_k], 256, cin); i_k += 1
        params[f'd{j}_W'], params[f'd{j}_b'] = W, b
        params[f'd{j}_g'] = jnp.ones((256,), jnp.float32)
        params[f'd{j}_be'] = jnp.zeros((256,), jnp.float32)
    W, b = _lin_init(ks[i_k], 1, 256)
    params['out_W'], params['out_b'] = W, b
    return {"x": x, "batch": batch, "params": params}


def _linear(x, W, b):
    return x @ W.T + b


def _bn(x, g, be):
    # eval-mode BatchNorm1d with default running stats (mean=0, var=1)
    return g * x / jnp.sqrt(1.0 + EPS) + be


def _global_exchange(x, batch):
    cnt = jax.ops.segment_sum(jnp.ones((x.shape[0],), x.dtype), batch, NUM_BATCHES)
    mean = jax.ops.segment_sum(x, batch, NUM_BATCHES) / jnp.maximum(cnt, 1.0)[:, None]
    mn = jax.ops.segment_min(x, batch, NUM_BATCHES)
    mx = jax.ops.segment_max(x, batch, NUM_BATCHES)
    mmm = jnp.concatenate([mean, mn, mx], axis=-1)
    return jnp.concatenate([mmm[batch], x], axis=-1)


def _gravnet(x, batch, sW, sb, hW, hb, oW, ob):
    h = _linear(x, hW, hb)
    s = _linear(x, sW, sb)
    sq = jnp.sum(s * s, axis=1)
    d2 = sq[:, None] + sq[None, :] - 2.0 * (s @ s.T)
    d2 = jnp.maximum(d2, 0.0)
    same = batch[:, None] == batch[None, :]
    d2m = jnp.where(same, d2, jnp.float32(1e9))
    neg, idx = jax.lax.top_k(-d2m, K)
    w = jnp.exp(10.0 * neg)  # = exp(-10 * d2) for selected neighbors
    msg = h[idx] * w[:, :, None]
    out = jnp.concatenate([jnp.mean(msg, axis=1), jnp.max(msg, axis=1)], axis=-1)
    return _linear(jnp.concatenate([x, out], axis=-1), oW, ob)


def _block(x, batch, p, i):
    x = _linear(x, p[f'b{i}_W1'], p[f'b{i}_b1'])
    x = jax.nn.relu(x)
    x = _bn(x, p[f'b{i}_g1'], p[f'b{i}_be1'])
    x = _linear(x, p[f'b{i}_W2'], p[f'b{i}_b2'])
    x = jax.nn.relu(x)
    x = _bn(x, p[f'b{i}_g2'], p[f'b{i}_be2'])
    x = _linear(x, p[f'b{i}_W3'], p[f'b{i}_b3'])
    x = _gravnet(x, batch, p[f'b{i}_sW'], p[f'b{i}_sb'], p[f'b{i}_hW'], p[f'b{i}_hb'], p[f'b{i}_oW'], p[f'b{i}_ob'])
    x = _bn(x, p[f'b{i}_pg'], p[f'b{i}_pb'])
    return x


def _forward(x, batch, p):
    h = _global_exchange(x, batch)
    feats = []
    for i in range(3):
        h = _block(h, batch, p, i)
        feats.append(h)
    h = jnp.concatenate(feats, axis=-1)
    for j in range(3):
        h = _linear(h, p[f'd{j}_W'], p[f'd{j}_b'])
        h = jax.nn.relu(h)
        h = _bn(h, p[f'd{j}_g'], p[f'd{j}_be'])
    return jax.nn.sigmoid(_linear(h, p['out_W'], p['out_b']))


def reference(x, batch, params):
    return _forward(x, batch, params)

if __name__ == "__main__":
    import jax
    _d = setup_inputs()
    print(jax.jit(kernel)(*tuple(_d.values())))

</pallas_src>

<mosaic_0001>
#map = affine_map<(d0, d1) -> (0, 0)>
#map1 = affine_map<(d0, d1) -> (0, 0, 0)>
module attributes {stable_mosaic.version = 14 : i64} {
  func.func @k(%arg0: i32, %arg1: i32, %arg2: memref<8192x128xf32, #tpu.memory_space<hbm>>, %arg3: memref<32x10x128xi32, #tpu.memory_space<hbm>>, %arg4: memref<40960x128xf32, #tpu.memory_space<hbm>>, %arg5: memref<10x128xi32, #tpu.memory_space<vmem>>, %arg6: memref<128x128xf32, #tpu.memory_space<vmem>>, %arg7: memref<!tpu.dma_semaphore, #tpu.memory_space<semaphore_mem>>) attributes {dimension_semantics = [#tpu.dimension_semantics<core_parallel>, #tpu.dimension_semantics<subcore_parallel>], iteration_bounds = array<i64: 2, 16>, scalar_prefetch = 0 : i64, scratch_operands = 3 : i64, tpu.core_type = #tpu.core_type<sc_vector_subcore>, window_params = [{transform_indices = #map}, {transform_indices = #map1}, {transform_indices = #map}]} {
    %mul3A = arith.constant 2 : i32
    %mul3A_0 = arith.muli %arg1, %mul3A : i32
    %add3A = arith.addi %mul3A_0, %arg0 : i32
    %mul3A_1 = arith.constant 1280 : i32
    %mul3A_2 = arith.muli %add3A, %mul3A_1 : i32
    "tpu.region"() ({
      %run_scoped3A = tpu.sem_alloc : memref<!tpu.dma_semaphore, #tpu.memory_space<semaphore_mem>>
      %dma_start3A_161 = arith.constant 0 : i32
      %dma_start3A_162 = arith.constant 0 : i32
      %dma_start3A_163 = tpu.memref_slice %arg3[%add3A, %dma_start3A_161, %dma_start3A_162] : memref<32x10x128xi32, #tpu.memory_space<hbm>> -> memref<1x10x128xi32, #tpu.memory_space<hbm>>
      %dma_start3A_164 = tpu.memref_squeeze %dma_start3A_163 : memref<1x10x128xi32, #tpu.memory_space<hbm>> -> memref<10x128xi32, #tpu.memory_space<hbm>>
      %dma_start3A_165 = arith.constant 0 : i32
      %dma_start3A_166 = arith.constant 0 : i32
      %dma_start3A_167 = tpu.memref_slice %arg3[%add3A, %dma_start3A_165, %dma_start3A_166] : memref<32x10x128xi32, #tpu.memory_space<hbm>> -> memref<1x10x128xi32, #tpu.memory_space<hbm>>
      %dma_start3A_168 = tpu.memref_squeeze %dma_start3A_167 : memref<1x10x128xi32, #tpu.memory_space<hbm>> -> memref<10x128xi32, #tpu.memory_space<hbm>>
      tpu.enqueue_dma source(%dma_start3A_168 : memref<10x128xi32, #tpu.memory_space<hbm>>) target(%arg5 : memref<10x128xi32, #tpu.memory_space<vmem>>) target_semaphore(%run_scoped3A : memref<!tpu.dma_semaphore, #tpu.memory_space<semaphore_mem>>)
      %dma_wait3A_169 = arith.constant 0 : i32
      %dma_wait3A_170 = arith.constant 0 : i32
      %dma_wait3A_171 = tpu.memref_slice %arg3[%add3A, %dma_wait3A_169, %dma_wait3A_170] : memref<32x10x128xi32, #tpu.memory_space<hbm>> -> memref<1x10x128xi32, #tpu.memory_space<hbm>>
      %dma_wait3A_172 = tpu.memref_squeeze %dma_wait3A_171 : memref<1x10x128xi32, #tpu.memory_space<hbm>> -> memref<10x128xi32, #tpu.memory_space<hbm>>
      %dma_wait3A_173 = arith.constant 0 : i32
      %dma_wait3A_174 = arith.constant 0 : i32
      %dma_wait3A_175 = tpu.memref_slice %arg3[%add3A, %dma_wait3A_173, %dma_wait3A_174] : memref<32x10x128xi32, #tpu.memory_space<hbm>> -> memref<1x10x128xi32, #tpu.memory_space<hbm>>
      %dma_wait3A_176 = tpu.memref_squeeze %dma_wait3A_175 : memref<1x10x128xi32, #tpu.memory_space<hbm>> -> memref<10x128xi32, #tpu.memory_space<hbm>>
      tpu.wait_dma2 semaphore(%run_scoped3A : memref<!tpu.dma_semaphore, #tpu.memory_space<semaphore_mem>>) src(%dma_wait3A_176 : memref<10x128xi32, #tpu.memory_space<hbm>>) dst(%arg5 : memref<10x128xi32, #tpu.memory_space<vmem>>)
      tpu.yield
    }) : () -> ()
    %dma_start3A = arith.constant 0 : i32
    %dma_start3A_3 = arith.constant 0 : i32
    %dma_start3A_4 = tpu.memref_slice %arg5[%dma_start3A, %dma_start3A_3] : memref<10x128xi32, #tpu.memory_space<vmem>> -> memref<1x128xi32, #tpu.memory_space<vmem>>
    %dma_start3A_5 = tpu.memref_squeeze %dma_start3A_4 : memref<1x128xi32, #tpu.memory_space<vmem>> -> memref<128xi32, #tpu.memory_space<vmem>>
    %dma_start3A_6 = arith.constant 0 : i32
    %dma_start3A_7 = arith.constant 0 : i32
    %dma_start3A_8 = tpu.memref_slice %arg2[%dma_start3A_6, %dma_start3A_7] : memref<8192x128xf32, #tpu.memory_space<hbm>> -> memref<8192x128xf32, #tpu.memory_space<hbm>>
    tpu.enqueue_indirect_dma source(%dma_start3A_8 : memref<8192x128xf32, #tpu.memory_space<hbm>>) target(%arg6 : memref<128x128xf32, #tpu.memory_space<vmem>>) offsets(%dma_start3A_5 : memref<128xi32, #tpu.memory_space<vmem>>) semaphore(%arg7 : memref<!tpu.dma_semaphore, #tpu.memory_space<semaphore_mem>>)
    %dma_wait3A = arith.constant 0 : i32
    %dma_wait3A_9 = arith.constant 0 : i32
    %dma_wait3A_10 = tpu.memref_slice %arg5[%dma_wait3A, %dma_wait3A_9] : memref<10x128xi32, #tpu.memory_space<vmem>> -> memref<1x128xi32, #tpu.memory_space<vmem>>
    %dma_wait3A_11 = tpu.memref_squeeze %dma_wait3A_10 : memref<1x128xi32, #tpu.memory_space<vmem>> -> memref<128xi32, #tpu.memory_space<vmem>>
    %dma_wait3A_12 = arith.constant 0 : i32
    %dma_wait3A_13 = arith.constant 0 : i32
    %dma_wait3A_14 = tpu.memref_slice %arg2[%dma_wait3A_12, %dma_wait3A_13] : memref<8192x128xf32, #tpu.memory_space<hbm>> -> memref<8192x128xf32, #tpu.memory_space<hbm>>
    tpu.wait_indirect_dma semaphore(%arg7 : memref<!tpu.dma_semaphore, #tpu.memory_space<semaphore_mem>>) src(%dma_wait3A_14 : memref<8192x128xf32, #tpu.memory_space<hbm>>) dst(%arg6 : memref<128x128xf32, #tpu.memory_space<vmem>>)
    %add3A_15 = arith.constant 0 : i32
    %add3A_16 = arith.addi %mul3A_2, %add3A_15 : i32
    "tpu.region"() ({
      %run_scoped3A = tpu.sem_alloc : memref<!tpu.dma_semaphore, #tpu.memory_space<semaphore_mem>>
      %dma_start3A_161 = arith.constant 0 : i32
      %dma_start3A_162 = tpu.memref_slice %arg4[%add3A_16, %dma_start3A_161] : memref<40960x128xf32, #tpu.memory_space<hbm>> -> memref<128x128xf32, #tpu.memory_space<hbm>>
      %dma_start3A_163 = arith.constant 0 : i32
      %dma_start3A_164 = tpu.memref_slice %arg4[%add3A_16, %dma_start3A_163] : memref<40960x128xf32, #tpu.memory_space<hbm>> -> memref<128x128xf32, #tpu.memory_space<hbm>>
      tpu.enqueue_dma source(%arg6 : memref<128x128xf32, #tpu.memory_space<vmem>>) target(%dma_start3A_164 : memref<128x128xf32, #tpu.memory_space<hbm>>) target_semaphore(%run_scoped3A : memref<!tpu.dma_semaphore, #tpu.memory_space<semaphore_mem>>)
      %dma_wait3A_165 = arith.constant 0 : i32
      %dma_wait3A_166 = tpu.memref_slice %arg4[%add3A_16, %dma_wait3A_165] : memref<40960x128xf32, #tpu.memory_space<hbm>> -> memref<128x128xf32, #tpu.memory_space<hbm>>
      %dma_wait3A_167 = arith.constant 0 : i32
      %dma_wait3A_168 = tpu.memref_slice %arg4[%add3A_16, %dma_wait3A_167] : memref<40960x128xf32, #tpu.memory_space<hbm>> -> memref<128x128xf32, #tpu.memory_space<hbm>>
      tpu.wait_dma2 semaphore(%run_scoped3A : memref<!tpu.dma_semaphore, #tpu.memory_space<semaphore_mem>>) src(%arg6 : memref<128x128xf32, #tpu.memory_space<vmem>>) dst(%dma_wait3A_168 : memref<128x128xf32, #tpu.memory_space<hbm>>)
      tpu.yield
    }) : () -> ()
    %dma_start3A_17 = arith.constant 1 : i32
    %dma_start3A_18 = arith.constant 0 : i32
    %dma_start3A_19 = tpu.memref_slice %arg5[%dma_start3A_17, %dma_start3A_18] : memref<10x128xi32, #tpu.memory_space<vmem>> -> memref<1x128xi32, #tpu.memory_space<vmem>>
    %dma_start3A_20 = tpu.memref_squeeze %dma_start3A_19 : memref<1x128xi32, #tpu.memory_space<vmem>> -> memref<128xi32, #tpu.memory_space<vmem>>
    %dma_start3A_21 = arith.constant 0 : i32
    %dma_start3A_22 = arith.constant 0 : i32
    %dma_start3A_23 = tpu.memref_slice %arg2[%dma_start3A_21, %dma_start3A_22] : memref<8192x128xf32, #tpu.memory_space<hbm>> -> memref<8192x128xf32, #tpu.memory_space<hbm>>
    tpu.enqueue_indirect_dma source(%dma_start3A_23 : memref<8192x128xf32, #tpu.memory_space<hbm>>) target(%arg6 : memref<128x128xf32, #tpu.memory_space<vmem>>) offsets(%dma_start3A_20 : memref<128xi32, #tpu.memory_space<vmem>>) semaphore(%arg7 : memref<!tpu.dma_semaphore, #tpu.memory_space<semaphore_mem>>)
    %dma_wait3A_24 = arith.constant 1 : i32
    %dma_wait3A_25 = arith.constant 0 : i32
    %dma_wait3A_26 = tpu.memref_slice %arg5[%dma_wait3A_24, %dma_wait3A_25] : memref<10x128xi32, #tpu.memory_space<vmem>> -> memref<1x128xi32, #tpu.memory_space<vmem>>
    %dma_wait3A_27 = tpu.memref_squeeze %dma_wait3A_26 : memref<1x128xi32, #tpu.memory_space<vmem>> -> memref<128xi32, #tpu.memory_space<vmem>>
    %dma_wait3A_28 = arith.constant 0 : i32
    %dma_wait3A_29 = arith.constant 0 : i32
    %dma_wait3A_30 = tpu.memref_slice %arg2[%dma_wait3A_28, %dma_wait3A_29] : memref<8192x128xf32, #tpu.memory_space<hbm>> -> memref<8192x128xf32, #tpu.memory_space<hbm>>
    tpu.wait_indirect_dma semaphore(%arg7 : memref<!tpu.dma_semaphore, #tpu.memory_space<semaphore_mem>>) src(%dma_wait3A_30 : memref<8192x128xf32, #tpu.memory_space<hbm>>) dst(%arg6 : memref<128x128xf32, #tpu.memory_space<vmem>>)
    %add3A_31 = arith.constant 128 : i32
    %add3A_32 = arith.addi %mul3A_2, %add3A_31 : i32
    "tpu.region"() ({
      %run_scoped3A = tpu.sem_alloc : memref<!tpu.dma_semaphore, #tpu.memory_space<semaphore_mem>>
      %dma_start3A_161 = arith.constant 0 : i32
      %dma_start3A_162 = tpu.memref_slice %arg4[%add3A_32, %dma_start3A_161] : memref<40960x128xf32, #tpu.memory_space<hbm>> -> memref<128x128xf32, #tpu.memory_space<hbm>>
      %dma_start3A_163 = arith.constant 0 : i32
      %dma_start3A_164 = tpu.memref_slice %arg4[%add3A_32, %dma_start3A_163] : memref<40960x128xf32, #tpu.memory_space<hbm>> -> memref<128x128xf32, #tpu.memory_space<hbm>>
      tpu.enqueue_dma source(%arg6 : memref<128x128xf32, #tpu.memory_space<vmem>>) target(%dma_start3A_164 : memref<128x128xf32, #tpu.memory_space<hbm>>) target_semaphore(%run_scoped3A : memref<!tpu.dma_semaphore, #tpu.memory_space<semaphore_mem>>)
      %dma_wait3A_165 = arith.constant 0 : i32
      %dma_wait3A_166 = tpu.memref_slice %arg4[%add3A_32, %dma_wait3A_165] : memref<40960x128xf32, #tpu.memory_space<hbm>> -> memref<128x128xf32, #tpu.memory_space<hbm>>
      %dma_wait3A_167 = arith.constant 0 : i32
      %dma_wait3A_168 = tpu.memref_slice %arg4[%add3A_32, %dma_wait3A_167] : memref<40960x128xf32, #tpu.memory_space<hbm>> -> memref<128x128xf32, #tpu.memory_space<hbm>>
      tpu.wait_dma2 semaphore(%run_scoped3A : memref<!tpu.dma_semaphore, #tpu.memory_space<semaphore_mem>>) src(%arg6 : memref<128x128xf32, #tpu.memory_space<vmem>>) dst(%dma_wait3A_168 : memref<128x128xf32, #tpu.memory_space<hbm>>)
      tpu.yield
    }) : () -> ()
    %dma_start3A_33 = arith.constant 2 : i32
    %dma_start3A_34 = arith.constant 0 : i32
    %dma_start3A_35 = tpu.memref_slice %arg5[%dma_start3A_33, %dma_start3A_34] : memref<10x128xi32, #tpu.memory_space<vmem>> -> memref<1x128xi32, #tpu.memory_space<vmem>>
    %dma_start3A_36 = tpu.memref_squeeze %dma_start3A_35 : memref<1x128xi32, #tpu.memory_space<vmem>> -> memref<128xi32, #tpu.memory_space<vmem>>
    %dma_start3A_37 = arith.constant 0 : i32
    %dma_start3A_38 = arith.constant 0 : i32
    %dma_start3A_39 = tpu.memref_slice %arg2[%dma_start3A_37, %dma_start3A_38] : memref<8192x128xf32, #tpu.memory_space<hbm>> -> memref<8192x128xf32, #tpu.memory_space<hbm>>
    tpu.enqueue_indirect_dma source(%dma_start3A_39 : memref<8192x128xf32, #tpu.memory_space<hbm>>) target(%arg6 : memref<128x128xf32, #tpu.memory_space<vmem>>) offsets(%dma_start3A_36 : memref<128xi32, #tpu.memory_space<vmem>>) semaphore(%arg7 : memref<!tpu.dma_semaphore, #tpu.memory_space<semaphore_mem>>)
    %dma_wait3A_40 = arith.constant 2 : i32
    %dma_wait3A_41 = arith.constant 0 : i32
    %dma_wait3A_42 = tpu.memref_slice %arg5[%dma_wait3A_40, %dma_wait3A_41] : memref<10x128xi32, #tpu.memory_space<vmem>> -> memref<1x128xi32, #tpu.memory_space<vmem>>
    %dma_wait3A_43 = tpu.memref_squeeze %dma_wait3A_42 : memref<1x128xi32, #tpu.memory_space<vmem>> -> memref<128xi32, #tpu.memory_space<vmem>>
    %dma_wait3A_44 = arith.constant 0 : i32
    %dma_wait3A_45 = arith.constant 0 : i32
    %dma_wait3A_46 = tpu.memref_slice %arg2[%dma_wait3A_44, %dma_wait3A_45] : memref<8192x128xf32, #tpu.memory_space<hbm>> -> memref<8192x128xf32, #tpu.memory_space<hbm>>
    tpu.wait_indirect_dma semaphore(%arg7 : memref<!tpu.dma_semaphore, #tpu.memory_space<semaphore_mem>>) src(%dma_wait3A_46 : memref<8192x128xf32, #tpu.memory_space<hbm>>) dst(%arg6 : memref<128x128xf32, #tpu.memory_space<vmem>>)
    %add3A_47 = arith.constant 256 : i32
    %add3A_48 = arith.addi %mul3A_2, %add3A_47 : i32
    "tpu.region"() ({
      %run_scoped3A = tpu.sem_alloc : memref<!tpu.dma_semaphore, #tpu.memory_space<semaphore_mem>>
      %dma_start3A_161 = arith.constant 0 : i32
      %dma_start3A_162 = tpu.memref_slice %arg4[%add3A_48, %dma_start3A_161] : memref<40960x128xf32, #tpu.memory_space<hbm>> -> memref<128x128xf32, #tpu.memory_space<hbm>>
      %dma_start3A_163 = arith.constant 0 : i32
      %dma_start3A_164 = tpu.memref_slice %arg4[%add3A_48, %dma_start3A_163] : memref<40960x128xf32, #tpu.memory_space<hbm>> -> memref<128x128xf32, #tpu.memory_space<hbm>>
      tpu.enqueue_dma source(%arg6 : memref<128x128xf32, #tpu.memory_space<vmem>>) target(%dma_start3A_164 : memref<128x128xf32, #tpu.memory_space<hbm>>) target_semaphore(%run_scoped3A : memref<!tpu.dma_semaphore, #tpu.memory_space<semaphore_mem>>)
      %dma_wait3A_165 = arith.constant 0 : i32
      %dma_wait3A_166 = tpu.memref_slice %arg4[%add3A_48, %dma_wait3A_165] : memref<40960x128xf32, #tpu.memory_space<hbm>> -> memref<128x128xf32, #tpu.memory_space<hbm>>
      %dma_wait3A_167 = arith.constant 0 : i32
      %dma_wait3A_168 = tpu.memref_slice %arg4[%add3A_48, %dma_wait3A_167] : memref<40960x128xf32, #tpu.memory_space<hbm>> -> memref<128x128xf32, #tpu.memory_space<hbm>>
      tpu.wait_dma2 semaphore(%run_scoped3A : memref<!tpu.dma_semaphore, #tpu.memory_space<semaphore_mem>>) src(%arg6 : memref<128x128xf32, #tpu.memory_space<vmem>>) dst(%dma_wait3A_168 : memref<128x128xf32, #tpu.memory_space<hbm>>)
      tpu.yield
    }) : () -> ()
    %dma_start3A_49 = arith.constant 3 : i32
    %dma_start3A_50 = arith.constant 0 : i32
    %dma_start3A_51 = tpu.memref_slice %arg5[%dma_start3A_49, %dma_start3A_50] : memref<10x128xi32, #tpu.memory_space<vmem>> -> memref<1x128xi32, #tpu.memory_space<vmem>>
    %dma_start3A_52 = tpu.memref_squeeze %dma_start3A_51 : memref<1x128xi32, #tpu.memory_space<vmem>> -> memref<128xi32, #tpu.memory_space<vmem>>
    %dma_start3A_53 = arith.constant 0 : i32
    %dma_start3A_54 = arith.constant 0 : i32
    %dma_start3A_55 = tpu.memref_slice %arg2[%dma_start3A_53, %dma_start3A_54] : memref<8192x128xf32, #tpu.memory_space<hbm>> -> memref<8192x128xf32, #tpu.memory_space<hbm>>
    tpu.enqueue_indirect_dma source(%dma_start3A_55 : memref<8192x128xf32, #tpu.memory_space<hbm>>) target(%arg6 : memref<128x128xf32, #tpu.memory_space<vmem>>) offsets(%dma_start3A_52 : memref<128xi32, #tpu.memory_space<vmem>>) semaphore(%arg7 : memref<!tpu.dma_semaphore, #tpu.memory_space<semaphore_mem>>)
    %dma_wait3A_56 = arith.constant 3 : i32
    %dma_wait3A_57 = arith.constant 0 : i32
    %dma_wait3A_58 = tpu.memref_slice %arg5[%dma_wait3A_56, %dma_wait3A_57] : memref<10x128xi32, #tpu.memory_space<vmem>> -> memref<1x128xi32, #tpu.memory_space<vmem>>
    %dma_wait3A_59 = tpu.memref_squeeze %dma_wait3A_58 : memref<1x128xi32, #tpu.memory_space<vmem>> -> memref<128xi32, #tpu.memory_space<vmem>>
    %dma_wait3A_60 = arith.constant 0 : i32
    %dma_wait3A_61 = arith.constant 0 : i32
    %dma_wait3A_62 = tpu.memref_slice %arg2[%dma_wait3A_60, %dma_wait3A_61] : memref<8192x128xf32, #tpu.memory_space<hbm>> -> memref<8192x128xf32, #tpu.memory_space<hbm>>
    tpu.wait_indirect_dma semaphore(%arg7 : memref<!tpu.dma_semaphore, #tpu.memory_space<semaphore_mem>>) src(%dma_wait3A_62 : memref<8192x128xf32, #tpu.memory_space<hbm>>) dst(%arg6 : memref<128x128xf32, #tpu.memory_space<vmem>>)
    %add3A_63 = arith.constant 384 : i32
    %add3A_64 = arith.addi %mul3A_2, %add3A_63 : i32
    "tpu.region"() ({
      %run_scoped3A = tpu.sem_alloc : memref<!tpu.dma_semaphore, #tpu.memory_space<semaphore_mem>>
      %dma_start3A_161 = arith.constant 0 : i32
      %dma_start3A_162 = tpu.memref_slice %arg4[%add3A_64, %dma_start3A_161] : memref<40960x128xf32, #tpu.memory_space<hbm>> -> memref<128x128xf32, #tpu.memory_space<hbm>>
      %dma_start3A_163 = arith.constant 0 : i32
      %dma_start3A_164 = tpu.memref_slice %arg4[%add3A_64, %dma_start3A_163] : memref<40960x128xf32, #tpu.memory_space<hbm>> -> memref<128x128xf32, #tpu.memory_space<hbm>>
      tpu.enqueue_dma source(%arg6 : memref<128x128xf32, #tpu.memory_space<vmem>>) target(%dma_start3A_164 : memref<128x128xf32, #tpu.memory_space<hbm>>) target_semaphore(%run_scoped3A : memref<!tpu.dma_semaphore, #tpu.memory_space<semaphore_mem>>)
      %dma_wait3A_165 = arith.constant 0 : i32
      %dma_wait3A_166 = tpu.memref_slice %arg4[%add3A_64, %dma_wait3A_165] : memref<40960x128xf32, #tpu.memory_space<hbm>> -> memref<128x128xf32, #tpu.memory_space<hbm>>
      %dma_wait3A_167 = arith.constant 0 : i32
      %dma_wait3A_168 = tpu.memref_slice %arg4[%add3A_64, %dma_wait3A_167] : memref<40960x128xf32, #tpu.memory_space<hbm>> -> memref<128x128xf32, #tpu.memory_space<hbm>>
      tpu.wait_dma2 semaphore(%run_scoped3A : memref<!tpu.dma_semaphore, #tpu.memory_space<semaphore_mem>>) src(%arg6 : memref<128x128xf32, #tpu.memory_space<vmem>>) dst(%dma_wait3A_168 : memref<128x128xf32, #tpu.memory_space<hbm>>)
      tpu.yield
    }) : () -> ()
    %dma_start3A_65 = arith.constant 4 : i32
    %dma_start3A_66 = arith.constant 0 : i32
    %dma_start3A_67 = tpu.memref_slice %arg5[%dma_start3A_65, %dma_start3A_66] : memref<10x128xi32, #tpu.memory_space<vmem>> -> memref<1x128xi32, #tpu.memory_space<vmem>>
    %dma_start3A_68 = tpu.memref_squeeze %dma_start3A_67 : memref<1x128xi32, #tpu.memory_space<vmem>> -> memref<128xi32, #tpu.memory_space<vmem>>
    %dma_start3A_69 = arith.constant 0 : i32
    %dma_start3A_70 = arith.constant 0 : i32
    %dma_start3A_71 = tpu.memref_slice %arg2[%dma_start3A_69, %dma_start3A_70] : memref<8192x128xf32, #tpu.memory_space<hbm>> -> memref<8192x128xf32, #tpu.memory_space<hbm>>
    tpu.enqueue_indirect_dma source(%dma_start3A_71 : memref<8192x128xf32, #tpu.memory_space<hbm>>) target(%arg6 : memref<128x128xf32, #tpu.memory_space<vmem>>) offsets(%dma_start3A_68 : memref<128xi32, #tpu.memory_space<vmem>>) semaphore(%arg7 : memref<!tpu.dma_semaphore, #tpu.memory_space<semaphore_mem>>)
    %dma_wait3A_72 = arith.constant 4 : i32
    %dma_wait3A_73 = arith.constant 0 : i32
    %dma_wait3A_74 = tpu.memref_slice %arg5[%dma_wait3A_72, %dma_wait3A_73] : memref<10x128xi32, #tpu.memory_space<vmem>> -> memref<1x128xi32, #tpu.memory_space<vmem>>
    %dma_wait3A_75 = tpu.memref_squeeze %dma_wait3A_74 : memref<1x128xi32, #tpu.memory_space<vmem>> -> memref<128xi32, #tpu.memory_space<vmem>>
    %dma_wait3A_76 = arith.constant 0 : i32
    %dma_wait3A_77 = arith.constant 0 : i32
    %dma_wait3A_78 = tpu.memref_slice %arg2[%dma_wait3A_76, %dma_wait3A_77] : memref<8192x128xf32, #tpu.memory_space<hbm>> -> memref<8192x128xf32, #tpu.memory_space<hbm>>
    tpu.wait_indirect_dma semaphore(%arg7 : memref<!tpu.dma_semaphore, #tpu.memory_space<semaphore_mem>>) src(%dma_wait3A_78 : memref<8192x128xf32, #tpu.memory_space<hbm>>) dst(%arg6 : memref<128x128xf32, #tpu.memory_space<vmem>>)
    %add3A_79 = arith.constant 512 : i32
    %add3A_80 = arith.addi %mul3A_2, %add3A_79 : i32
    "tpu.region"() ({
      %run_scoped3A = tpu.sem_alloc : memref<!tpu.dma_semaphore, #tpu.memory_space<semaphore_mem>>
      %dma_start3A_161 = arith.constant 0 : i32
      %dma_start3A_162 = tpu.memref_slice %arg4[%add3A_80, %dma_start3A_161] : memref<40960x128xf32, #tpu.memory_space<hbm>> -> memref<128x128xf32, #tpu.memory_space<hbm>>
      %dma_start3A_163 = arith.constant 0 : i32
      %dma_start3A_164 = tpu.memref_slice %arg4[%add3A_80, %dma_start3A_163] : memref<40960x128xf32, #tpu.memory_space<hbm>> -> memref<128x128xf32, #tpu.memory_space<hbm>>
      tpu.enqueue_dma source(%arg6 : memref<128x128xf32, #tpu.memory_space<vmem>>) target(%dma_start3A_164 : memref<128x128xf32, #tpu.memory_space<hbm>>) target_semaphore(%run_scoped3A : memref<!tpu.dma_semaphore, #tpu.memory_space<semaphore_mem>>)
      %dma_wait3A_165 = arith.constant 0 : i32
      %dma_wait3A_166 = tpu.memref_slice %arg4[%add3A_80, %dma_wait3A_165] : memref<40960x128xf32, #tpu.memory_space<hbm>> -> memref<128x128xf32, #tpu.memory_space<hbm>>
      %dma_wait3A_167 = arith.constant 0 : i32
      %dma_wait3A_168 = tpu.memref_slice %arg4[%add3A_80, %dma_wait3A_167] : memref<40960x128xf32, #tpu.memory_space<hbm>> -> memref<128x128xf32, #tpu.memory_space<hbm>>
      tpu.wait_dma2 semaphore(%run_scoped3A : memref<!tpu.dma_semaphore, #tpu.memory_space<semaphore_mem>>) src(%arg6 : memref<128x128xf32, #tpu.memory_space<vmem>>) dst(%dma_wait3A_168 : memref<128x128xf32, #tpu.memory_space<hbm>>)
      tpu.yield
    }) : () -> ()
    %dma_start3A_81 = arith.constant 5 : i32
    %dma_start3A_82 = arith.constant 0 : i32
    %dma_start3A_83 = tpu.memref_slice %arg5[%dma_start3A_81, %dma_start3A_82] : memref<10x128xi32, #tpu.memory_space<vmem>> -> memref<1x128xi32, #tpu.memory_space<vmem>>
    %dma_start3A_84 = tpu.memref_squeeze %dma_start3A_83 : memref<1x128xi32, #tpu.memory_space<vmem>> -> memref<128xi32, #tpu.memory_space<vmem>>
    %dma_start3A_85 = arith.constant 0 : i32
    %dma_start3A_86 = arith.constant 0 : i32
    %dma_start3A_87 = tpu.memref_slice %arg2[%dma_start3A_85, %dma_start3A_86] : memref<8192x128xf32, #tpu.memory_space<hbm>> -> memref<8192x128xf32, #tpu.memory_space<hbm>>
    tpu.enqueue_indirect_dma source(%dma_start3A_87 : memref<8192x128xf32, #tpu.memory_space<hbm>>) target(%arg6 : memref<128x128xf32, #tpu.memory_space<vmem>>) offsets(%dma_start3A_84 : memref<128xi32, #tpu.memory_space<vmem>>) semaphore(%arg7 : memref<!tpu.dma_semaphore, #tpu.memory_space<semaphore_mem>>)
    %dma_wait3A_88 = arith.constant 5 : i32
    %dma_wait3A_89 = arith.constant 0 : i32
    %dma_wait3A_90 = tpu.memref_slice %arg5[%dma_wait3A_88, %dma_wait3A_89] : memref<10x128xi32, #tpu.memory_space<vmem>> -> memref<1x128xi32, #tpu.memory_space<vmem>>
    %dma_wait3A_91 = tpu.memref_squeeze %dma_wait3A_90 : memref<1x128xi32, #tpu.memory_space<vmem>> -> memref<128xi32, #tpu.memory_space<vmem>>
    %dma_wait3A_92 = arith.constant 0 : i32
    %dma_wait3A_93 = arith.constant 0 : i32
    %dma_wait3A_94 = tpu.memref_slice %arg2[%dma_wait3A_92, %dma_wait3A_93] : memref<8192x128xf32, #tpu.memory_space<hbm>> -> memref<8192x128xf32, #tpu.memory_space<hbm>>
    tpu.wait_indirect_dma semaphore(%arg7 : memref<!tpu.dma_semaphore, #tpu.memory_space<semaphore_mem>>) src(%dma_wait3A_94 : memref<8192x128xf32, #tpu.memory_space<hbm>>) dst(%arg6 : memref<128x128xf32, #tpu.memory_space<vmem>>)
    %add3A_95 = arith.constant 640 : i32
    %add3A_96 = arith.addi %mul3A_2, %add3A_95 : i32
    "tpu.region"() ({
      %run_scoped3A = tpu.sem_alloc : memref<!tpu.dma_semaphore, #tpu.memory_space<semaphore_mem>>
      %dma_start3A_161 = arith.constant 0 : i32
      %dma_start3A_162 = tpu.memref_slice %arg4[%add3A_96, %dma_start3A_161] : memref<40960x128xf32, #tpu.memory_space<hbm>> -> memref<128x128xf32, #tpu.memory_space<hbm>>
      %dma_start3A_163 = arith.constant 0 : i32
      %dma_start3A_164 = tpu.memref_slice %arg4[%add3A_96, %dma_start3A_163] : memref<40960x128xf32, #tpu.memory_space<hbm>> -> memref<128x128xf32, #tpu.memory_space<hbm>>
      tpu.enqueue_dma source(%arg6 : memref<128x128xf32, #tpu.memory_space<vmem>>) target(%dma_start3A_164 : memref<128x128xf32, #tpu.memory_space<hbm>>) target_semaphore(%run_scoped3A : memref<!tpu.dma_semaphore, #tpu.memory_space<semaphore_mem>>)
      %dma_wait3A_165 = arith.constant 0 : i32
      %dma_wait3A_166 = tpu.memref_slice %arg4[%add3A_96, %dma_wait3A_165] : memref<40960x128xf32, #tpu.memory_space<hbm>> -> memref<128x128xf32, #tpu.memory_space<hbm>>
      %dma_wait3A_167 = arith.constant 0 : i32
      %dma_wait3A_168 = tpu.memref_slice %arg4[%add3A_96, %dma_wait3A_167] : memref<40960x128xf32, #tpu.memory_space<hbm>> -> memref<128x128xf32, #tpu.memory_space<hbm>>
      tpu.wait_dma2 semaphore(%run_scoped3A : memref<!tpu.dma_semaphore, #tpu.memory_space<semaphore_mem>>) src(%arg6 : memref<128x128xf32, #tpu.memory_space<vmem>>) dst(%dma_wait3A_168 : memref<128x128xf32, #tpu.memory_space<hbm>>)
      tpu.yield
    }) : () -> ()
    %dma_start3A_97 = arith.constant 6 : i32
    %dma_start3A_98 = arith.constant 0 : i32
    %dma_start3A_99 = tpu.memref_slice %arg5[%dma_start3A_97, %dma_start3A_98] : memref<10x128xi32, #tpu.memory_space<vmem>> -> memref<1x128xi32, #tpu.memory_space<vmem>>
    %dma_start3A_100 = tpu.memref_squeeze %dma_start3A_99 : memref<1x128xi32, #tpu.memory_space<vmem>> -> memref<128xi32, #tpu.memory_space<vmem>>
    %dma_start3A_101 = arith.constant 0 : i32
    %dma_start3A_102 = arith.constant 0 : i32
    %dma_start3A_103 = tpu.memref_slice %arg2[%dma_start3A_101, %dma_start3A_102] : memref<8192x128xf32, #tpu.memory_space<hbm>> -> memref<8192x128xf32, #tpu.memory_space<hbm>>
    tpu.enqueue_indirect_dma source(%dma_start3A_103 : memref<8192x128xf32, #tpu.memory_space<hbm>>) target(%arg6 : memref<128x128xf32, #tpu.memory_space<vmem>>) offsets(%dma_start3A_100 : memref<128xi32, #tpu.memory_space<vmem>>) semaphore(%arg7 : memref<!tpu.dma_semaphore, #tpu.memory_space<semaphore_mem>>)
    %dma_wait3A_104 = arith.constant 6 : i32
    %dma_wait3A_105 = arith.constant 0 : i32
    %dma_wait3A_106 = tpu.memref_slice %arg5[%dma_wait3A_104, %dma_wait3A_105] : memref<10x128xi32, #tpu.memory_space<vmem>> -> memref<1x128xi32, #tpu.memory_space<vmem>>
    %dma_wait3A_107 = tpu.memref_squeeze %dma_wait3A_106 : memref<1x128xi32, #tpu.memory_space<vmem>> -> memref<128xi32, #tpu.memory_space<vmem>>
    %dma_wait3A_108 = arith.constant 0 : i32
    %dma_wait3A_109 = arith.constant 0 : i32
    %dma_wait3A_110 = tpu.memref_slice %arg2[%dma_wait3A_108, %dma_wait3A_109] : memref<8192x128xf32, #tpu.memory_space<hbm>> -> memref<8192x128xf32, #tpu.memory_space<hbm>>
    tpu.wait_indirect_dma semaphore(%arg7 : memref<!tpu.dma_semaphore, #tpu.memory_space<semaphore_mem>>) src(%dma_wait3A_110 : memref<8192x128xf32, #tpu.memory_space<hbm>>) dst(%arg6 : memref<128x128xf32, #tpu.memory_space<vmem>>)
    %add3A_111 = arith.constant 768 : i32
    %add3A_112 = arith.addi %mul3A_2, %add3A_111 : i32
    "tpu.region"() ({
      %run_scoped3A = tpu.sem_alloc : memref<!tpu.dma_semaphore, #tpu.memory_space<semaphore_mem>>
      %dma_start3A_161 = arith.constant 0 : i32
      %dma_start3A_162 = tpu.memref_slice %arg4[%add3A_112, %dma_start3A_161] : memref<40960x128xf32, #tpu.memory_space<hbm>> -> memref<128x128xf32, #tpu.memory_space<hbm>>
      %dma_start3A_163 = arith.constant 0 : i32
      %dma_start3A_164 = tpu.memref_slice %arg4[%add3A_112, %dma_start3A_163] : memref<40960x128xf32, #tpu.memory_space<hbm>> -> memref<128x128xf32, #tpu.memory_space<hbm>>
      tpu.enqueue_dma source(%arg6 : memref<128x128xf32, #tpu.memory_space<vmem>>) target(%dma_start3A_164 : memref<128x128xf32, #tpu.memory_space<hbm>>) target_semaphore(%run_scoped3A : memref<!tpu.dma_semaphore, #tpu.memory_space<semaphore_mem>>)
      %dma_wait3A_165 = arith.constant 0 : i32
      %dma_wait3A_166 = tpu.memref_slice %arg4[%add3A_112, %dma_wait3A_165] : memref<40960x128xf32, #tpu.memory_space<hbm>> -> memref<128x128xf32, #tpu.memory_space<hbm>>
      %dma_wait3A_167 = arith.constant 0 : i32
      %dma_wait3A_168 = tpu.memref_slice %arg4[%add3A_112, %dma_wait3A_167] : memref<40960x128xf32, #tpu.memory_space<hbm>> -> memref<128x128xf32, #tpu.memory_space<hbm>>
      tpu.wait_dma2 semaphore(%run_scoped3A : memref<!tpu.dma_semaphore, #tpu.memory_space<semaphore_mem>>) src(%arg6 : memref<128x128xf32, #tpu.memory_space<vmem>>) dst(%dma_wait3A_168 : memref<128x128xf32, #tpu.memory_space<hbm>>)
      tpu.yield
    }) : () -> ()
    %dma_start3A_113 = arith.constant 7 : i32
    %dma_start3A_114 = arith.constant 0 : i32
    %dma_start3A_115 = tpu.memref_slice %arg5[%dma_start3A_113, %dma_start3A_114] : memref<10x128xi32, #tpu.memory_space<vmem>> -> memref<1x128xi32, #tpu.memory_space<vmem>>
    %dma_start3A_116 = tpu.memref_squeeze %dma_start3A_115 : memref<1x128xi32, #tpu.memory_space<vmem>> -> memref<128xi32, #tpu.memory_space<vmem>>
    %dma_start3A_117 = arith.constant 0 : i32
    %dma_start3A_118 = arith.constant 0 : i32
    %dma_start3A_119 = tpu.memref_slice %arg2[%dma_start3A_117, %dma_start3A_118] : memref<8192x128xf32, #tpu.memory_space<hbm>> -> memref<8192x128xf32, #tpu.memory_space<hbm>>
    tpu.enqueue_indirect_dma source(%dma_start3A_119 : memref<8192x128xf32, #tpu.memory_space<hbm>>) target(%arg6 : memref<128x128xf32, #tpu.memory_space<vmem>>) offsets(%dma_start3A_116 : memref<128xi32, #tpu.memory_space<vmem>>) semaphore(%arg7 : memref<!tpu.dma_semaphore, #tpu.memory_space<semaphore_mem>>)
    %dma_wait3A_120 = arith.constant 7 : i32
    %dma_wait3A_121 = arith.constant 0 : i32
    %dma_wait3A_122 = tpu.memref_slice %arg5[%dma_wait3A_120, %dma_wait3A_121] : memref<10x128xi32, #tpu.memory_space<vmem>> -> memref<1x128xi32, #tpu.memory_space<vmem>>
    %dma_wait3A_123 = tpu.memref_squeeze %dma_wait3A_122 : memref<1x128xi32, #tpu.memory_space<vmem>> -> memref<128xi32, #tpu.memory_space<vmem>>
    %dma_wait3A_124 = arith.constant 0 : i32
    %dma_wait3A_125 = arith.constant 0 : i32
    %dma_wait3A_126 = tpu.memref_slice %arg2[%dma_wait3A_124, %dma_wait3A_125] : memref<8192x128xf32, #tpu.memory_space<hbm>> -> memref<8192x128xf32, #tpu.memory_space<hbm>>
    tpu.wait_indirect_dma semaphore(%arg7 : memref<!tpu.dma_semaphore, #tpu.memory_space<semaphore_mem>>) src(%dma_wait3A_126 : memref<8192x128xf32, #tpu.memory_space<hbm>>) dst(%arg6 : memref<128x128xf32, #tpu.memory_space<vmem>>)
    %add3A_127 = arith.constant 896 : i32
    %add3A_128 = arith.addi %mul3A_2, %add3A_127 : i32
    "tpu.region"() ({
      %run_scoped3A = tpu.sem_alloc : memref<!tpu.dma_semaphore, #tpu.memory_space<semaphore_mem>>
      %dma_start3A_161 = arith.constant 0 : i32
      %dma_start3A_162 = tpu.memref_slice %arg4[%add3A_128, %dma_start3A_161] : memref<40960x128xf32, #tpu.memory_space<hbm>> -> memref<128x128xf32, #tpu.memory_space<hbm>>
      %dma_start3A_163 = arith.constant 0 : i32
      %dma_start3A_164 = tpu.memref_slice %arg4[%add3A_128, %dma_start3A_163] : memref<40960x128xf32, #tpu.memory_space<hbm>> -> memref<128x128xf32, #tpu.memory_space<hbm>>
      tpu.enqueue_dma source(%arg6 : memref<128x128xf32, #tpu.memory_space<vmem>>) target(%dma_start3A_164 : memref<128x128xf32, #tpu.memory_space<hbm>>) target_semaphore(%run_scoped3A : memref<!tpu.dma_semaphore, #tpu.memory_space<semaphore_mem>>)
      %dma_wait3A_165 = arith.constant 0 : i32
      %dma_wait3A_166 = tpu.memref_slice %arg4[%add3A_128, %dma_wait3A_165] : memref<40960x128xf32, #tpu.memory_space<hbm>> -> memref<128x128xf32, #tpu.memory_space<hbm>>
      %dma_wait3A_167 = arith.constant 0 : i32
      %dma_wait3A_168 = tpu.memref_slice %arg4[%add3A_128, %dma_wait3A_167] : memref<40960x128xf32, #tpu.memory_space<hbm>> -> memref<128x128xf32, #tpu.memory_space<hbm>>
      tpu.wait_dma2 semaphore(%run_scoped3A : memref<!tpu.dma_semaphore, #tpu.memory_space<semaphore_mem>>) src(%arg6 : memref<128x128xf32, #tpu.memory_space<vmem>>) dst(%dma_wait3A_168 : memref<128x128xf32, #tpu.memory_space<hbm>>)
      tpu.yield
    }) : () -> ()
    %dma_start3A_129 = arith.constant 8 : i32
    %dma_start3A_130 = arith.constant 0 : i32
    %dma_start3A_131 = tpu.memref_slice %arg5[%dma_start3A_129, %dma_start3A_130] : memref<10x128xi32, #tpu.memory_space<vmem>> -> memref<1x128xi32, #tpu.memory_space<vmem>>
    %dma_start3A_132 = tpu.memref_squeeze %dma_start3A_131 : memref<1x128xi32, #tpu.memory_space<vmem>> -> memref<128xi32, #tpu.memory_space<vmem>>
    %dma_start3A_133 = arith.constant 0 : i32
    %dma_start3A_134 = arith.constant 0 : i32
    %dma_start3A_135 = tpu.memref_slice %arg2[%dma_start3A_133, %dma_start3A_134] : memref<8192x128xf32, #tpu.memory_space<hbm>> -> memref<8192x128xf32, #tpu.memory_space<hbm>>
    tpu.enqueue_indirect_dma source(%dma_start3A_135 : memref<8192x128xf32, #tpu.memory_space<hbm>>) target(%arg6 : memref<128x128xf32, #tpu.memory_space<vmem>>) offsets(%dma_start3A_132 : memref<128xi32, #tpu.memory_space<vmem>>) semaphore(%arg7 : memref<!tpu.dma_semaphore, #tpu.memory_space<semaphore_mem>>)
    %dma_wait3A_136 = arith.constant 8 : i32
    %dma_wait3A_137 = arith.constant 0 : i32
    %dma_wait3A_138 = tpu.memref_slice %arg5[%dma_wait3A_136, %dma_wait3A_137] : memref<10x128xi32, #tpu.memory_space<vmem>> -> memref<1x128xi32, #tpu.memory_space<vmem>>
    %dma_wait3A_139 = tpu.memref_squeeze %dma_wait3A_138 : memref<1x128xi32, #tpu.memory_space<vmem>> -> memref<128xi32, #tpu.memory_space<vmem>>
    %dma_wait3A_140 = arith.constant 0 : i32
    %dma_wait3A_141 = arith.constant 0 : i32
    %dma_wait3A_142 = tpu.memref_slice %arg2[%dma_wait3A_140, %dma_wait3A_141] : memref<8192x128xf32, #tpu.memory_space<hbm>> -> memref<8192x128xf32, #tpu.memory_space<hbm>>
    tpu.wait_indirect_dma semaphore(%arg7 : memref<!tpu.dma_semaphore, #tpu.memory_space<semaphore_mem>>) src(%dma_wait3A_142 : memref<8192x128xf32, #tpu.memory_space<hbm>>) dst(%arg6 : memref<128x128xf32, #tpu.memory_space<vmem>>)
    %add3A_143 = arith.constant 1024 : i32
    %add3A_144 = arith.addi %mul3A_2, %add3A_143 : i32
    "tpu.region"() ({
      %run_scoped3A = tpu.sem_alloc : memref<!tpu.dma_semaphore, #tpu.memory_space<semaphore_mem>>
      %dma_start3A_161 = arith.constant 0 : i32
      %dma_start3A_162 = tpu.memref_slice %arg4[%add3A_144, %dma_start3A_161] : memref<40960x128xf32, #tpu.memory_space<hbm>> -> memref<128x128xf32, #tpu.memory_space<hbm>>
      %dma_start3A_163 = arith.constant 0 : i32
      %dma_start3A_164 = tpu.memref_slice %arg4[%add3A_144, %dma_start3A_163] : memref<40960x128xf32, #tpu.memory_space<hbm>> -> memref<128x128xf32, #tpu.memory_space<hbm>>
      tpu.enqueue_dma source(%arg6 : memref<128x128xf32, #tpu.memory_space<vmem>>) target(%dma_start3A_164 : memref<128x128xf32, #tpu.memory_space<hbm>>) target_semaphore(%run_scoped3A : memref<!tpu.dma_semaphore, #tpu.memory_space<semaphore_mem>>)
      %dma_wait3A_165 = arith.constant 0 : i32
      %dma_wait3A_166 = tpu.memref_slice %arg4[%add3A_144, %dma_wait3A_165] : memref<40960x128xf32, #tpu.memory_space<hbm>> -> memref<128x128xf32, #tpu.memory_space<hbm>>
      %dma_wait3A_167 = arith.constant 0 : i32
      %dma_wait3A_168 = tpu.memref_slice %arg4[%add3A_144, %dma_wait3A_167] : memref<40960x128xf32, #tpu.memory_space<hbm>> -> memref<128x128xf32, #tpu.memory_space<hbm>>
      tpu.wait_dma2 semaphore(%run_scoped3A : memref<!tpu.dma_semaphore, #tpu.memory_space<semaphore_mem>>) src(%arg6 : memref<128x128xf32, #tpu.memory_space<vmem>>) dst(%dma_wait3A_168 : memref<128x128xf32, #tpu.memory_space<hbm>>)
      tpu.yield
    }) : () -> ()
    %dma_start3A_145 = arith.constant 9 : i32
    %dma_start3A_146 = arith.constant 0 : i32
    %dma_start3A_147 = tpu.memref_slice %arg5[%dma_start3A_145, %dma_start3A_146] : memref<10x128xi32, #tpu.memory_space<vmem>> -> memref<1x128xi32, #tpu.memory_space<vmem>>
    %dma_start3A_148 = tpu.memref_squeeze %dma_start3A_147 : memref<1x128xi32, #tpu.memory_space<vmem>> -> memref<128xi32, #tpu.memory_space<vmem>>
    %dma_start3A_149 = arith.constant 0 : i32
    %dma_start3A_150 = arith.constant 0 : i32
    %dma_start3A_151 = tpu.memref_slice %arg2[%dma_start3A_149, %dma_start3A_150] : memref<8192x128xf32, #tpu.memory_space<hbm>> -> memref<8192x128xf32, #tpu.memory_space<hbm>>
    tpu.enqueue_indirect_dma source(%dma_start3A_151 : memref<8192x128xf32, #tpu.memory_space<hbm>>) target(%arg6 : memref<128x128xf32, #tpu.memory_space<vmem>>) offsets(%dma_start3A_148 : memref<128xi32, #tpu.memory_space<vmem>>) semaphore(%arg7 : memref<!tpu.dma_semaphore, #tpu.memory_space<semaphore_mem>>)
    %dma_wait3A_152 = arith.constant 9 : i32
    %dma_wait3A_153 = arith.constant 0 : i32
    %dma_wait3A_154 = tpu.memref_slice %arg5[%dma_wait3A_152, %dma_wait3A_153] : memref<10x128xi32, #tpu.memory_space<vmem>> -> memref<1x128xi32, #tpu.memory_space<vmem>>
    %dma_wait3A_155 = tpu.memref_squeeze %dma_wait3A_154 : memref<1x128xi32, #tpu.memory_space<vmem>> -> memref<128xi32, #tpu.memory_space<vmem>>
    %dma_wait3A_156 = arith.constant 0 : i32
    %dma_wait3A_157 = arith.constant 0 : i32
    %dma_wait3A_158 = tpu.memref_slice %arg2[%dma_wait3A_156, %dma_wait3A_157] : memref<8192x128xf32, #tpu.memory_space<hbm>> -> memref<8192x128xf32, #tpu.memory_space<hbm>>
    tpu.wait_indirect_dma semaphore(%arg7 : memref<!tpu.dma_semaphore, #tpu.memory_space<semaphore_mem>>) src(%dma_wait3A_158 : memref<8192x128xf32, #tpu.memory_space<hbm>>) dst(%arg6 : memref<128x128xf32, #tpu.memory_space<vmem>>)
    %add3A_159 = arith.constant 1152 : i32
    %add3A_160 = arith.addi %mul3A_2, %add3A_159 : i32
    "tpu.region"() ({
      %run_scoped3A = tpu.sem_alloc : memref<!tpu.dma_semaphore, #tpu.memory_space<semaphore_mem>>
      %dma_start3A_161 = arith.constant 0 : i32
      %dma_start3A_162 = tpu.memref_slice %arg4[%add3A_160, %dma_start3A_161] : memref<40960x128xf32, #tpu.memory_space<hbm>> -> memref<128x128xf32, #tpu.memory_space<hbm>>
      %dma_start3A_163 = arith.constant 0 : i32
      %dma_start3A_164 = tpu.memref_slice %arg4[%add3A_160, %dma_start3A_163] : memref<40960x128xf32, #tpu.memory_space<hbm>> -> memref<128x128xf32, #tpu.memory_space<hbm>>
      tpu.enqueue_dma source(%arg6 : memref<128x128xf32, #tpu.memory_space<vmem>>) target(%dma_start3A_164 : memref<128x128xf32, #tpu.memory_space<hbm>>) target_semaphore(%run_scoped3A : memref<!tpu.dma_semaphore, #tpu.memory_space<semaphore_mem>>)
      %dma_wait3A_165 = arith.constant 0 : i32
      %dma_wait3A_166 = tpu.memref_slice %arg4[%add3A_160, %dma_wait3A_165] : memref<40960x128xf32, #tpu.memory_space<hbm>> -> memref<128x128xf32, #tpu.memory_space<hbm>>
      %dma_wait3A_167 = arith.constant 0 : i32
      %dma_wait3A_168 = tpu.memref_slice %arg4[%add3A_160, %dma_wait3A_167] : memref<40960x128xf32, #tpu.memory_space<hbm>> -> memref<128x128xf32, #tpu.memory_space<hbm>>
      tpu.wait_dma2 semaphore(%run_scoped3A : memref<!tpu.dma_semaphore, #tpu.memory_space<semaphore_mem>>) src(%arg6 : memref<128x128xf32, #tpu.memory_space<vmem>>) dst(%dma_wait3A_168 : memref<128x128xf32, #tpu.memory_space<hbm>>)
      tpu.yield
    }) : () -> ()
    return
  }
}

#map = affine_map<(d0, d1) -> (0, 0)>
#map1 = affine_map<(d0, d1) -> (0, 0, 0)>
module attributes {stable_mosaic.version = 14 : i64} {
  func.func @k(%arg0: i32, %arg1: i32, %arg2: memref<8192x128xf32, #tpu.memory_space<hbm>>, %arg3: memref<32x10x128xi32, #tpu.memory_space<hbm>>, %arg4: memref<40960x128xf32, #tpu.memory_space<hbm>>, %arg5: memref<10x128xi32, #tpu.memory_space<vmem>>, %arg6: memref<128x128xf32, #tpu.memory_space<vmem>>, %arg7: memref<!tpu.dma_semaphore, #tpu.memory_space<semaphore_mem>>) attributes {dimension_semantics = [#tpu.dimension_semantics<core_parallel>, #tpu.dimension_semantics<subcore_parallel>], iteration_bounds = array<i64: 2, 16>, scalar_prefetch = 0 : i64, scratch_operands = 3 : i64, tpu.core_type = #tpu.core_type<sc_vector_subcore>, window_params = [{transform_indices = #map}, {transform_indices = #map1}, {transform_indices = #map}]} {
    %mul3A = arith.constant 2 : i32
    %mul3A_0 = arith.muli %arg1, %mul3A : i32
    %add3A = arith.addi %mul3A_0, %arg0 : i32
    %mul3A_1 = arith.constant 1280 : i32
    %mul3A_2 = arith.muli %add3A, %mul3A_1 : i32
    "tpu.region"() ({
      %run_scoped3A = tpu.sem_alloc : memref<!tpu.dma_semaphore, #tpu.memory_space<semaphore_mem>>
      %dma_start3A_161 = arith.constant 0 : i32
      %dma_start3A_162 = arith.constant 0 : i32
      %dma_start3A_163 = tpu.memref_slice %arg3[%add3A, %dma_start3A_161, %dma_start3A_162] : memref<32x10x128xi32, #tpu.memory_space<hbm>> -> memref<1x10x128xi32, #tpu.memory_space<hbm>>
      %dma_start3A_164 = tpu.memref_squeeze %dma_start3A_163 : memref<1x10x128xi32, #tpu.memory_space<hbm>> -> memref<10x128xi32, #tpu.memory_space<hbm>>
      %dma_start3A_165 = arith.constant 0 : i32
      %dma_start3A_166 = arith.constant 0 : i32
      %dma_start3A_167 = tpu.memref_slice %arg3[%add3A, %dma_start3A_165, %dma_start3A_166] : memref<32x10x128xi32, #tpu.memory_space<hbm>> -> memref<1x10x128xi32, #tpu.memory_space<hbm>>
      %dma_start3A_168 = tpu.memref_squeeze %dma_start3A_167 : memref<1x10x128xi32, #tpu.memory_space<hbm>> -> memref<10x128xi32, #tpu.memory_space<hbm>>
      tpu.enqueue_dma source(%dma_start3A_168 : memref<10x128xi32, #tpu.memory_space<hbm>>) target(%arg5 : memref<10x128xi32, #tpu.memory_space<vmem>>) target_semaphore(%run_scoped3A : memref<!tpu.dma_semaphore, #tpu.memory_space<semaphore_mem>>)
      %dma_wait3A_169 = arith.constant 0 : i32
      %dma_wait3A_170 = arith.constant 0 : i32
      %dma_wait3A_171 = tpu.memref_slice %arg3[%add3A, %dma_wait3A_169, %dma_wait3A_170] : memref<32x10x128xi32, #tpu.memory_space<hbm>> -> memref<1x10x128xi32, #tpu.memory_space<hbm>>
      %dma_wait3A_172 = tpu.memref_squeeze %dma_wait3A_171 : memref<1x10x128xi32, #tpu.memory_space<hbm>> -> memref<10x128xi32, #tpu.memory_space<hbm>>
      %dma_wait3A_173 = arith.constant 0 : i32
      %dma_wait3A_174 = arith.constant 0 : i32
      %dma_wait3A_175 = tpu.memref_slice %arg3[%add3A, %dma_wait3A_173, %dma_wait3A_174] : memref<32x10x128xi32, #tpu.memory_space<hbm>> -> memref<1x10x128xi32, #tpu.memory_space<hbm>>
      %dma_wait3A_176 = tpu.memref_squeeze %dma_wait3A_175 : memref<1x10x128xi32, #tpu.memory_space<hbm>> -> memref<10x128xi32, #tpu.memory_space<hbm>>
      tpu.wait_dma2 semaphore(%run_scoped3A : memref<!tpu.dma_semaphore, #tpu.memory_space<semaphore_mem>>) src(%dma_wait3A_176 : memref<10x128xi32, #tpu.memory_space<hbm>>) dst(%arg5 : memref<10x128xi32, #tpu.memory_space<vmem>>)
      tpu.yield
    }) : () -> ()
    %dma_start3A = arith.constant 0 : i32
    %dma_start3A_3 = arith.constant 0 : i32
    %dma_start3A_4 = tpu.memref_slice %arg5[%dma_start3A, %dma_start3A_3] : memref<10x128xi32, #tpu.memory_space<vmem>> -> memref<1x128xi32, #tpu.memory_space<vmem>>
    %dma_start3A_5 = tpu.memref_squeeze %dma_start3A_4 : memref<1x128xi32, #tpu.memory_space<vmem>> -> memref<128xi32, #tpu.memory_space<vmem>>
    %dma_start3A_6 = arith.constant 0 : i32
    %dma_start3A_7 = arith.constant 0 : i32
    %dma_start3A_8 = tpu.memref_slice %arg2[%dma_start3A_6, %dma_start3A_7] : memref<8192x128xf32, #tpu.memory_space<hbm>> -> memref<8192x128xf32, #tpu.memory_space<hbm>>
    tpu.enqueue_indirect_dma source(%dma_start3A_8 : memref<8192x128xf32, #tpu.memory_space<hbm>>) target(%arg6 : memref<128x128xf32, #tpu.memory_space<vmem>>) offsets(%dma_start3A_5 : memref<128xi32, #tpu.memory_space<vmem>>) semaphore(%arg7 : memref<!tpu.dma_semaphore, #tpu.memory_space<semaphore_mem>>)
    %dma_wait3A = arith.constant 0 : i32
    %dma_wait3A_9 = arith.constant 0 : i32
    %dma_wait3A_10 = tpu.memref_slice %arg5[%dma_wait3A, %dma_wait3A_9] : memref<10x128xi32, #tpu.memory_space<vmem>> -> memref<1x128xi32, #tpu.memory_space<vmem>>
    %dma_wait3A_11 = tpu.memref_squeeze %dma_wait3A_10 : memref<1x128xi32, #tpu.memory_space<vmem>> -> memref<128xi32, #tpu.memory_space<vmem>>
    %dma_wait3A_12 = arith.constant 0 : i32
    %dma_wait3A_13 = arith.constant 0 : i32
    %dma_wait3A_14 = tpu.memref_slice %arg2[%dma_wait3A_12, %dma_wait3A_13] : memref<8192x128xf32, #tpu.memory_space<hbm>> -> memref<8192x128xf32, #tpu.memory_space<hbm>>
    tpu.wait_indirect_dma semaphore(%arg7 : memref<!tpu.dma_semaphore, #tpu.memory_space<semaphore_mem>>) src(%dma_wait3A_14 : memref<8192x128xf32, #tpu.memory_space<hbm>>) dst(%arg6 : memref<128x128xf32, #tpu.memory_space<vmem>>)
    %add3A_15 = arith.constant 0 : i32
    %add3A_16 = arith.addi %mul3A_2, %add3A_15 : i32
    "tpu.region"() ({
      %run_scoped3A = tpu.sem_alloc : memref<!tpu.dma_semaphore, #tpu.memory_space<semaphore_mem>>
      %dma_start3A_161 = arith.constant 0 : i32
      %dma_start3A_162 = tpu.memref_slice %arg4[%add3A_16, %dma_start3A_161] : memref<40960x128xf32, #tpu.memory_space<hbm>> -> memref<128x128xf32, #tpu.memory_space<hbm>>
      %dma_start3A_163 = arith.constant 0 : i32
      %dma_start3A_164 = tpu.memref_slice %arg4[%add3A_16, %dma_start3A_163] : memref<40960x128xf32, #tpu.memory_space<hbm>> -> memref<128x128xf32, #tpu.memory_space<hbm>>
      tpu.enqueue_dma source(%arg6 : memref<128x128xf32, #tpu.memory_space<vmem>>) target(%dma_start3A_164 : memref<128x128xf32, #tpu.memory_space<hbm>>) target_semaphore(%run_scoped3A : memref<!tpu.dma_semaphore, #tpu.memory_space<semaphore_mem>>)
      %dma_wait3A_165 = arith.constant 0 : i32
      %dma_wait3A_166 = tpu.memref_slice %arg4[%add3A_16, %dma_wait3A_165] : memref<40960x128xf32, #tpu.memory_space<hbm>> -> memref<128x128xf32, #tpu.memory_space<hbm>>
      %dma_wait3A_167 = arith.constant 0 : i32
      %dma_wait3A_168 = tpu.memref_slice %arg4[%add3A_16, %dma_wait3A_167] : memref<40960x128xf32, #tpu.memory_space<hbm>> -> memref<128x128xf32, #tpu.memory_space<hbm>>
      tpu.wait_dma2 semaphore(%run_scoped3A : memref<!tpu.dma_semaphore, #tpu.memory_space<semaphore_mem>>) src(%arg6 : memref<128x128xf32, #tpu.memory_space<vmem>>) dst(%dma_wait3A_168 : memref<128x128xf32, #tpu.memory_space<hbm>>)
      tpu.yield
    }) : () -> ()
    %dma_start3A_17 = arith.constant 1 : i32
    %dma_start3A_18 = arith.constant 0 : i32
    %dma_start3A_19 = tpu.memref_slice %arg5[%dma_start3A_17, %dma_start3A_18] : memref<10x128xi32, #tpu.memory_space<vmem>> -> memref<1x128xi32, #tpu.memory_space<vmem>>
    %dma_start3A_20 = tpu.memref_squeeze %dma_start3A_19 : memref<1x128xi32, #tpu.memory_space<vmem>> -> memref<128xi32, #tpu.memory_space<vmem>>
    %dma_start3A_21 = arith.constant 0 : i32
    %dma_start3A_22 = arith.constant 0 : i32
    %dma_start3A_23 = tpu.memref_slice %arg2[%dma_start3A_21, %dma_start3A_22] : memref<8192x128xf32, #tpu.memory_space<hbm>> -> memref<8192x128xf32, #tpu.memory_space<hbm>>
    tpu.enqueue_indirect_dma source(%dma_start3A_23 : memref<8192x128xf32, #tpu.memory_space<hbm>>) target(%arg6 : memref<128x128xf32, #tpu.memory_space<vmem>>) offsets(%dma_start3A_20 : memref<128xi32, #tpu.memory_space<vmem>>) semaphore(%arg7 : memref<!tpu.dma_semaphore, #tpu.memory_space<semaphore_mem>>)
    %dma_wait3A_24 = arith.constant 1 : i32
    %dma_wait3A_25 = arith.constant 0 : i32
    %dma_wait3A_26 = tpu.memref_slice %arg5[%dma_wait3A_24, %dma_wait3A_25] : memref<10x128xi32, #tpu.memory_space<vmem>> -> memref<1x128xi32, #tpu.memory_space<vmem>>
    %dma_wait3A_27 = tpu.memref_squeeze %dma_wait3A_26 : memref<1x128xi32, #tpu.memory_space<vmem>> -> memref<128xi32, #tpu.memory_space<vmem>>
    %dma_wait3A_28 = arith.constant 0 : i32
    %dma_wait3A_29 = arith.constant 0 : i32
    %dma_wait3A_30 = tpu.memref_slice %arg2[%dma_wait3A_28, %dma_wait3A_29] : memref<8192x128xf32, #tpu.memory_space<hbm>> -> memref<8192x128xf32, #tpu.memory_space<hbm>>
    tpu.wait_indirect_dma semaphore(%arg7 : memref<!tpu.dma_semaphore, #tpu.memory_space<semaphore_mem>>) src(%dma_wait3A_30 : memref<8192x128xf32, #tpu.memory_space<hbm>>) dst(%arg6 : memref<128x128xf32, #tpu.memory_space<vmem>>)
    %add3A_31 = arith.constant 128 : i32
    %add3A_32 = arith.addi %mul3A_2, %add3A_31 : i32
    "tpu.region"() ({
      %run_scoped3A = tpu.sem_alloc : memref<!tpu.dma_semaphore, #tpu.memory_space<semaphore_mem>>
      %dma_start3A_161 = arith.constant 0 : i32
      %dma_start3A_162 = tpu.memref_slice %arg4[%add3A_32, %dma_start3A_161] : memref<40960x128xf32, #tpu.memory_space<hbm>> -> memref<128x128xf32, #tpu.memory_space<hbm>>
      %dma_start3A_163 = arith.constant 0 : i32
      %dma_start3A_164 = tpu.memref_slice %arg4[%add3A_32, %dma_start3A_163] : memref<40960x128xf32, #tpu.memory_space<hbm>> -> memref<128x128xf32, #tpu.memory_space<hbm>>
      tpu.enqueue_dma source(%arg6 : memref<128x128xf32, #tpu.memory_space<vmem>>) target(%dma_start3A_164 : memref<128x128xf32, #tpu.memory_space<hbm>>) target_semaphore(%run_scoped3A : memref<!tpu.dma_semaphore, #tpu.memory_space<semaphore_mem>>)
      %dma_wait3A_165 = arith.constant 0 : i32
      %dma_wait3A_166 = tpu.memref_slice %arg4[%add3A_32, %dma_wait3A_165] : memref<40960x128xf32, #tpu.memory_space<hbm>> -> memref<128x128xf32, #tpu.memory_space<hbm>>
      %dma_wait3A_167 = arith.constant 0 : i32
      %dma_wait3A_168 = tpu.memref_slice %arg4[%add3A_32, %dma_wait3A_167] : memref<40960x128xf32, #tpu.memory_space<hbm>> -> memref<128x128xf32, #tpu.memory_space<hbm>>
      tpu.wait_dma2 semaphore(%run_scoped3A : memref<!tpu.dma_semaphore, #tpu.memory_space<semaphore_mem>>) src(%arg6 : memref<128x128xf32, #tpu.memory_space<vmem>>) dst(%dma_wait3A_168 : memref<128x128xf32, #tpu.memory_space<hbm>>)
      tpu.yield
    }) : () -> ()
    %dma_start3A_33 = arith.constant 2 : i32
    %dma_start3A_34 = arith.constant 0 : i32
    %dma_start3A_35 = tpu.memref_slice %arg5[%dma_start3A_33, %dma_start3A_34] : memref<10x128xi32, #tpu.memory_space<vmem>> -> memref<1x128xi32, #tpu.memory_space<vmem>>
    %dma_start3A_36 = tpu.memref_squeeze %dma_start3A_35 : memref<1x128xi32, #tpu.memory_space<vmem>> -> memref<128xi32, #tpu.memory_space<vmem>>
    %dma_start3A_37 = arith.constant 0 : i32
    %dma_start3A_38 = arith.constant 0 : i32
    %dma_start3A_39 = tpu.memref_slice %arg2[%dma_start3A_37, %dma_start3A_38] : memref<8192x128xf32, #tpu.memory_space<hbm>> -> memref<8192x128xf32, #tpu.memory_space<hbm>>
    tpu.enqueue_indirect_dma source(%dma_start3A_39 : memref<8192x128xf32, #tpu.memory_space<hbm>>) target(%arg6 : memref<128x128xf32, #tpu.memory_space<vmem>>) offsets(%dma_start3A_36 : memref<128xi32, #tpu.memory_space<vmem>>) semaphore(%arg7 : memref<!tpu.dma_semaphore, #tpu.memory_space<semaphore_mem>>)
    %dma_wait3A_40 = arith.constant 2 : i32
    %dma_wait3A_41 = arith.constant 0 : i32
    %dma_wait3A_42 = tpu.memref_slice %arg5[%dma_wait3A_40, %dma_wait3A_41] : memref<10x128xi32, #tpu.memory_space<vmem>> -> memref<1x128xi32, #tpu.memory_space<vmem>>
    %dma_wait3A_43 = tpu.memref_squeeze %dma_wait3A_42 : memref<1x128xi32, #tpu.memory_space<vmem>> -> memref<128xi32, #tpu.memory_space<vmem>>
    %dma_wait3A_44 = arith.constant 0 : i32
    %dma_wait3A_45 = arith.constant 0 : i32
    %dma_wait3A_46 = tpu.memref_slice %arg2[%dma_wait3A_44, %dma_wait3A_45] : memref<8192x128xf32, #tpu.memory_space<hbm>> -> memref<8192x128xf32, #tpu.memory_space<hbm>>
    tpu.wait_indirect_dma semaphore(%arg7 : memref<!tpu.dma_semaphore, #tpu.memory_space<semaphore_mem>>) src(%dma_wait3A_46 : memref<8192x128xf32, #tpu.memory_space<hbm>>) dst(%arg6 : memref<128x128xf32, #tpu.memory_space<vmem>>)
    %add3A_47 = arith.constant 256 : i32
    %add3A_48 = arith.addi %mul3A_2, %add3A_47 : i32
    "tpu.region"() ({
      %run_scoped3A = tpu.sem_alloc : memref<!tpu.dma_semaphore, #tpu.memory_space<semaphore_mem>>
      %dma_start3A_161 = arith.constant 0 : i32
      %dma_start3A_162 = tpu.memref_slice %arg4[%add3A_48, %dma_start3A_161] : memref<40960x128xf32, #tpu.memory_space<hbm>> -> memref<128x128xf32, #tpu.memory_space<hbm>>
      %dma_start3A_163 = arith.constant 0 : i32
      %dma_start3A_164 = tpu.memref_slice %arg4[%add3A_48, %dma_start3A_163] : memref<40960x128xf32, #tpu.memory_space<hbm>> -> memref<128x128xf32, #tpu.memory_space<hbm>>
      tpu.enqueue_dma source(%arg6 : memref<128x128xf32, #tpu.memory_space<vmem>>) target(%dma_start3A_164 : memref<128x128xf32, #tpu.memory_space<hbm>>) target_semaphore(%run_scoped3A : memref<!tpu.dma_semaphore, #tpu.memory_space<semaphore_mem>>)
      %dma_wait3A_165 = arith.constant 0 : i32
      %dma_wait3A_166 = tpu.memref_slice %arg4[%add3A_48, %dma_wait3A_165] : memref<40960x128xf32, #tpu.memory_space<hbm>> -> memref<128x128xf32, #tpu.memory_space<hbm>>
      %dma_wait3A_167 = arith.constant 0 : i32
      %dma_wait3A_168 = tpu.memref_slice %arg4[%add3A_48, %dma_wait3A_167] : memref<40960x128xf32, #tpu.memory_space<hbm>> -> memref<128x128xf32, #tpu.memory_space<hbm>>
      tpu.wait_dma2 semaphore(%run_scoped3A : memref<!tpu.dma_semaphore, #tpu.memory_space<semaphore_mem>>) src(%arg6 : memref<128x128xf32, #tpu.memory_space<vmem>>) dst(%dma_wait3A_168 : memref<128x128xf32, #tpu.memory_space<hbm>>)
      tpu.yield
    }) : () -> ()
    %dma_start3A_49 = arith.constant 3 : i32
    %dma_start3A_50 = arith.constant 0 : i32
    %dma_start3A_51 = tpu.memref_slice %arg5[%dma_start3A_49, %dma_start3A_50] : memref<10x128xi32, #tpu.memory_space<vmem>> -> memref<1x128xi32, #tpu.memory_space<vmem>>
    %dma_start3A_52 = tpu.memref_squeeze %dma_start3A_51 : memref<1x128xi32, #tpu.memory_space<vmem>> -> memref<128xi32, #tpu.memory_space<vmem>>
    %dma_start3A_53 = arith.constant 0 : i32
    %dma_start3A_54 = arith.constant 0 : i32
    %dma_start3A_55 = tpu.memref_slice %arg2[%dma_start3A_53, %dma_start3A_54] : memref<8192x128xf32, #tpu.memory_space<hbm>> -> memref<8192x128xf32, #tpu.memory_space<hbm>>
    tpu.enqueue_indirect_dma source(%dma_start3A_55 : memref<8192x128xf32, #tpu.memory_space<hbm>>) target(%arg6 : memref<128x128xf32, #tpu.memory_space<vmem>>) offsets(%dma_start3A_52 : memref<128xi32, #tpu.memory_space<vmem>>) semaphore(%arg7 : memref<!tpu.dma_semaphore, #tpu.memory_space<semaphore_mem>>)
    %dma_wait3A_56 = arith.constant 3 : i32
    %dma_wait3A_57 = arith.constant 0 : i32
    %dma_wait3A_58 = tpu.memref_slice %arg5[%dma_wait3A_56, %dma_wait3A_57] : memref<10x128xi32, #tpu.memory_space<vmem>> -> memref<1x128xi32, #tpu.memory_space<vmem>>
    %dma_wait3A_59 = tpu.memref_squeeze %dma_wait3A_58 : memref<1x128xi32, #tpu.memory_space<vmem>> -> memref<128xi32, #tpu.memory_space<vmem>>
    %dma_wait3A_60 = arith.constant 0 : i32
    %dma_wait3A_61 = arith.constant 0 : i32
    %dma_wait3A_62 = tpu.memref_slice %arg2[%dma_wait3A_60, %dma_wait3A_61] : memref<8192x128xf32, #tpu.memory_space<hbm>> -> memref<8192x128xf32, #tpu.memory_space<hbm>>
    tpu.wait_indirect_dma semaphore(%arg7 : memref<!tpu.dma_semaphore, #tpu.memory_space<semaphore_mem>>) src(%dma_wait3A_62 : memref<8192x128xf32, #tpu.memory_space<hbm>>) dst(%arg6 : memref<128x128xf32, #tpu.memory_space<vmem>>)
    %add3A_63 = arith.constant 384 : i32
    %add3A_64 = arith.addi %mul3A_2, %add3A_63 : i32
    "tpu.region"() ({
      %run_scoped3A = tpu.sem_alloc : memref<!tpu.dma_semaphore, #tpu.memory_space<semaphore_mem>>
      %dma_start3A_161 = arith.constant 0 : i32
      %dma_start3A_162 = tpu.memref_slice %arg4[%add3A_64, %dma_start3A_161] : memref<40960x128xf32, #tpu.memory_space<hbm>> -> memref<128x128xf32, #tpu.memory_space<hbm>>
      %dma_start3A_163 = arith.constant 0 : i32
      %dma_start3A_164 = tpu.memref_slice %arg4[%add3A_64, %dma_start3A_163] : memref<40960x128xf32, #tpu.memory_space<hbm>> -> memref<128x128xf32, #tpu.memory_space<hbm>>
      tpu.enqueue_dma source(%arg6 : memref<128x128xf32, #tpu.memory_space<vmem>>) target(%dma_start3A_164 : memref<128x128xf32, #tpu.memory_space<hbm>>) target_semaphore(%run_scoped3A : memref<!tpu.dma_semaphore, #tpu.memory_space<semaphore_mem>>)
      %dma_wait3A_165 = arith.constant 0 : i32
      %dma_wait3A_166 = tpu.memref_slice %arg4[%add3A_64, %dma_wait3A_165] : memref<40960x128xf32, #tpu.memory_space<hbm>> -> memref<128x128xf32, #tpu.memory_space<hbm>>
      %dma_wait3A_167 = arith.constant 0 : i32
      %dma_wait3A_168 = tpu.memref_slice %arg4[%add3A_64, %dma_wait3A_167] : memref<40960x128xf32, #tpu.memory_space<hbm>> -> memref<128x128xf32, #tpu.memory_space<hbm>>
      tpu.wait_dma2 semaphore(%run_scoped3A : memref<!tpu.dma_semaphore, #tpu.memory_space<semaphore_mem>>) src(%arg6 : memref<128x128xf32, #tpu.memory_space<vmem>>) dst(%dma_wait3A_168 : memref<128x128xf32, #tpu.memory_space<hbm>>)
      tpu.yield
    }) : () -> ()
    %dma_start3A_65 = arith.constant 4 : i32
    %dma_start3A_66 = arith.constant 0 : i32
    %dma_start3A_67 = tpu.memref_slice %arg5[%dma_start3A_65, %dma_start3A_66] : memref<10x128xi32, #tpu.memory_space<vmem>> -> memref<1x128xi32, #tpu.memory_space<vmem>>
    %dma_start3A_68 = tpu.memref_squeeze %dma_start3A_67 : memref<1x128xi32, #tpu.memory_space<vmem>> -> memref<128xi32, #tpu.memory_space<vmem>>
    %dma_start3A_69 = arith.constant 0 : i32
    %dma_start3A_70 = arith.constant 0 : i32
    %dma_start3A_71 = tpu.memref_slice %arg2[%dma_start3A_69, %dma_start3A_70] : memref<8192x128xf32, #tpu.memory_space<hbm>> -> memref<8192x128xf32, #tpu.memory_space<hbm>>
    tpu.enqueue_indirect_dma source(%dma_start3A_71 : memref<8192x128xf32, #tpu.memory_space<hbm>>) target(%arg6 : memref<128x128xf32, #tpu.memory_space<vmem>>) offsets(%dma_start3A_68 : memref<128xi32, #tpu.memory_space<vmem>>) semaphore(%arg7 : memref<!tpu.dma_semaphore, #tpu.memory_space<semaphore_mem>>)
    %dma_wait3A_72 = arith.constant 4 : i32
    %dma_wait3A_73 = arith.constant 0 : i32
    %dma_wait3A_74 = tpu.memref_slice %arg5[%dma_wait3A_72, %dma_wait3A_73] : memref<10x128xi32, #tpu.memory_space<vmem>> -> memref<1x128xi32, #tpu.memory_space<vmem>>
    %dma_wait3A_75 = tpu.memref_squeeze %dma_wait3A_74 : memref<1x128xi32, #tpu.memory_space<vmem>> -> memref<128xi32, #tpu.memory_space<vmem>>
    %dma_wait3A_76 = arith.constant 0 : i32
    %dma_wait3A_77 = arith.constant 0 : i32
    %dma_wait3A_78 = tpu.memref_slice %arg2[%dma_wait3A_76, %dma_wait3A_77] : memref<8192x128xf32, #tpu.memory_space<hbm>> -> memref<8192x128xf32, #tpu.memory_space<hbm>>
    tpu.wait_indirect_dma semaphore(%arg7 : memref<!tpu.dma_semaphore, #tpu.memory_space<semaphore_mem>>) src(%dma_wait3A_78 : memref<8192x128xf32, #tpu.memory_space<hbm>>) dst(%arg6 : memref<128x128xf32, #tpu.memory_space<vmem>>)
    %add3A_79 = arith.constant 512 : i32
    %add3A_80 = arith.addi %mul3A_2, %add3A_79 : i32
    "tpu.region"() ({
      %run_scoped3A = tpu.sem_alloc : memref<!tpu.dma_semaphore, #tpu.memory_space<semaphore_mem>>
      %dma_start3A_161 = arith.constant 0 : i32
      %dma_start3A_162 = tpu.memref_slice %arg4[%add3A_80, %dma_start3A_161] : memref<40960x128xf32, #tpu.memory_space<hbm>> -> memref<128x128xf32, #tpu.memory_space<hbm>>
      %dma_start3A_163 = arith.constant 0 : i32
      %dma_start3A_164 = tpu.memref_slice %arg4[%add3A_80, %dma_start3A_163] : memref<40960x128xf32, #tpu.memory_space<hbm>> -> memref<128x128xf32, #tpu.memory_space<hbm>>
      tpu.enqueue_dma source(%arg6 : memref<128x128xf32, #tpu.memory_space<vmem>>) target(%dma_start3A_164 : memref<128x128xf32, #tpu.memory_space<hbm>>) target_semaphore(%run_scoped3A : memref<!tpu.dma_semaphore, #tpu.memory_space<semaphore_mem>>)
      %dma_wait3A_165 = arith.constant 0 : i32
      %dma_wait3A_166 = tpu.memref_slice %arg4[%add3A_80, %dma_wait3A_165] : memref<40960x128xf32, #tpu.memory_space<hbm>> -> memref<128x128xf32, #tpu.memory_space<hbm>>
      %dma_wait3A_167 = arith.constant 0 : i32
      %dma_wait3A_168 = tpu.memref_slice %arg4[%add3A_80, %dma_wait3A_167] : memref<40960x128xf32, #tpu.memory_space<hbm>> -> memref<128x128xf32, #tpu.memory_space<hbm>>
      tpu.wait_dma2 semaphore(%run_scoped3A : memref<!tpu.dma_semaphore, #tpu.memory_space<semaphore_mem>>) src(%arg6 : memref<128x128xf32, #tpu.memory_space<vmem>>) dst(%dma_wait3A_168 : memref<128x128xf32, #tpu.memory_space<hbm>>)
      tpu.yield
    }) : () -> ()
    %dma_start3A_81 = arith.constant 5 : i32
    %dma_start3A_82 = arith.constant 0 : i32
    %dma_start3A_83 = tpu.memref_slice %arg5[%dma_start3A_81, %dma_start3A_82] : memref<10x128xi32, #tpu.memory_space<vmem>> -> memref<1x128xi32, #tpu.memory_space<vmem>>
    %dma_start3A_84 = tpu.memref_squeeze %dma_start3A_83 : memref<1x128xi32, #tpu.memory_space<vmem>> -> memref<128xi32, #tpu.memory_space<vmem>>
    %dma_start3A_85 = arith.constant 0 : i32
    %dma_start3A_86 = arith.constant 0 : i32
    %dma_start3A_87 = tpu.memref_slice %arg2[%dma_start3A_85, %dma_start3A_86] : memref<8192x128xf32, #tpu.memory_space<hbm>> -> memref<8192x128xf32, #tpu.memory_space<hbm>>
    tpu.enqueue_indirect_dma source(%dma_start3A_87 : memref<8192x128xf32, #tpu.memory_space<hbm>>) target(%arg6 : memref<128x128xf32, #tpu.memory_space<vmem>>) offsets(%dma_start3A_84 : memref<128xi32, #tpu.memory_space<vmem>>) semaphore(%arg7 : memref<!tpu.dma_semaphore, #tpu.memory_space<semaphore_mem>>)
    %dma_wait3A_88 = arith.constant 5 : i32
    %dma_wait3A_89 = arith.constant 0 : i32
    %dma_wait3A_90 = tpu.memref_slice %arg5[%dma_wait3A_88, %dma_wait3A_89] : memref<10x128xi32, #tpu.memory_space<vmem>> -> memref<1x128xi32, #tpu.memory_space<vmem>>
    %dma_wait3A_91 = tpu.memref_squeeze %dma_wait3A_90 : memref<1x128xi32, #tpu.memory_space<vmem>> -> memref<128xi32, #tpu.memory_space<vmem>>
    %dma_wait3A_92 = arith.constant 0 : i32
    %dma_wait3A_93 = arith.constant 0 : i32
    %dma_wait3A_94 = tpu.memref_slice %arg2[%dma_wait3A_92, %dma_wait3A_93] : memref<8192x128xf32, #tpu.memory_space<hbm>> -> memref<8192x128xf32, #tpu.memory_space<hbm>>
    tpu.wait_indirect_dma semaphore(%arg7 : memref<!tpu.dma_semaphore, #tpu.memory_space<semaphore_mem>>) src(%dma_wait3A_94 : memref<8192x128xf32, #tpu.memory_space<hbm>>) dst(%arg6 : memref<128x128xf32, #tpu.memory_space<vmem>>)
    %add3A_95 = arith.constant 640 : i32
    %add3A_96 = arith.addi %mul3A_2, %add3A_95 : i32
    "tpu.region"() ({
      %run_scoped3A = tpu.sem_alloc : memref<!tpu.dma_semaphore, #tpu.memory_space<semaphore_mem>>
      %dma_start3A_161 = arith.constant 0 : i32
      %dma_start3A_162 = tpu.memref_slice %arg4[%add3A_96, %dma_start3A_161] : memref<40960x128xf32, #tpu.memory_space<hbm>> -> memref<128x128xf32, #tpu.memory_space<hbm>>
      %dma_start3A_163 = arith.constant 0 : i32
      %dma_start3A_164 = tpu.memref_slice %arg4[%add3A_96, %dma_start3A_163] : memref<40960x128xf32, #tpu.memory_space<hbm>> -> memref<128x128xf32, #tpu.memory_space<hbm>>
      tpu.enqueue_dma source(%arg6 : memref<128x128xf32, #tpu.memory_space<vmem>>) target(%dma_start3A_164 : memref<128x128xf32, #tpu.memory_space<hbm>>) target_semaphore(%run_scoped3A : memref<!tpu.dma_semaphore, #tpu.memory_space<semaphore_mem>>)
      %dma_wait3A_165 = arith.constant 0 : i32
      %dma_wait3A_166 = tpu.memref_slice %arg4[%add3A_96, %dma_wait3A_165] : memref<40960x128xf32, #tpu.memory_space<hbm>> -> memref<128x128xf32, #tpu.memory_space<hbm>>
      %dma_wait3A_167 = arith.constant 0 : i32
      %dma_wait3A_168 = tpu.memref_slice %arg4[%add3A_96, %dma_wait3A_167] : memref<40960x128xf32, #tpu.memory_space<hbm>> -> memref<128x128xf32, #tpu.memory_space<hbm>>
      tpu.wait_dma2 semaphore(%run_scoped3A : memref<!tpu.dma_semaphore, #tpu.memory_space<semaphore_mem>>) src(%arg6 : memref<128x128xf32, #tpu.memory_space<vmem>>) dst(%dma_wait3A_168 : memref<128x128xf32, #tpu.memory_space<hbm>>)
      tpu.yield
    }) : () -> ()
    %dma_start3A_97 = arith.constant 6 : i32
    %dma_start3A_98 = arith.constant 0 : i32
    %dma_start3A_99 = tpu.memref_slice %arg5[%dma_start3A_97, %dma_start3A_98] : memref<10x128xi32, #tpu.memory_space<vmem>> -> memref<1x128xi32, #tpu.memory_space<vmem>>
    %dma_start3A_100 = tpu.memref_squeeze %dma_start3A_99 : memref<1x128xi32, #tpu.memory_space<vmem>> -> memref<128xi32, #tpu.memory_space<vmem>>
    %dma_start3A_101 = arith.constant 0 : i32
    %dma_start3A_102 = arith.constant 0 : i32
    %dma_start3A_103 = tpu.memref_slice %arg2[%dma_start3A_101, %dma_start3A_102] : memref<8192x128xf32, #tpu.memory_space<hbm>> -> memref<8192x128xf32, #tpu.memory_space<hbm>>
    tpu.enqueue_indirect_dma source(%dma_start3A_103 : memref<8192x128xf32, #tpu.memory_space<hbm>>) target(%arg6 : memref<128x128xf32, #tpu.memory_space<vmem>>) offsets(%dma_start3A_100 : memref<128xi32, #tpu.memory_space<vmem>>) semaphore(%arg7 : memref<!tpu.dma_semaphore, #tpu.memory_space<semaphore_mem>>)
    %dma_wait3A_104 = arith.constant 6 : i32
    %dma_wait3A_105 = arith.constant 0 : i32
    %dma_wait3A_106 = tpu.memref_slice %arg5[%dma_wait3A_104, %dma_wait3A_105] : memref<10x128xi32, #tpu.memory_space<vmem>> -> memref<1x128xi32, #tpu.memory_space<vmem>>
    %dma_wait3A_107 = tpu.memref_squeeze %dma_wait3A_106 : memref<1x128xi32, #tpu.memory_space<vmem>> -> memref<128xi32, #tpu.memory_space<vmem>>
    %dma_wait3A_108 = arith.constant 0 : i32
    %dma_wait3A_109 = arith.constant 0 : i32
    %dma_wait3A_110 = tpu.memref_slice %arg2[%dma_wait3A_108, %dma_wait3A_109] : memref<8192x128xf32, #tpu.memory_space<hbm>> -> memref<8192x128xf32, #tpu.memory_space<hbm>>
    tpu.wait_indirect_dma semaphore(%arg7 : memref<!tpu.dma_semaphore, #tpu.memory_space<semaphore_mem>>) src(%dma_wait3A_110 : memref<8192x128xf32, #tpu.memory_space<hbm>>) dst(%arg6 : memref<128x128xf32, #tpu.memory_space<vmem>>)
    %add3A_111 = arith.constant 768 : i32
    %add3A_112 = arith.addi %mul3A_2, %add3A_111 : i32
    "tpu.region"() ({
      %run_scoped3A = tpu.sem_alloc : memref<!tpu.dma_semaphore, #tpu.memory_space<semaphore_mem>>
      %dma_start3A_161 = arith.constant 0 : i32
      %dma_start3A_162 = tpu.memref_slice %arg4[%add3A_112, %dma_start3A_161] : memref<40960x128xf32, #tpu.memory_space<hbm>> -> memref<128x128xf32, #tpu.memory_space<hbm>>
      %dma_start3A_163 = arith.constant 0 : i32
      %dma_start3A_164 = tpu.memref_slice %arg4[%add3A_112, %dma_start3A_163] : memref<40960x128xf32, #tpu.memory_space<hbm>> -> memref<128x128xf32, #tpu.memory_space<hbm>>
      tpu.enqueue_dma source(%arg6 : memref<128x128xf32, #tpu.memory_space<vmem>>) target(%dma_start3A_164 : memref<128x128xf32, #tpu.memory_space<hbm>>) target_semaphore(%run_scoped3A : memref<!tpu.dma_semaphore, #tpu.memory_space<semaphore_mem>>)
      %dma_wait3A_165 = arith.constant 0 : i32
      %dma_wait3A_166 = tpu.memref_slice %arg4[%add3A_112, %dma_wait3A_165] : memref<40960x128xf32, #tpu.memory_space<hbm>> -> memref<128x128xf32, #tpu.memory_space<hbm>>
      %dma_wait3A_167 = arith.constant 0 : i32
      %dma_wait3A_168 = tpu.memref_slice %arg4[%add3A_112, %dma_wait3A_167] : memref<40960x128xf32, #tpu.memory_space<hbm>> -> memref<128x128xf32, #tpu.memory_space<hbm>>
      tpu.wait_dma2 semaphore(%run_scoped3A : memref<!tpu.dma_semaphore, #tpu.memory_space<semaphore_mem>>) src(%arg6 : memref<128x128xf32, #tpu.memory_space<vmem>>) dst(%dma_wait3A_168 : memref<128x128xf32, #tpu.memory_space<hbm>>)
      tpu.yield
    }) : () -> ()
    %dma_start3A_113 = arith.constant 7 : i32
    %dma_start3A_114 = arith.constant 0 : i32
    %dma_start3A_115 = tpu.memref_slice %arg5[%dma_start3A_113, %dma_start3A_114] : memref<10x128xi32, #tpu.memory_space<vmem>> -> memref<1x128xi32, #tpu.memory_space<vmem>>
    %dma_start3A_116 = tpu.memref_squeeze %dma_start3A_115 : memref<1x128xi32, #tpu.memory_space<vmem>> -> memref<128xi32, #tpu.memory_space<vmem>>
    %dma_start3A_117 = arith.constant 0 : i32
    %dma_start3A_118 = arith.constant 0 : i32
    %dma_start3A_119 = tpu.memref_slice %arg2[%dma_start3A_117, %dma_start3A_118] : memref<8192x128xf32, #tpu.memory_space<hbm>> -> memref<8192x128xf32, #tpu.memory_space<hbm>>
    tpu.enqueue_indirect_dma source(%dma_start3A_119 : memref<8192x128xf32, #tpu.memory_space<hbm>>) target(%arg6 : memref<128x128xf32, #tpu.memory_space<vmem>>) offsets(%dma_start3A_116 : memref<128xi32, #tpu.memory_space<vmem>>) semaphore(%arg7 : memref<!tpu.dma_semaphore, #tpu.memory_space<semaphore_mem>>)
    %dma_wait3A_120 = arith.constant 7 : i32
    %dma_wait3A_121 = arith.constant 0 : i32
    %dma_wait3A_122 = tpu.memref_slice %arg5[%dma_wait3A_120, %dma_wait3A_121] : memref<10x128xi32, #tpu.memory_space<vmem>> -> memref<1x128xi32, #tpu.memory_space<vmem>>
    %dma_wait3A_123 = tpu.memref_squeeze %dma_wait3A_122 : memref<1x128xi32, #tpu.memory_space<vmem>> -> memref<128xi32, #tpu.memory_space<vmem>>
    %dma_wait3A_124 = arith.constant 0 : i32
    %dma_wait3A_125 = arith.constant 0 : i32
    %dma_wait3A_126 = tpu.memref_slice %arg2[%dma_wait3A_124, %dma_wait3A_125] : memref<8192x128xf32, #tpu.memory_space<hbm>> -> memref<8192x128xf32, #tpu.memory_space<hbm>>
    tpu.wait_indirect_dma semaphore(%arg7 : memref<!tpu.dma_semaphore, #tpu.memory_space<semaphore_mem>>) src(%dma_wait3A_126 : memref<8192x128xf32, #tpu.memory_space<hbm>>) dst(%arg6 : memref<128x128xf32, #tpu.memory_space<vmem>>)
    %add3A_127 = arith.constant 896 : i32
    %add3A_128 = arith.addi %mul3A_2, %add3A_127 : i32
    "tpu.region"() ({
      %run_scoped3A = tpu.sem_alloc : memref<!tpu.dma_semaphore, #tpu.memory_space<semaphore_mem>>
      %dma_start3A_161 = arith.constant 0 : i32
      %dma_start3A_162 = tpu.memref_slice %arg4[%add3A_128, %dma_start3A_161] : memref<40960x128xf32, #tpu.memory_space<hbm>> -> memref<128x128xf32, #tpu.memory_space<hbm>>
      %dma_start3A_163 = arith.constant 0 : i32
      %dma_start3A_164 = tpu.memref_slice %arg4[%add3A_128, %dma_start3A_163] : memref<40960x128xf32, #tpu.memory_space<hbm>> -> memref<128x128xf32, #tpu.memory_space<hbm>>
      tpu.enqueue_dma source(%arg6 : memref<128x128xf32, #tpu.memory_space<vmem>>) target(%dma_start3A_164 : memref<128x128xf32, #tpu.memory_space<hbm>>) target_semaphore(%run_scoped3A : memref<!tpu.dma_semaphore, #tpu.memory_space<semaphore_mem>>)
      %dma_wait3A_165 = arith.constant 0 : i32
      %dma_wait3A_166 = tpu.memref_slice %arg4[%add3A_128, %dma_wait3A_165] : memref<40960x128xf32, #tpu.memory_space<hbm>> -> memref<128x128xf32, #tpu.memory_space<hbm>>
      %dma_wait3A_167 = arith.constant 0 : i32
      %dma_wait3A_168 = tpu.memref_slice %arg4[%add3A_128, %dma_wait3A_167] : memref<40960x128xf32, #tpu.memory_space<hbm>> -> memref<128x128xf32, #tpu.memory_space<hbm>>
      tpu.wait_dma2 semaphore(%run_scoped3A : memref<!tpu.dma_semaphore, #tpu.memory_space<semaphore_mem>>) src(%arg6 : memref<128x128xf32, #tpu.memory_space<vmem>>) dst(%dma_wait3A_168 : memref<128x128xf32, #tpu.memory_space<hbm>>)
      tpu.yield
    }) : () -> ()
    %dma_start3A_129 = arith.constant 8 : i32
    %dma_start3A_130 = arith.constant 0 : i32
    %dma_start3A_131 = tpu.memref_slice %arg5[%dma_start3A_129, %dma_start3A_130] : memref<10x128xi32, #tpu.memory_space<vmem>> -> memref<1x128xi32, #tpu.memory_space<vmem>>
    %dma_start3A_132 = tpu.memref_squeeze %dma_start3A_131 : memref<1x128xi32, #tpu.memory_space<vmem>> -> memref<128xi32, #tpu.memory_space<vmem>>
    %dma_start3A_133 = arith.constant 0 : i32
    %dma_start3A_134 = arith.constant 0 : i32
    %dma_start3A_135 = tpu.memref_slice %arg2[%dma_start3A_133, %dma_start3A_134] : memref<8192x128xf32, #tpu.memory_space<hbm>> -> memref<8192x128xf32, #tpu.memory_space<hbm>>
    tpu.enqueue_indirect_dma source(%dma_start3A_135 : memref<8192x128xf32, #tpu.memory_space<hbm>>) target(%arg6 : memref<128x128xf32, #tpu.memory_space<vmem>>) offsets(%dma_start3A_132 : memref<128xi32, #tpu.memory_space<vmem>>) semaphore(%arg7 : memref<!tpu.dma_semaphore, #tpu.memory_space<semaphore_mem>>)
    %dma_wait3A_136 = arith.constant 8 : i32
    %dma_wait3A_137 = arith.constant 0 : i32
    %dma_wait3A_138 = tpu.memref_slice %arg5[%dma_wait3A_136, %dma_wait3A_137] : memref<10x128xi32, #tpu.memory_space<vmem>> -> memref<1x128xi32, #tpu.memory_space<vmem>>
    %dma_wait3A_139 = tpu.memref_squeeze %dma_wait3A_138 : memref<1x128xi32, #tpu.memory_space<vmem>> -> memref<128xi32, #tpu.memory_space<vmem>>
    %dma_wait3A_140 = arith.constant 0 : i32
    %dma_wait3A_141 = arith.constant 0 : i32
    %dma_wait3A_142 = tpu.memref_slice %arg2[%dma_wait3A_140, %dma_wait3A_141] : memref<8192x128xf32, #tpu.memory_space<hbm>> -> memref<8192x128xf32, #tpu.memory_space<hbm>>
    tpu.wait_indirect_dma semaphore(%arg7 : memref<!tpu.dma_semaphore, #tpu.memory_space<semaphore_mem>>) src(%dma_wait3A_142 : memref<8192x128xf32, #tpu.memory_space<hbm>>) dst(%arg6 : memref<128x128xf32, #tpu.memory_space<vmem>>)
    %add3A_143 = arith.constant 1024 : i32
    %add3A_144 = arith.addi %mul3A_2, %add3A_143 : i32
    "tpu.region"() ({
      %run_scoped3A = tpu.sem_alloc : memref<!tpu.dma_semaphore, #tpu.memory_space<semaphore_mem>>
      %dma_start3A_161 = arith.constant 0 : i32
      %dma_start3A_162 = tpu.memref_slice %arg4[%add3A_144, %dma_start3A_161] : memref<40960x128xf32, #tpu.memory_space<hbm>> -> memref<128x128xf32, #tpu.memory_space<hbm>>
      %dma_start3A_163 = arith.constant 0 : i32
      %dma_start3A_164 = tpu.memref_slice %arg4[%add3A_144, %dma_start3A_163] : memref<40960x128xf32, #tpu.memory_space<hbm>> -> memref<128x128xf32, #tpu.memory_space<hbm>>
      tpu.enqueue_dma source(%arg6 : memref<128x128xf32, #tpu.memory_space<vmem>>) target(%dma_start3A_164 : memref<128x128xf32, #tpu.memory_space<hbm>>) target_semaphore(%run_scoped3A : memref<!tpu.dma_semaphore, #tpu.memory_space<semaphore_mem>>)
      %dma_wait3A_165 = arith.constant 0 : i32
      %dma_wait3A_166 = tpu.memref_slice %arg4[%add3A_144, %dma_wait3A_165] : memref<40960x128xf32, #tpu.memory_space<hbm>> -> memref<128x128xf32, #tpu.memory_space<hbm>>
      %dma_wait3A_167 = arith.constant 0 : i32
      %dma_wait3A_168 = tpu.memref_slice %arg4[%add3A_144, %dma_wait3A_167] : memref<40960x128xf32, #tpu.memory_space<hbm>> -> memref<128x128xf32, #tpu.memory_space<hbm>>
      tpu.wait_dma2 semaphore(%run_scoped3A : memref<!tpu.dma_semaphore, #tpu.memory_space<semaphore_mem>>) src(%arg6 : memref<128x128xf32, #tpu.memory_space<vmem>>) dst(%dma_wait3A_168 : memref<128x128xf32, #tpu.memory_space<hbm>>)
      tpu.yield
    }) : () -> ()
    %dma_start3A_145 = arith.constant 9 : i32
    %dma_start3A_146 = arith.constant 0 : i32
    %dma_start3A_147 = tpu.memref_slice %arg5[%dma_start3A_145, %dma_start3A_146] : memref<10x128xi32, #tpu.memory_space<vmem>> -> memref<1x128xi32, #tpu.memory_space<vmem>>
    %dma_start3A_148 = tpu.memref_squeeze %dma_start3A_147 : memref<1x128xi32, #tpu.memory_space<vmem>> -> memref<128xi32, #tpu.memory_space<vmem>>
    %dma_start3A_149 = arith.constant 0 : i32
    %dma_start3A_150 = arith.constant 0 : i32
    %dma_start3A_151 = tpu.memref_slice %arg2[%dma_start3A_149, %dma_start3A_150] : memref<8192x128xf32, #tpu.memory_space<hbm>> -> memref<8192x128xf32, #tpu.memory_space<hbm>>
    tpu.enqueue_indirect_dma source(%dma_start3A_151 : memref<8192x128xf32, #tpu.memory_space<hbm>>) target(%arg6 : memref<128x128xf32, #tpu.memory_space<vmem>>) offsets(%dma_start3A_148 : memref<128xi32, #tpu.memory_space<vmem>>) semaphore(%arg7 : memref<!tpu.dma_semaphore, #tpu.memory_space<semaphore_mem>>)
    %dma_wait3A_152 = arith.constant 9 : i32
    %dma_wait3A_153 = arith.constant 0 : i32
    %dma_wait3A_154 = tpu.memref_slice %arg5[%dma_wait3A_152, %dma_wait3A_153] : memref<10x128xi32, #tpu.memory_space<vmem>> -> memref<1x128xi32, #tpu.memory_space<vmem>>
    %dma_wait3A_155 = tpu.memref_squeeze %dma_wait3A_154 : memref<1x128xi32, #tpu.memory_space<vmem>> -> memref<128xi32, #tpu.memory_space<vmem>>
    %dma_wait3A_156 = arith.constant 0 : i32
    %dma_wait3A_157 = arith.constant 0 : i32
    %dma_wait3A_158 = tpu.memref_slice %arg2[%dma_wait3A_156, %dma_wait3A_157] : memref<8192x128xf32, #tpu.memory_space<hbm>> -> memref<8192x128xf32, #tpu.memory_space<hbm>>
    tpu.wait_indirect_dma semaphore(%arg7 : memref<!tpu.dma_semaphore, #tpu.memory_space<semaphore_mem>>) src(%dma_wait3A_158 : memref<8192x128xf32, #tpu.memory_space<hbm>>) dst(%arg6 : memref<128x128xf32, #tpu.memory_space<vmem>>)
    %add3A_159 = arith.constant 1152 : i32
    %add3A_160 = arith.addi %mul3A_2, %add3A_159 : i32
    "tpu.region"() ({
      %run_scoped3A = tpu.sem_alloc : memref<!tpu.dma_semaphore, #tpu.memory_space<semaphore_mem>>
      %dma_start3A_161 = arith.constant 0 : i32
      %dma_start3A_162 = tpu.memref_slice %arg4[%add3A_160, %dma_start3A_161] : memref<40960x128xf32, #tpu.memory_space<hbm>> -> memref<128x128xf32, #tpu.memory_space<hbm>>
      %dma_start3A_163 = arith.constant 0 : i32
      %dma_start3A_164 = tpu.memref_slice %arg4[%add3A_160, %dma_start3A_163] : memref<40960x128xf32, #tpu.memory_space<hbm>> -> memref<128x128xf32, #tpu.memory_space<hbm>>
      tpu.enqueue_dma source(%arg6 : memref<128x128xf32, #tpu.memory_space<vmem>>) target(%dma_start3A_164 : memref<128x128xf32, #tpu.memory_space<hbm>>) target_semaphore(%run_scoped3A : memref<!tpu.dma_semaphore, #tpu.memory_space<semaphore_mem>>)
      %dma_wait3A_165 = arith.constant 0 : i32
      %dma_wait3A_166 = tpu.memref_slice %arg4[%add3A_160, %dma_wait3A_165] : memref<40960x128xf32, #tpu.memory_space<hbm>> -> memref<128x128xf32, #tpu.memory_space<hbm>>
      %dma_wait3A_167 = arith.constant 0 : i32
      %dma_wait3A_168 = tpu.memref_slice %arg4[%add3A_160, %dma_wait3A_167] : memref<40960x128xf32, #tpu.memory_space<hbm>> -> memref<128x128xf32, #tpu.memory_space<hbm>>
      tpu.wait_dma2 semaphore(%run_scoped3A : memref<!tpu.dma_semaphore, #tpu.memory_space<semaphore_mem>>) src(%arg6 : memref<128x128xf32, #tpu.memory_space<vmem>>) dst(%dma_wait3A_168 : memref<128x128xf32, #tpu.memory_space<hbm>>)
      tpu.yield
    }) : () -> ()
    return
  }
}

#map = affine_map<(d0, d1) -> (0, 0)>
#map1 = affine_map<(d0, d1) -> (0, 0, 0)>
module attributes {stable_mosaic.version = 14 : i64} {
  func.func @k(%arg0: i32, %arg1: i32, %arg2: memref<8192x128xf32, #tpu.memory_space<hbm>>, %arg3: memref<32x10x128xi32, #tpu.memory_space<hbm>>, %arg4: memref<40960x128xf32, #tpu.memory_space<hbm>>, %arg5: memref<10x128xi32, #tpu.memory_space<vmem>>, %arg6: memref<128x128xf32, #tpu.memory_space<vmem>>, %arg7: memref<!tpu.dma_semaphore, #tpu.memory_space<semaphore_mem>>) attributes {dimension_semantics = [#tpu.dimension_semantics<core_parallel>, #tpu.dimension_semantics<subcore_parallel>], iteration_bounds = array<i64: 2, 16>, scalar_prefetch = 0 : i64, scratch_operands = 3 : i64, tpu.core_type = #tpu.core_type<sc_vector_subcore>, window_params = [{transform_indices = #map}, {transform_indices = #map1}, {transform_indices = #map}]} {
    %mul3A = arith.constant 2 : i32
    %mul3A_0 = arith.muli %arg1, %mul3A : i32
    %add3A = arith.addi %mul3A_0, %arg0 : i32
    %mul3A_1 = arith.constant 1280 : i32
    %mul3A_2 = arith.muli %add3A, %mul3A_1 : i32
    "tpu.region"() ({
      %run_scoped3A = tpu.sem_alloc : memref<!tpu.dma_semaphore, #tpu.memory_space<semaphore_mem>>
      %dma_start3A_161 = arith.constant 0 : i32
      %dma_start3A_162 = arith.constant 0 : i32
      %dma_start3A_163 = tpu.memref_slice %arg3[%add3A, %dma_start3A_161, %dma_start3A_162] : memref<32x10x128xi32, #tpu.memory_space<hbm>> -> memref<1x10x128xi32, #tpu.memory_space<hbm>>
      %dma_start3A_164 = tpu.memref_squeeze %dma_start3A_163 : memref<1x10x128xi32, #tpu.memory_space<hbm>> -> memref<10x128xi32, #tpu.memory_space<hbm>>
      %dma_start3A_165 = arith.constant 0 : i32
      %dma_start3A_166 = arith.constant 0 : i32
      %dma_start3A_167 = tpu.memref_slice %arg3[%add3A, %dma_start3A_165, %dma_start3A_166] : memref<32x10x128xi32, #tpu.memory_space<hbm>> -> memref<1x10x128xi32, #tpu.memory_space<hbm>>
      %dma_start3A_168 = tpu.memref_squeeze %dma_start3A_167 : memref<1x10x128xi32, #tpu.memory_space<hbm>> -> memref<10x128xi32, #tpu.memory_space<hbm>>
      tpu.enqueue_dma source(%dma_start3A_168 : memref<10x128xi32, #tpu.memory_space<hbm>>) target(%arg5 : memref<10x128xi32, #tpu.memory_space<vmem>>) target_semaphore(%run_scoped3A : memref<!tpu.dma_semaphore, #tpu.memory_space<semaphore_mem>>)
      %dma_wait3A_169 = arith.constant 0 : i32
      %dma_wait3A_170 = arith.constant 0 : i32
      %dma_wait3A_171 = tpu.memref_slice %arg3[%add3A, %dma_wait3A_169, %dma_wait3A_170] : memref<32x10x128xi32, #tpu.memory_space<hbm>> -> memref<1x10x128xi32, #tpu.memory_space<hbm>>
      %dma_wait3A_172 = tpu.memref_squeeze %dma_wait3A_171 : memref<1x10x128xi32, #tpu.memory_space<hbm>> -> memref<10x128xi32, #tpu.memory_space<hbm>>
      %dma_wait3A_173 = arith.constant 0 : i32
      %dma_wait3A_174 = arith.constant 0 : i32
      %dma_wait3A_175 = tpu.memref_slice %arg3[%add3A, %dma_wait3A_173, %dma_wait3A_174] : memref<32x10x128xi32, #tpu.memory_space<hbm>> -> memref<1x10x128xi32, #tpu.memory_space<hbm>>
      %dma_wait3A_176 = tpu.memref_squeeze %dma_wait3A_175 : memref<1x10x128xi32, #tpu.memory_space<hbm>> -> memref<10x128xi32, #tpu.memory_space<hbm>>
      tpu.wait_dma2 semaphore(%run_scoped3A : memref<!tpu.dma_semaphore, #tpu.memory_space<semaphore_mem>>) src(%dma_wait3A_176 : memref<10x128xi32, #tpu.memory_space<hbm>>) dst(%arg5 : memref<10x128xi32, #tpu.memory_space<vmem>>)
      tpu.yield
    }) : () -> ()
    %dma_start3A = arith.constant 0 : i32
    %dma_start3A_3 = arith.constant 0 : i32
    %dma_start3A_4 = tpu.memref_slice %arg5[%dma_start3A, %dma_start3A_3] : memref<10x128xi32, #tpu.memory_space<vmem>> -> memref<1x128xi32, #tpu.memory_space<vmem>>
    %dma_start3A_5 = tpu.memref_squeeze %dma_start3A_4 : memref<1x128xi32, #tpu.memory_space<vmem>> -> memref<128xi32, #tpu.memory_space<vmem>>
    %dma_start3A_6 = arith.constant 0 : i32
    %dma_start3A_7 = arith.constant 0 : i32
    %dma_start3A_8 = tpu.memref_slice %arg2[%dma_start3A_6, %dma_start3A_7] : memref<8192x128xf32, #tpu.memory_space<hbm>> -> memref<8192x128xf32, #tpu.memory_space<hbm>>
    tpu.enqueue_indirect_dma source(%dma_start3A_8 : memref<8192x128xf32, #tpu.memory_space<hbm>>) target(%arg6 : memref<128x128xf32, #tpu.memory_space<vmem>>) offsets(%dma_start3A_5 : memref<128xi32, #tpu.memory_space<vmem>>) semaphore(%arg7 : memref<!tpu.dma_semaphore, #tpu.memory_space<semaphore_mem>>)
    %dma_wait3A = arith.constant 0 : i32
    %dma_wait3A_9 = arith.constant 0 : i32
    %dma_wait3A_10 = tpu.memref_slice %arg5[%dma_wait3A, %dma_wait3A_9] : memref<10x128xi32, #tpu.memory_space<vmem>> -> memref<1x128xi32, #tpu.memory_space<vmem>>
    %dma_wait3A_11 = tpu.memref_squeeze %dma_wait3A_10 : memref<1x128xi32, #tpu.memory_space<vmem>> -> memref<128xi32, #tpu.memory_space<vmem>>
    %dma_wait3A_12 = arith.constant 0 : i32
    %dma_wait3A_13 = arith.constant 0 : i32
    %dma_wait3A_14 = tpu.memref_slice %arg2[%dma_wait3A_12, %dma_wait3A_13] : memref<8192x128xf32, #tpu.memory_space<hbm>> -> memref<8192x128xf32, #tpu.memory_space<hbm>>
    tpu.wait_indirect_dma semaphore(%arg7 : memref<!tpu.dma_semaphore, #tpu.memory_space<semaphore_mem>>) src(%dma_wait3A_14 : memref<8192x128xf32, #tpu.memory_space<hbm>>) dst(%arg6 : memref<128x128xf32, #tpu.memory_space<vmem>>)
    %add3A_15 = arith.constant 0 : i32
    %add3A_16 = arith.addi %mul3A_2, %add3A_15 : i32
    "tpu.region"() ({
      %run_scoped3A = tpu.sem_alloc : memref<!tpu.dma_semaphore, #tpu.memory_space<semaphore_mem>>
      %dma_start3A_161 = arith.constant 0 : i32
      %dma_start3A_162 = tpu.memref_slice %arg4[%add3A_16, %dma_start3A_161] : memref<40960x128xf32, #tpu.memory_space<hbm>> -> memref<128x128xf32, #tpu.memory_space<hbm>>
      %dma_start3A_163 = arith.constant 0 : i32
      %dma_start3A_164 = tpu.memref_slice %arg4[%add3A_16, %dma_start3A_163] : memref<40960x128xf32, #tpu.memory_space<hbm>> -> memref<128x128xf32, #tpu.memory_space<hbm>>
      tpu.enqueue_dma source(%arg6 : memref<128x128xf32, #tpu.memory_space<vmem>>) target(%dma_start3A_164 : memref<128x128xf32, #tpu.memory_space<hbm>>) target_semaphore(%run_scoped3A : memref<!tpu.dma_semaphore, #tpu.memory_space<semaphore_mem>>)
      %dma_wait3A_165 = arith.constant 0 : i32
      %dma_wait3A_166 = tpu.memref_slice %arg4[%add3A_16, %dma_wait3A_165] : memref<40960x128xf32, #tpu.memory_space<hbm>> -> memref<128x128xf32, #tpu.memory_space<hbm>>
      %dma_wait3A_167 = arith.constant 0 : i32
      %dma_wait3A_168 = tpu.memref_slice %arg4[%add3A_16, %dma_wait3A_167] : memref<40960x128xf32, #tpu.memory_space<hbm>> -> memref<128x128xf32, #tpu.memory_space<hbm>>
      tpu.wait_dma2 semaphore(%run_scoped3A : memref<!tpu.dma_semaphore, #tpu.memory_space<semaphore_mem>>) src(%arg6 : memref<128x128xf32, #tpu.memory_space<vmem>>) dst(%dma_wait3A_168 : memref<128x128xf32, #tpu.memory_space<hbm>>)
      tpu.yield
    }) : () -> ()
    %dma_start3A_17 = arith.constant 1 : i32
    %dma_start3A_18 = arith.constant 0 : i32
    %dma_start3A_19 = tpu.memref_slice %arg5[%dma_start3A_17, %dma_start3A_18] : memref<10x128xi32, #tpu.memory_space<vmem>> -> memref<1x128xi32, #tpu.memory_space<vmem>>
    %dma_start3A_20 = tpu.memref_squeeze %dma_start3A_19 : memref<1x128xi32, #tpu.memory_space<vmem>> -> memref<128xi32, #tpu.memory_space<vmem>>
    %dma_start3A_21 = arith.constant 0 : i32
    %dma_start3A_22 = arith.constant 0 : i32
    %dma_start3A_23 = tpu.memref_slice %arg2[%dma_start3A_21, %dma_start3A_22] : memref<8192x128xf32, #tpu.memory_space<hbm>> -> memref<8192x128xf32, #tpu.memory_space<hbm>>
    tpu.enqueue_indirect_dma source(%dma_start3A_23 : memref<8192x128xf32, #tpu.memory_space<hbm>>) target(%arg6 : memref<128x128xf32, #tpu.memory_space<vmem>>) offsets(%dma_start3A_20 : memref<128xi32, #tpu.memory_space<vmem>>) semaphore(%arg7 : memref<!tpu.dma_semaphore, #tpu.memory_space<semaphore_mem>>)
    %dma_wait3A_24 = arith.constant 1 : i32
    %dma_wait3A_25 = arith.constant 0 : i32
    %dma_wait3A_26 = tpu.memref_slice %arg5[%dma_wait3A_24, %dma_wait3A_25] : memref<10x128xi32, #tpu.memory_space<vmem>> -> memref<1x128xi32, #tpu.memory_space<vmem>>
    %dma_wait3A_27 = tpu.memref_squeeze %dma_wait3A_26 : memref<1x128xi32, #tpu.memory_space<vmem>> -> memref<128xi32, #tpu.memory_space<vmem>>
    %dma_wait3A_28 = arith.constant 0 : i32
    %dma_wait3A_29 = arith.constant 0 : i32
    %dma_wait3A_30 = tpu.memref_slice %arg2[%dma_wait3A_28, %dma_wait3A_29] : memref<8192x128xf32, #tpu.memory_space<hbm>> -> memref<8192x128xf32, #tpu.memory_space<hbm>>
    tpu.wait_indirect_dma semaphore(%arg7 : memref<!tpu.dma_semaphore, #tpu.memory_space<semaphore_mem>>) src(%dma_wait3A_30 : memref<8192x128xf32, #tpu.memory_space<hbm>>) dst(%arg6 : memref<128x128xf32, #tpu.memory_space<vmem>>)
    %add3A_31 = arith.constant 128 : i32
    %add3A_32 = arith.addi %mul3A_2, %add3A_31 : i32
    "tpu.region"() ({
      %run_scoped3A = tpu.sem_alloc : memref<!tpu.dma_semaphore, #tpu.memory_space<semaphore_mem>>
      %dma_start3A_161 = arith.constant 0 : i32
      %dma_start3A_162 = tpu.memref_slice %arg4[%add3A_32, %dma_start3A_161] : memref<40960x128xf32, #tpu.memory_space<hbm>> -> memref<128x128xf32, #tpu.memory_space<hbm>>
      %dma_start3A_163 = arith.constant 0 : i32
      %dma_start3A_164 = tpu.memref_slice %arg4[%add3A_32, %dma_start3A_163] : memref<40960x128xf32, #tpu.memory_space<hbm>> -> memref<128x128xf32, #tpu.memory_space<hbm>>
      tpu.enqueue_dma source(%arg6 : memref<128x128xf32, #tpu.memory_space<vmem>>) target(%dma_start3A_164 : memref<128x128xf32, #tpu.memory_space<hbm>>) target_semaphore(%run_scoped3A : memref<!tpu.dma_semaphore, #tpu.memory_space<semaphore_mem>>)
      %dma_wait3A_165 = arith.constant 0 : i32
      %dma_wait3A_166 = tpu.memref_slice %arg4[%add3A_32, %dma_wait3A_165] : memref<40960x128xf32, #tpu.memory_space<hbm>> -> memref<128x128xf32, #tpu.memory_space<hbm>>
      %dma_wait3A_167 = arith.constant 0 : i32
      %dma_wait3A_168 = tpu.memref_slice %arg4[%add3A_32, %dma_wait3A_167] : memref<40960x128xf32, #tpu.memory_space<hbm>> -> memref<128x128xf32, #tpu.memory_space<hbm>>
      tpu.wait_dma2 semaphore(%run_scoped3A : memref<!tpu.dma_semaphore, #tpu.memory_space<semaphore_mem>>) src(%arg6 : memref<128x128xf32, #tpu.memory_space<vmem>>) dst(%dma_wait3A_168 : memref<128x128xf32, #tpu.memory_space<hbm>>)
      tpu.yield
    }) : () -> ()
    %dma_start3A_33 = arith.constant 2 : i32
    %dma_start3A_34 = arith.constant 0 : i32
    %dma_start3A_35 = tpu.memref_slice %arg5[%dma_start3A_33, %dma_start3A_34] : memref<10x128xi32, #tpu.memory_space<vmem>> -> memref<1x128xi32, #tpu.memory_space<vmem>>
    %dma_start3A_36 = tpu.memref_squeeze %dma_start3A_35 : memref<1x128xi32, #tpu.memory_space<vmem>> -> memref<128xi32, #tpu.memory_space<vmem>>
    %dma_start3A_37 = arith.constant 0 : i32
    %dma_start3A_38 = arith.constant 0 : i32
    %dma_start3A_39 = tpu.memref_slice %arg2[%dma_start3A_37, %dma_start3A_38] : memref<8192x128xf32, #tpu.memory_space<hbm>> -> memref<8192x128xf32, #tpu.memory_space<hbm>>
    tpu.enqueue_indirect_dma source(%dma_start3A_39 : memref<8192x128xf32, #tpu.memory_space<hbm>>) target(%arg6 : memref<128x128xf32, #tpu.memory_space<vmem>>) offsets(%dma_start3A_36 : memref<128xi32, #tpu.memory_space<vmem>>) semaphore(%arg7 : memref<!tpu.dma_semaphore, #tpu.memory_space<semaphore_mem>>)
    %dma_wait3A_40 = arith.constant 2 : i32
    %dma_wait3A_41 = arith.constant 0 : i32
    %dma_wait3A_42 = tpu.memref_slice %arg5[%dma_wait3A_40, %dma_wait3A_41] : memref<10x128xi32, #tpu.memory_space<vmem>> -> memref<1x128xi32, #tpu.memory_space<vmem>>
    %dma_wait3A_43 = tpu.memref_squeeze %dma_wait3A_42 : memref<1x128xi32, #tpu.memory_space<vmem>> -> memref<128xi32, #tpu.memory_space<vmem>>
    %dma_wait3A_44 = arith.constant 0 : i32
    %dma_wait3A_45 = arith.constant 0 : i32
    %dma_wait3A_46 = tpu.memref_slice %arg2[%dma_wait3A_44, %dma_wait3A_45] : memref<8192x128xf32, #tpu.memory_space<hbm>> -> memref<8192x128xf32, #tpu.memory_space<hbm>>
    tpu.wait_indirect_dma semaphore(%arg7 : memref<!tpu.dma_semaphore, #tpu.memory_space<semaphore_mem>>) src(%dma_wait3A_46 : memref<8192x128xf32, #tpu.memory_space<hbm>>) dst(%arg6 : memref<128x128xf32, #tpu.memory_space<vmem>>)
    %add3A_47 = arith.constant 256 : i32
    %add3A_48 = arith.addi %mul3A_2, %add3A_47 : i32
    "tpu.region"() ({
      %run_scoped3A = tpu.sem_alloc : memref<!tpu.dma_semaphore, #tpu.memory_space<semaphore_mem>>
      %dma_start3A_161 = arith.constant 0 : i32
      %dma_start3A_162 = tpu.memref_slice %arg4[%add3A_48, %dma_start3A_161] : memref<40960x128xf32, #tpu.memory_space<hbm>> -> memref<128x128xf32, #tpu.memory_space<hbm>>
      %dma_start3A_163 = arith.constant 0 : i32
      %dma_start3A_164 = tpu.memref_slice %arg4[%add3A_48, %dma_start3A_163] : memref<40960x128xf32, #tpu.memory_space<hbm>> -> memref<128x128xf32, #tpu.memory_space<hbm>>
      tpu.enqueue_dma source(%arg6 : memref<128x128xf32, #tpu.memory_space<vmem>>) target(%dma_start3A_164 : memref<128x128xf32, #tpu.memory_space<hbm>>) target_semaphore(%run_scoped3A : memref<!tpu.dma_semaphore, #tpu.memory_space<semaphore_mem>>)
      %dma_wait3A_165 = arith.constant 0 : i32
      %dma_wait3A_166 = tpu.memref_slice %arg4[%add3A_48, %dma_wait3A_165] : memref<40960x128xf32, #tpu.memory_space<hbm>> -> memref<128x128xf32, #tpu.memory_space<hbm>>
      %dma_wait3A_167 = arith.constant 0 : i32
      %dma_wait3A_168 = tpu.memref_slice %arg4[%add3A_48, %dma_wait3A_167] : memref<40960x128xf32, #tpu.memory_space<hbm>> -> memref<128x128xf32, #tpu.memory_space<hbm>>
      tpu.wait_dma2 semaphore(%run_scoped3A : memref<!tpu.dma_semaphore, #tpu.memory_space<semaphore_mem>>) src(%arg6 : memref<128x128xf32, #tpu.memory_space<vmem>>) dst(%dma_wait3A_168 : memref<128x128xf32, #tpu.memory_space<hbm>>)
      tpu.yield
    }) : () -> ()
    %dma_start3A_49 = arith.constant 3 : i32
    %dma_start3A_50 = arith.constant 0 : i32
    %dma_start3A_51 = tpu.memref_slice %arg5[%dma_start3A_49, %dma_start3A_50] : memref<10x128xi32, #tpu.memory_space<vmem>> -> memref<1x128xi32, #tpu.memory_space<vmem>>
    %dma_start3A_52 = tpu.memref_squeeze %dma_start3A_51 : memref<1x128xi32, #tpu.memory_space<vmem>> -> memref<128xi32, #tpu.memory_space<vmem>>
    %dma_start3A_53 = arith.constant 0 : i32
    %dma_start3A_54 = arith.constant 0 : i32
    %dma_start3A_55 = tpu.memref_slice %arg2[%dma_start3A_53, %dma_start3A_54] : memref<8192x128xf32, #tpu.memory_space<hbm>> -> memref<8192x128xf32, #tpu.memory_space<hbm>>
    tpu.enqueue_indirect_dma source(%dma_start3A_55 : memref<8192x128xf32, #tpu.memory_space<hbm>>) target(%arg6 : memref<128x128xf32, #tpu.memory_space<vmem>>) offsets(%dma_start3A_52 : memref<128xi32, #tpu.memory_space<vmem>>) semaphore(%arg7 : memref<!tpu.dma_semaphore, #tpu.memory_space<semaphore_mem>>)
    %dma_wait3A_56 = arith.constant 3 : i32
    %dma_wait3A_57 = arith.constant 0 : i32
    %dma_wait3A_58 = tpu.memref_slice %arg5[%dma_wait3A_56, %dma_wait3A_57] : memref<10x128xi32, #tpu.memory_space<vmem>> -> memref<1x128xi32, #tpu.memory_space<vmem>>
    %dma_wait3A_59 = tpu.memref_squeeze %dma_wait3A_58 : memref<1x128xi32, #tpu.memory_space<vmem>> -> memref<128xi32, #tpu.memory_space<vmem>>
    %dma_wait3A_60 = arith.constant 0 : i32
    %dma_wait3A_61 = arith.constant 0 : i32
    %dma_wait3A_62 = tpu.memref_slice %arg2[%dma_wait3A_60, %dma_wait3A_61] : memref<8192x128xf32, #tpu.memory_space<hbm>> -> memref<8192x128xf32, #tpu.memory_space<hbm>>
    tpu.wait_indirect_dma semaphore(%arg7 : memref<!tpu.dma_semaphore, #tpu.memory_space<semaphore_mem>>) src(%dma_wait3A_62 : memref<8192x128xf32, #tpu.memory_space<hbm>>) dst(%arg6 : memref<128x128xf32, #tpu.memory_space<vmem>>)
    %add3A_63 = arith.constant 384 : i32
    %add3A_64 = arith.addi %mul3A_2, %add3A_63 : i32
    "tpu.region"() ({
      %run_scoped3A = tpu.sem_alloc : memref<!tpu.dma_semaphore, #tpu.memory_space<semaphore_mem>>
      %dma_start3A_161 = arith.constant 0 : i32
      %dma_start3A_162 = tpu.memref_slice %arg4[%add3A_64, %dma_start3A_161] : memref<40960x128xf32, #tpu.memory_space<hbm>> -> memref<128x128xf32, #tpu.memory_space<hbm>>
      %dma_start3A_163 = arith.constant 0 : i32
      %dma_start3A_164 = tpu.memref_slice %arg4[%add3A_64, %dma_start3A_163] : memref<40960x128xf32, #tpu.memory_space<hbm>> -> memref<128x128xf32, #tpu.memory_space<hbm>>
      tpu.enqueue_dma source(%arg6 : memref<128x128xf32, #tpu.memory_space<vmem>>) target(%dma_start3A_164 : memref<128x128xf32, #tpu.memory_space<hbm>>) target_semaphore(%run_scoped3A : memref<!tpu.dma_semaphore, #tpu.memory_space<semaphore_mem>>)
      %dma_wait3A_165 = arith.constant 0 : i32
      %dma_wait3A_166 = tpu.memref_slice %arg4[%add3A_64, %dma_wait3A_165] : memref<40960x128xf32, #tpu.memory_space<hbm>> -> memref<128x128xf32, #tpu.memory_space<hbm>>
      %dma_wait3A_167 = arith.constant 0 : i32
      %dma_wait3A_168 = tpu.memref_slice %arg4[%add3A_64, %dma_wait3A_167] : memref<40960x128xf32, #tpu.memory_space<hbm>> -> memref<128x128xf32, #tpu.memory_space<hbm>>
      tpu.wait_dma2 semaphore(%run_scoped3A : memref<!tpu.dma_semaphore, #tpu.memory_space<semaphore_mem>>) src(%arg6 : memref<128x128xf32, #tpu.memory_space<vmem>>) dst(%dma_wait3A_168 : memref<128x128xf32, #tpu.memory_space<hbm>>)
      tpu.yield
    }) : () -> ()
    %dma_start3A_65 = arith.constant 4 : i32
    %dma_start3A_66 = arith.constant 0 : i32
    %dma_start3A_67 = tpu.memref_slice %arg5[%dma_start3A_65, %dma_start3A_66] : memref<10x128xi32, #tpu.memory_space<vmem>> -> memref<1x128xi32, #tpu.memory_space<vmem>>
    %dma_start3A_68 = tpu.memref_squeeze %dma_start3A_67 : memref<1x128xi32, #tpu.memory_space<vmem>> -> memref<128xi32, #tpu.memory_space<vmem>>
    %dma_start3A_69 = arith.constant 0 : i32
    %dma_start3A_70 = arith.constant 0 : i32
    %dma_start3A_71 = tpu.memref_slice %arg2[%dma_start3A_69, %dma_start3A_70] : memref<8192x128xf32, #tpu.memory_space<hbm>> -> memref<8192x128xf32, #tpu.memory_space<hbm>>
    tpu.enqueue_indirect_dma source(%dma_start3A_71 : memref<8192x128xf32, #tpu.memory_space<hbm>>) target(%arg6 : memref<128x128xf32, #tpu.memory_space<vmem>>) offsets(%dma_start3A_68 : memref<128xi32, #tpu.memory_space<vmem>>) semaphore(%arg7 : memref<!tpu.dma_semaphore, #tpu.memory_space<semaphore_mem>>)
    %dma_wait3A_72 = arith.constant 4 : i32
    %dma_wait3A_73 = arith.constant 0 : i32
    %dma_wait3A_74 = tpu.memref_slice %arg5[%dma_wait3A_72, %dma_wait3A_73] : memref<10x128xi32, #tpu.memory_space<vmem>> -> memref<1x128xi32, #tpu.memory_space<vmem>>
    %dma_wait3A_75 = tpu.memref_squeeze %dma_wait3A_74 : memref<1x128xi32, #tpu.memory_space<vmem>> -> memref<128xi32, #tpu.memory_space<vmem>>
    %dma_wait3A_76 = arith.constant 0 : i32
    %dma_wait3A_77 = arith.constant 0 : i32
    %dma_wait3A_78 = tpu.memref_slice %arg2[%dma_wait3A_76, %dma_wait3A_77] : memref<8192x128xf32, #tpu.memory_space<hbm>> -> memref<8192x128xf32, #tpu.memory_space<hbm>>
    tpu.wait_indirect_dma semaphore(%arg7 : memref<!tpu.dma_semaphore, #tpu.memory_space<semaphore_mem>>) src(%dma_wait3A_78 : memref<8192x128xf32, #tpu.memory_space<hbm>>) dst(%arg6 : memref<128x128xf32, #tpu.memory_space<vmem>>)
    %add3A_79 = arith.constant 512 : i32
    %add3A_80 = arith.addi %mul3A_2, %add3A_79 : i32
    "tpu.region"() ({
      %run_scoped3A = tpu.sem_alloc : memref<!tpu.dma_semaphore, #tpu.memory_space<semaphore_mem>>
      %dma_start3A_161 = arith.constant 0 : i32
      %dma_start3A_162 = tpu.memref_slice %arg4[%add3A_80, %dma_start3A_161] : memref<40960x128xf32, #tpu.memory_space<hbm>> -> memref<128x128xf32, #tpu.memory_space<hbm>>
      %dma_start3A_163 = arith.constant 0 : i32
      %dma_start3A_164 = tpu.memref_slice %arg4[%add3A_80, %dma_start3A_163] : memref<40960x128xf32, #tpu.memory_space<hbm>> -> memref<128x128xf32, #tpu.memory_space<hbm>>
      tpu.enqueue_dma source(%arg6 : memref<128x128xf32, #tpu.memory_space<vmem>>) target(%dma_start3A_164 : memref<128x128xf32, #tpu.memory_space<hbm>>) target_semaphore(%run_scoped3A : memref<!tpu.dma_semaphore, #tpu.memory_space<semaphore_mem>>)
      %dma_wait3A_165 = arith.constant 0 : i32
      %dma_wait3A_166 = tpu.memref_slice %arg4[%add3A_80, %dma_wait3A_165] : memref<40960x128xf32, #tpu.memory_space<hbm>> -> memref<128x128xf32, #tpu.memory_space<hbm>>
      %dma_wait3A_167 = arith.constant 0 : i32
      %dma_wait3A_168 = tpu.memref_slice %arg4[%add3A_80, %dma_wait3A_167] : memref<40960x128xf32, #tpu.memory_space<hbm>> -> memref<128x128xf32, #tpu.memory_space<hbm>>
      tpu.wait_dma2 semaphore(%run_scoped3A : memref<!tpu.dma_semaphore, #tpu.memory_space<semaphore_mem>>) src(%arg6 : memref<128x128xf32, #tpu.memory_space<vmem>>) dst(%dma_wait3A_168 : memref<128x128xf32, #tpu.memory_space<hbm>>)
      tpu.yield
    }) : () -> ()
    %dma_start3A_81 = arith.constant 5 : i32
    %dma_start3A_82 = arith.constant 0 : i32
    %dma_start3A_83 = tpu.memref_slice %arg5[%dma_start3A_81, %dma_start3A_82] : memref<10x128xi32, #tpu.memory_space<vmem>> -> memref<1x128xi32, #tpu.memory_space<vmem>>
    %dma_start3A_84 = tpu.memref_squeeze %dma_start3A_83 : memref<1x128xi32, #tpu.memory_space<vmem>> -> memref<128xi32, #tpu.memory_space<vmem>>
    %dma_start3A_85 = arith.constant 0 : i32
    %dma_start3A_86 = arith.constant 0 : i32
    %dma_start3A_87 = tpu.memref_slice %arg2[%dma_start3A_85, %dma_start3A_86] : memref<8192x128xf32, #tpu.memory_space<hbm>> -> memref<8192x128xf32, #tpu.memory_space<hbm>>
    tpu.enqueue_indirect_dma source(%dma_start3A_87 : memref<8192x128xf32, #tpu.memory_space<hbm>>) target(%arg6 : memref<128x128xf32, #tpu.memory_space<vmem>>) offsets(%dma_start3A_84 : memref<128xi32, #tpu.memory_space<vmem>>) semaphore(%arg7 : memref<!tpu.dma_semaphore, #tpu.memory_space<semaphore_mem>>)
    %dma_wait3A_88 = arith.constant 5 : i32
    %dma_wait3A_89 = arith.constant 0 : i32
    %dma_wait3A_90 = tpu.memref_slice %arg5[%dma_wait3A_88, %dma_wait3A_89] : memref<10x128xi32, #tpu.memory_space<vmem>> -> memref<1x128xi32, #tpu.memory_space<vmem>>
    %dma_wait3A_91 = tpu.memref_squeeze %dma_wait3A_90 : memref<1x128xi32, #tpu.memory_space<vmem>> -> memref<128xi32, #tpu.memory_space<vmem>>
    %dma_wait3A_92 = arith.constant 0 : i32
    %dma_wait3A_93 = arith.constant 0 : i32
    %dma_wait3A_94 = tpu.memref_slice %arg2[%dma_wait3A_92, %dma_wait3A_93] : memref<8192x128xf32, #tpu.memory_space<hbm>> -> memref<8192x128xf32, #tpu.memory_space<hbm>>
    tpu.wait_indirect_dma semaphore(%arg7 : memref<!tpu.dma_semaphore, #tpu.memory_space<semaphore_mem>>) src(%dma_wait3A_94 : memref<8192x128xf32, #tpu.memory_space<hbm>>) dst(%arg6 : memref<128x128xf32, #tpu.memory_space<vmem>>)
    %add3A_95 = arith.constant 640 : i32
    %add3A_96 = arith.addi %mul3A_2, %add3A_95 : i32
    "tpu.region"() ({
      %run_scoped3A = tpu.sem_alloc : memref<!tpu.dma_semaphore, #tpu.memory_space<semaphore_mem>>
      %dma_start3A_161 = arith.constant 0 : i32
      %dma_start3A_162 = tpu.memref_slice %arg4[%add3A_96, %dma_start3A_161] : memref<40960x128xf32, #tpu.memory_space<hbm>> -> memref<128x128xf32, #tpu.memory_space<hbm>>
      %dma_start3A_163 = arith.constant 0 : i32
      %dma_start3A_164 = tpu.memref_slice %arg4[%add3A_96, %dma_start3A_163] : memref<40960x128xf32, #tpu.memory_space<hbm>> -> memref<128x128xf32, #tpu.memory_space<hbm>>
      tpu.enqueue_dma source(%arg6 : memref<128x128xf32, #tpu.memory_space<vmem>>) target(%dma_start3A_164 : memref<128x128xf32, #tpu.memory_space<hbm>>) target_semaphore(%run_scoped3A : memref<!tpu.dma_semaphore, #tpu.memory_space<semaphore_mem>>)
      %dma_wait3A_165 = arith.constant 0 : i32
      %dma_wait3A_166 = tpu.memref_slice %arg4[%add3A_96, %dma_wait3A_165] : memref<40960x128xf32, #tpu.memory_space<hbm>> -> memref<128x128xf32, #tpu.memory_space<hbm>>
      %dma_wait3A_167 = arith.constant 0 : i32
      %dma_wait3A_168 = tpu.memref_slice %arg4[%add3A_96, %dma_wait3A_167] : memref<40960x128xf32, #tpu.memory_space<hbm>> -> memref<128x128xf32, #tpu.memory_space<hbm>>
      tpu.wait_dma2 semaphore(%run_scoped3A : memref<!tpu.dma_semaphore, #tpu.memory_space<semaphore_mem>>) src(%arg6 : memref<128x128xf32, #tpu.memory_space<vmem>>) dst(%dma_wait3A_168 : memref<128x128xf32, #tpu.memory_space<hbm>>)
      tpu.yield
    }) : () -> ()
    %dma_start3A_97 = arith.constant 6 : i32
    %dma_start3A_98 = arith.constant 0 : i32
    %dma_start3A_99 = tpu.memref_slice %arg5[%dma_start3A_97, %dma_start3A_98] : memref<10x128xi32, #tpu.memory_space<vmem>> -> memref<1x128xi32, #tpu.memory_space<vmem>>
    %dma_start3A_100 = tpu.memref_squeeze %dma_start3A_99 : memref<1x128xi32, #tpu.memory_space<vmem>> -> memref<128xi32, #tpu.memory_space<vmem>>
    %dma_start3A_101 = arith.constant 0 : i32
    %dma_start3A_102 = arith.constant 0 : i32
    %dma_start3A_103 = tpu.memref_slice %arg2[%dma_start3A_101, %dma_start3A_102] : memref<8192x128xf32, #tpu.memory_space<hbm>> -> memref<8192x128xf32, #tpu.memory_space<hbm>>
    tpu.enqueue_indirect_dma source(%dma_start3A_103 : memref<8192x128xf32, #tpu.memory_space<hbm>>) target(%arg6 : memref<128x128xf32, #tpu.memory_space<vmem>>) offsets(%dma_start3A_100 : memref<128xi32, #tpu.memory_space<vmem>>) semaphore(%arg7 : memref<!tpu.dma_semaphore, #tpu.memory_space<semaphore_mem>>)
    %dma_wait3A_104 = arith.constant 6 : i32
    %dma_wait3A_105 = arith.constant 0 : i32
    %dma_wait3A_106 = tpu.memref_slice %arg5[%dma_wait3A_104, %dma_wait3A_105] : memref<10x128xi32, #tpu.memory_space<vmem>> -> memref<1x128xi32, #tpu.memory_space<vmem>>
    %dma_wait3A_107 = tpu.memref_squeeze %dma_wait3A_106 : memref<1x128xi32, #tpu.memory_space<vmem>> -> memref<128xi32, #tpu.memory_space<vmem>>
    %dma_wait3A_108 = arith.constant 0 : i32
    %dma_wait3A_109 = arith.constant 0 : i32
    %dma_wait3A_110 = tpu.memref_slice %arg2[%dma_wait3A_108, %dma_wait3A_109] : memref<8192x128xf32, #tpu.memory_space<hbm>> -> memref<8192x128xf32, #tpu.memory_space<hbm>>
    tpu.wait_indirect_dma semaphore(%arg7 : memref<!tpu.dma_semaphore, #tpu.memory_space<semaphore_mem>>) src(%dma_wait3A_110 : memref<8192x128xf32, #tpu.memory_space<hbm>>) dst(%arg6 : memref<128x128xf32, #tpu.memory_space<vmem>>)
    %add3A_111 = arith.constant 768 : i32
    %add3A_112 = arith.addi %mul3A_2, %add3A_111 : i32
    "tpu.region"() ({
      %run_scoped3A = tpu.sem_alloc : memref<!tpu.dma_semaphore, #tpu.memory_space<semaphore_mem>>
      %dma_start3A_161 = arith.constant 0 : i32
      %dma_start3A_162 = tpu.memref_slice %arg4[%add3A_112, %dma_start3A_161] : memref<40960x128xf32, #tpu.memory_space<hbm>> -> memref<128x128xf32, #tpu.memory_space<hbm>>
      %dma_start3A_163 = arith.constant 0 : i32
      %dma_start3A_164 = tpu.memref_slice %arg4[%add3A_112, %dma_start3A_163] : memref<40960x128xf32, #tpu.memory_space<hbm>> -> memref<128x128xf32, #tpu.memory_space<hbm>>
      tpu.enqueue_dma source(%arg6 : memref<128x128xf32, #tpu.memory_space<vmem>>) target(%dma_start3A_164 : memref<128x128xf32, #tpu.memory_space<hbm>>) target_semaphore(%run_scoped3A : memref<!tpu.dma_semaphore, #tpu.memory_space<semaphore_mem>>)
      %dma_wait3A_165 = arith.constant 0 : i32
      %dma_wait3A_166 = tpu.memref_slice %arg4[%add3A_112, %dma_wait3A_165] : memref<40960x128xf32, #tpu.memory_space<hbm>> -> memref<128x128xf32, #tpu.memory_space<hbm>>
      %dma_wait3A_167 = arith.constant 0 : i32
      %dma_wait3A_168 = tpu.memref_slice %arg4[%add3A_112, %dma_wait3A_167] : memref<40960x128xf32, #tpu.memory_space<hbm>> -> memref<128x128xf32, #tpu.memory_space<hbm>>
      tpu.wait_dma2 semaphore(%run_scoped3A : memref<!tpu.dma_semaphore, #tpu.memory_space<semaphore_mem>>) src(%arg6 : memref<128x128xf32, #tpu.memory_space<vmem>>) dst(%dma_wait3A_168 : memref<128x128xf32, #tpu.memory_space<hbm>>)
      tpu.yield
    }) : () -> ()
    %dma_start3A_113 = arith.constant 7 : i32
    %dma_start3A_114 = arith.constant 0 : i32
    %dma_start3A_115 = tpu.memref_slice %arg5[%dma_start3A_113, %dma_start3A_114] : memref<10x128xi32, #tpu.memory_space<vmem>> -> memref<1x128xi32, #tpu.memory_space<vmem>>
    %dma_start3A_116 = tpu.memref_squeeze %dma_start3A_115 : memref<1x128xi32, #tpu.memory_space<vmem>> -> memref<128xi32, #tpu.memory_space<vmem>>
    %dma_start3A_117 = arith.constant 0 : i32
    %dma_start3A_118 = arith.constant 0 : i32
    %dma_start3A_119 = tpu.memref_slice %arg2[%dma_start3A_117, %dma_start3A_118] : memref<8192x128xf32, #tpu.memory_space<hbm>> -> memref<8192x128xf32, #tpu.memory_space<hbm>>
    tpu.enqueue_indirect_dma source(%dma_start3A_119 : memref<8192x128xf32, #tpu.memory_space<hbm>>) target(%arg6 : memref<128x128xf32, #tpu.memory_space<vmem>>) offsets(%dma_start3A_116 : memref<128xi32, #tpu.memory_space<vmem>>) semaphore(%arg7 : memref<!tpu.dma_semaphore, #tpu.memory_space<semaphore_mem>>)
    %dma_wait3A_120 = arith.constant 7 : i32
    %dma_wait3A_121 = arith.constant 0 : i32
    %dma_wait3A_122 = tpu.memref_slice %arg5[%dma_wait3A_120, %dma_wait3A_121] : memref<10x128xi32, #tpu.memory_space<vmem>> -> memref<1x128xi32, #tpu.memory_space<vmem>>
    %dma_wait3A_123 = tpu.memref_squeeze %dma_wait3A_122 : memref<1x128xi32, #tpu.memory_space<vmem>> -> memref<128xi32, #tpu.memory_space<vmem>>
    %dma_wait3A_124 = arith.constant 0 : i32
    %dma_wait3A_125 = arith.constant 0 : i32
    %dma_wait3A_126 = tpu.memref_slice %arg2[%dma_wait3A_124, %dma_wait3A_125] : memref<8192x128xf32, #tpu.memory_space<hbm>> -> memref<8192x128xf32, #tpu.memory_space<hbm>>
    tpu.wait_indirect_dma semaphore(%arg7 : memref<!tpu.dma_semaphore, #tpu.memory_space<semaphore_mem>>) src(%dma_wait3A_126 : memref<8192x128xf32, #tpu.memory_space<hbm>>) dst(%arg6 : memref<128x128xf32, #tpu.memory_space<vmem>>)
    %add3A_127 = arith.constant 896 : i32
    %add3A_128 = arith.addi %mul3A_2, %add3A_127 : i32
    "tpu.region"() ({
      %run_scoped3A = tpu.sem_alloc : memref<!tpu.dma_semaphore, #tpu.memory_space<semaphore_mem>>
      %dma_start3A_161 = arith.constant 0 : i32
      %dma_start3A_162 = tpu.memref_slice %arg4[%add3A_128, %dma_start3A_161] : memref<40960x128xf32, #tpu.memory_space<hbm>> -> memref<128x128xf32, #tpu.memory_space<hbm>>
      %dma_start3A_163 = arith.constant 0 : i32
      %dma_start3A_164 = tpu.memref_slice %arg4[%add3A_128, %dma_start3A_163] : memref<40960x128xf32, #tpu.memory_space<hbm>> -> memref<128x128xf32, #tpu.memory_space<hbm>>
      tpu.enqueue_dma source(%arg6 : memref<128x128xf32, #tpu.memory_space<vmem>>) target(%dma_start3A_164 : memref<128x128xf32, #tpu.memory_space<hbm>>) target_semaphore(%run_scoped3A : memref<!tpu.dma_semaphore, #tpu.memory_space<semaphore_mem>>)
      %dma_wait3A_165 = arith.constant 0 : i32
      %dma_wait3A_166 = tpu.memref_slice %arg4[%add3A_128, %dma_wait3A_165] : memref<40960x128xf32, #tpu.memory_space<hbm>> -> memref<128x128xf32, #tpu.memory_space<hbm>>
      %dma_wait3A_167 = arith.constant 0 : i32
      %dma_wait3A_168 = tpu.memref_slice %arg4[%add3A_128, %dma_wait3A_167] : memref<40960x128xf32, #tpu.memory_space<hbm>> -> memref<128x128xf32, #tpu.memory_space<hbm>>
      tpu.wait_dma2 semaphore(%run_scoped3A : memref<!tpu.dma_semaphore, #tpu.memory_space<semaphore_mem>>) src(%arg6 : memref<128x128xf32, #tpu.memory_space<vmem>>) dst(%dma_wait3A_168 : memref<128x128xf32, #tpu.memory_space<hbm>>)
      tpu.yield
    }) : () -> ()
    %dma_start3A_129 = arith.constant 8 : i32
    %dma_start3A_130 = arith.constant 0 : i32
    %dma_start3A_131 = tpu.memref_slice %arg5[%dma_start3A_129, %dma_start3A_130] : memref<10x128xi32, #tpu.memory_space<vmem>> -> memref<1x128xi32, #tpu.memory_space<vmem>>
    %dma_start3A_132 = tpu.memref_squeeze %dma_start3A_131 : memref<1x128xi32, #tpu.memory_space<vmem>> -> memref<128xi32, #tpu.memory_space<vmem>>
    %dma_start3A_133 = arith.constant 0 : i32
    %dma_start3A_134 = arith.constant 0 : i32
    %dma_start3A_135 = tpu.memref_slice %arg2[%dma_start3A_133, %dma_start3A_134] : memref<8192x128xf32, #tpu.memory_space<hbm>> -> memref<8192x128xf32, #tpu.memory_space<hbm>>
    tpu.enqueue_indirect_dma source(%dma_start3A_135 : memref<8192x128xf32, #tpu.memory_space<hbm>>) target(%arg6 : memref<128x128xf32, #tpu.memory_space<vmem>>) offsets(%dma_start3A_132 : memref<128xi32, #tpu.memory_space<vmem>>) semaphore(%arg7 : memref<!tpu.dma_semaphore, #tpu.memory_space<semaphore_mem>>)
    %dma_wait3A_136 = arith.constant 8 : i32
    %dma_wait3A_137 = arith.constant 0 : i32
    %dma_wait3A_138 = tpu.memref_slice %arg5[%dma_wait3A_136, %dma_wait3A_137] : memref<10x128xi32, #tpu.memory_space<vmem>> -> memref<1x128xi32, #tpu.memory_space<vmem>>
    %dma_wait3A_139 = tpu.memref_squeeze %dma_wait3A_138 : memref<1x128xi32, #tpu.memory_space<vmem>> -> memref<128xi32, #tpu.memory_space<vmem>>
    %dma_wait3A_140 = arith.constant 0 : i32
    %dma_wait3A_141 = arith.constant 0 : i32
    %dma_wait3A_142 = tpu.memref_slice %arg2[%dma_wait3A_140, %dma_wait3A_141] : memref<8192x128xf32, #tpu.memory_space<hbm>> -> memref<8192x128xf32, #tpu.memory_space<hbm>>
    tpu.wait_indirect_dma semaphore(%arg7 : memref<!tpu.dma_semaphore, #tpu.memory_space<semaphore_mem>>) src(%dma_wait3A_142 : memref<8192x128xf32, #tpu.memory_space<hbm>>) dst(%arg6 : memref<128x128xf32, #tpu.memory_space<vmem>>)
    %add3A_143 = arith.constant 1024 : i32
    %add3A_144 = arith.addi %mul3A_2, %add3A_143 : i32
    "tpu.region"() ({
      %run_scoped3A = tpu.sem_alloc : memref<!tpu.dma_semaphore, #tpu.memory_space<semaphore_mem>>
      %dma_start3A_161 = arith.constant 0 : i32
      %dma_start3A_162 = tpu.memref_slice %arg4[%add3A_144, %dma_start3A_161] : memref<40960x128xf32, #tpu.memory_space<hbm>> -> memref<128x128xf32, #tpu.memory_space<hbm>>
      %dma_start3A_163 = arith.constant 0 : i32
      %dma_start3A_164 = tpu.memref_slice %arg4[%add3A_144, %dma_start3A_163] : memref<40960x128xf32, #tpu.memory_space<hbm>> -> memref<128x128xf32, #tpu.memory_space<hbm>>
      tpu.enqueue_dma source(%arg6 : memref<128x128xf32, #tpu.memory_space<vmem>>) target(%dma_start3A_164 : memref<128x128xf32, #tpu.memory_space<hbm>>) target_semaphore(%run_scoped3A : memref<!tpu.dma_semaphore, #tpu.memory_space<semaphore_mem>>)
      %dma_wait3A_165 = arith.constant 0 : i32
      %dma_wait3A_166 = tpu.memref_slice %arg4[%add3A_144, %dma_wait3A_165] : memref<40960x128xf32, #tpu.memory_space<hbm>> -> memref<128x128xf32, #tpu.memory_space<hbm>>
      %dma_wait3A_167 = arith.constant 0 : i32
      %dma_wait3A_168 = tpu.memref_slice %arg4[%add3A_144, %dma_wait3A_167] : memref<40960x128xf32, #tpu.memory_space<hbm>> -> memref<128x128xf32, #tpu.memory_space<hbm>>
      tpu.wait_dma2 semaphore(%run_scoped3A : memref<!tpu.dma_semaphore, #tpu.memory_space<semaphore_mem>>) src(%arg6 : memref<128x128xf32, #tpu.memory_space<vmem>>) dst(%dma_wait3A_168 : memref<128x128xf32, #tpu.memory_space<hbm>>)
      tpu.yield
    }) : () -> ()
    %dma_start3A_145 = arith.constant 9 : i32
    %dma_start3A_146 = arith.constant 0 : i32
    %dma_start3A_147 = tpu.memref_slice %arg5[%dma_start3A_145, %dma_start3A_146] : memref<10x128xi32, #tpu.memory_space<vmem>> -> memref<1x128xi32, #tpu.memory_space<vmem>>
    %dma_start3A_148 = tpu.memref_squeeze %dma_start3A_147 : memref<1x128xi32, #tpu.memory_space<vmem>> -> memref<128xi32, #tpu.memory_space<vmem>>
    %dma_start3A_149 = arith.constant 0 : i32
    %dma_start3A_150 = arith.constant 0 : i32
    %dma_start3A_151 = tpu.memref_slice %arg2[%dma_start3A_149, %dma_start3A_150] : memref<8192x128xf32, #tpu.memory_space<hbm>> -> memref<8192x128xf32, #tpu.memory_space<hbm>>
    tpu.enqueue_indirect_dma source(%dma_start3A_151 : memref<8192x128xf32, #tpu.memory_space<hbm>>) target(%arg6 : memref<128x128xf32, #tpu.memory_space<vmem>>) offsets(%dma_start3A_148 : memref<128xi32, #tpu.memory_space<vmem>>) semaphore(%arg7 : memref<!tpu.dma_semaphore, #tpu.memory_space<semaphore_mem>>)
    %dma_wait3A_152 = arith.constant 9 : i32
    %dma_wait3A_153 = arith.constant 0 : i32
    %dma_wait3A_154 = tpu.memref_slice %arg5[%dma_wait3A_152, %dma_wait3A_153] : memref<10x128xi32, #tpu.memory_space<vmem>> -> memref<1x128xi32, #tpu.memory_space<vmem>>
    %dma_wait3A_155 = tpu.memref_squeeze %dma_wait3A_154 : memref<1x128xi32, #tpu.memory_space<vmem>> -> memref<128xi32, #tpu.memory_space<vmem>>
    %dma_wait3A_156 = arith.constant 0 : i32
    %dma_wait3A_157 = arith.constant 0 : i32
    %dma_wait3A_158 = tpu.memref_slice %arg2[%dma_wait3A_156, %dma_wait3A_157] : memref<8192x128xf32, #tpu.memory_space<hbm>> -> memref<8192x128xf32, #tpu.memory_space<hbm>>
    tpu.wait_indirect_dma semaphore(%arg7 : memref<!tpu.dma_semaphore, #tpu.memory_space<semaphore_mem>>) src(%dma_wait3A_158 : memref<8192x128xf32, #tpu.memory_space<hbm>>) dst(%arg6 : memref<128x128xf32, #tpu.memory_space<vmem>>)
    %add3A_159 = arith.constant 1152 : i32
    %add3A_160 = arith.addi %mul3A_2, %add3A_159 : i32
    "tpu.region"() ({
      %run_scoped3A = tpu.sem_alloc : memref<!tpu.dma_semaphore, #tpu.memory_space<semaphore_mem>>
      %dma_start3A_161 = arith.constant 0 : i32
      %dma_start3A_162 = tpu.memref_slice %arg4[%add3A_160, %dma_start3A_161] : memref<40960x128xf32, #tpu.memory_space<hbm>> -> memref<128x128xf32, #tpu.memory_space<hbm>>
      %dma_start3A_163 = arith.constant 0 : i32
      %dma_start3A_164 = tpu.memref_slice %arg4[%add3A_160, %dma_start3A_163] : memref<40960x128xf32, #tpu.memory_space<hbm>> -> memref<128x128xf32, #tpu.memory_space<hbm>>
      tpu.enqueue_dma source(%arg6 : memref<128x128xf32, #tpu.memory_space<vmem>>) target(%dma_start3A_164 : memref<128x128xf32, #tpu.memory_space<hbm>>) target_semaphore(%run_scoped3A : memref<!tpu.dma_semaphore, #tpu.memory_space<semaphore_mem>>)
      %dma_wait3A_165 = arith.constant 0 : i32
      %dma_wait3A_166 = tpu.memref_slice %arg4[%add3A_160, %dma_wait3A_165] : memref<40960x128xf32, #tpu.memory_space<hbm>> -> memref<128x128xf32, #tpu.memory_space<hbm>>
      %dma_wait3A_167 = arith.constant 0 : i32
      %dma_wait3A_168 = tpu.memref_slice %arg4[%add3A_160, %dma_wait3A_167] : memref<40960x128xf32, #tpu.memory_space<hbm>> -> memref<128x128xf32, #tpu.memory_space<hbm>>
      tpu.wait_dma2 semaphore(%run_scoped3A : memref<!tpu.dma_semaphore, #tpu.memory_space<semaphore_mem>>) src(%arg6 : memref<128x128xf32, #tpu.memory_space<vmem>>) dst(%dma_wait3A_168 : memref<128x128xf32, #tpu.memory_space<hbm>>)
      tpu.yield
    }) : () -> ()
    return
  }
}

module attributes {stable_mosaic.version = 14 : i64} {
  func.func @_a_body(%arg0: memref<8192x20xf32, #tpu.memory_space<vmem>>, %arg1: memref<8192x1xi32, #tpu.memory_space<vmem>>, %arg2: memref<80x128xf32, #tpu.memory_space<vmem>>, %arg3: memref<2x128xf32, #tpu.memory_space<vmem>>, %arg4: memref<1x128xf32, #tpu.memory_space<vmem>>, %arg5: memref<128x128xf32, #tpu.memory_space<vmem>>, %arg6: memref<2x128xf32, #tpu.memory_space<vmem>>, %arg7: memref<1x128xf32, #tpu.memory_space<vmem>>, %arg8: memref<128x64xf32, #tpu.memory_space<vmem>>, %arg9: memref<1x64xf32, #tpu.memory_space<vmem>>, %arg10: memref<64x16xf32, #tpu.memory_space<vmem>>, %arg11: memref<1x16xf32, #tpu.memory_space<vmem>>, %arg12: memref<64x128xf32, #tpu.memory_space<vmem>>, %arg13: memref<1x128xf32, #tpu.memory_space<vmem>>, %arg14: memref<8192x64xf32, #tpu.memory_space<vmem>>, %arg15: memref<8192x16xf32, #tpu.memory_space<vmem>>, %arg16: memref<8192x128xf32, #tpu.memory_space<vmem>>) attributes {dimension_semantics = [], scalar_prefetch = 0 : i64, scratch_operands = 0 : i64, tpu.core_type = #tpu.core_type<tc>} {
    %get3A = arith.constant 0 : index
    %get3A_0 = arith.constant 0 : index
    %get3A_1 = vector.load %arg0[%get3A, %get3A_0] : memref<8192x20xf32, #tpu.memory_space<vmem>>, vector<8192x20xf32>
    %get3A_2 = arith.constant 0 : index
    %get3A_3 = arith.constant 0 : index
    %get3A_4 = vector.load %arg1[%get3A_2, %get3A_3] : memref<8192x1xi32, #tpu.memory_space<vmem>>, vector<8192x1xi32>
    %iota3A = tpu.iota {dimensions = array<i32: 1>} : vector<1x8xi32>
    %eq3A = vector.broadcast %get3A_4 : vector<8192x1xi32> to vector<8192x8xi32>
    %eq3A_5 = vector.broadcast %iota3A : vector<1x8xi32> to vector<8192x8xi32>
    %eq3A_6 = arith.cmpi eq, %eq3A, %eq3A_5 : vector<8192x8xi32>
    %convert_element_type3A = arith.extui %eq3A_6 : vector<8192x8xi1> to vector<8192x8xi32>
    %convert_element_type3A_7 = arith.sitofp %convert_element_type3A : vector<8192x8xi32> to vector<8192x8xf32>
    %broadcast_in_dim3A = arith.constant 1.000000e+00 : f32
    %broadcast_in_dim3A_8 = vector.broadcast %broadcast_in_dim3A : f32 to vector<8192x1xf32>
    %dot_general3A = arith.constant dense<0.000000e+00> : vector<8x1xf32>
    %dot_general3A_9 = tpu.matmul %convert_element_type3A_7, %broadcast_in_dim3A_8, %dot_general3A {dimension_numbers = #tpu.dot_dimension_numbers<[0], [0], [1], [1], [0, 1, 1, 1], [], []>, transpose_lhs_hint = false} : vector<8192x8xf32>, vector<8192x1xf32>, vector<8x1xf32> -> vector<8x1xf32>
    %dot_general3A_10 = arith.constant dense<0.000000e+00> : vector<8x20xf32>
    %dot_general3A_11 = tpu.matmul %convert_element_type3A_7, %get3A_1, %dot_general3A_10 {dimension_numbers = #tpu.dot_dimension_numbers<[0], [0], [1], [1], [0, 1, 1, 1], [], []>, transpose_lhs_hint = false} : vector<8192x8xf32>, vector<8192x20xf32>, vector<8x20xf32> -> vector<8x20xf32>
    %max3A = arith.constant 1.000000e+00 : f32
    %max3A_12 = vector.broadcast %max3A : f32 to vector<8x1xf32>
    %max3A_13 = arith.maximumf %dot_general3A_9, %max3A_12 : vector<8x1xf32>
    %div3A = vector.broadcast %max3A_13 : vector<8x1xf32> to vector<8x20xf32>
    %div3A_14 = arith.divf %dot_general3A_11, %div3A : vector<8x20xf32>
    %eq3A_15 = arith.constant 0 : i32
    %eq3A_16 = vector.broadcast %eq3A_15 : i32 to vector<8192x1xi32>
    %eq3A_17 = arith.cmpi eq, %get3A_4, %eq3A_16 : vector<8192x1xi32>
    %jit3A = arith.constant 0x7F800000 : f32
    %broadcast_in_dim3A_18 = vector.shape_cast %eq3A_17 : vector<8192x1xi1> to vector<8192x1xi1>
    %broadcast_in_dim3A_19 = vector.broadcast %broadcast_in_dim3A_18 : vector<8192x1xi1> to vector<8192x20xi1>
    %broadcast_in_dim3A_20 = vector.broadcast %jit3A : f32 to vector<8192x20xf32>
    %select_n3A = arith.select %broadcast_in_dim3A_19, %get3A_1, %broadcast_in_dim3A_20 : vector<8192x20xi1>, vector<8192x20xf32>
    %reduce_min3A = arith.constant dense<0x7F800000> : vector<20xf32>
    %reduce_min3A_21 = vector.multi_reduction <minimumf>, %select_n3A, %reduce_min3A [0] : vector<8192x20xf32> to vector<20xf32>
    %broadcast_in_dim3A_22 = vector.shape_cast %reduce_min3A_21 : vector<20xf32> to vector<1x20xf32>
    %jit3A_23 = arith.constant 0xFF800000 : f32
    %broadcast_in_dim3A_24 = vector.shape_cast %eq3A_17 : vector<8192x1xi1> to vector<8192x1xi1>
    %broadcast_in_dim3A_25 = vector.broadcast %broadcast_in_dim3A_24 : vector<8192x1xi1> to vector<8192x20xi1>
    %broadcast_in_dim3A_26 = vector.broadcast %jit3A_23 : f32 to vector<8192x20xf32>
    %select_n3A_27 = arith.select %broadcast_in_dim3A_25, %get3A_1, %broadcast_in_dim3A_26 : vector<8192x20xi1>, vector<8192x20xf32>
    %reduce_max3A = arith.constant dense<0xFF800000> : vector<20xf32>
    %reduce_max3A_28 = vector.multi_reduction <maximumf>, %select_n3A_27, %reduce_max3A [0] : vector<8192x20xf32> to vector<20xf32>
    %broadcast_in_dim3A_29 = vector.shape_cast %reduce_max3A_28 : vector<20xf32> to vector<1x20xf32>
    %eq3A_30 = arith.constant 1 : i32
    %eq3A_31 = vector.broadcast %eq3A_30 : i32 to vector<8192x1xi32>
    %eq3A_32 = arith.cmpi eq, %get3A_4, %eq3A_31 : vector<8192x1xi32>
    %jit3A_33 = arith.constant 0x7F800000 : f32
    %broadcast_in_dim3A_34 = vector.shape_cast %eq3A_32 : vector<8192x1xi1> to vector<8192x1xi1>
    %broadcast_in_dim3A_35 = vector.broadcast %broadcast_in_dim3A_34 : vector<8192x1xi1> to vector<8192x20xi1>
    %broadcast_in_dim3A_36 = vector.broadcast %jit3A_33 : f32 to vector<8192x20xf32>
    %select_n3A_37 = arith.select %broadcast_in_dim3A_35, %get3A_1, %broadcast_in_dim3A_36 : vector<8192x20xi1>, vector<8192x20xf32>
    %reduce_min3A_38 = arith.constant dense<0x7F800000> : vector<20xf32>
    %reduce_min3A_39 = vector.multi_reduction <minimumf>, %select_n3A_37, %reduce_min3A_38 [0] : vector<8192x20xf32> to vector<20xf32>
    %broadcast_in_dim3A_40 = vector.shape_cast %reduce_min3A_39 : vector<20xf32> to vector<1x20xf32>
    %jit3A_41 = arith.constant 0xFF800000 : f32
    %broadcast_in_dim3A_42 = vector.shape_cast %eq3A_32 : vector<8192x1xi1> to vector<8192x1xi1>
    %broadcast_in_dim3A_43 = vector.broadcast %broadcast_in_dim3A_42 : vector<8192x1xi1> to vector<8192x20xi1>
    %broadcast_in_dim3A_44 = vector.broadcast %jit3A_41 : f32 to vector<8192x20xf32>
    %select_n3A_45 = arith.select %broadcast_in_dim3A_43, %get3A_1, %broadcast_in_dim3A_44 : vector<8192x20xi1>, vector<8192x20xf32>
    %reduce_max3A_46 = arith.constant dense<0xFF800000> : vector<20xf32>
    %reduce_max3A_47 = vector.multi_reduction <maximumf>, %select_n3A_45, %reduce_max3A_46 [0] : vector<8192x20xf32> to vector<20xf32>
    %broadcast_in_dim3A_48 = vector.shape_cast %reduce_max3A_47 : vector<20xf32> to vector<1x20xf32>
    %eq3A_49 = arith.constant 2 : i32
    %eq3A_50 = vector.broadcast %eq3A_49 : i32 to vector<8192x1xi32>
    %eq3A_51 = arith.cmpi eq, %get3A_4, %eq3A_50 : vector<8192x1xi32>
    %jit3A_52 = arith.constant 0x7F800000 : f32
    %broadcast_in_dim3A_53 = vector.shape_cast %eq3A_51 : vector<8192x1xi1> to vector<8192x1xi1>
    %broadcast_in_dim3A_54 = vector.broadcast %broadcast_in_dim3A_53 : vector<8192x1xi1> to vector<8192x20xi1>
    %broadcast_in_dim3A_55 = vector.broadcast %jit3A_52 : f32 to vector<8192x20xf32>
    %select_n3A_56 = arith.select %broadcast_in_dim3A_54, %get3A_1, %broadcast_in_dim3A_55 : vector<8192x20xi1>, vector<8192x20xf32>
    %reduce_min3A_57 = arith.constant dense<0x7F800000> : vector<20xf32>
    %reduce_min3A_58 = vector.multi_reduction <minimumf>, %select_n3A_56, %reduce_min3A_57 [0] : vector<8192x20xf32> to vector<20xf32>
    %broadcast_in_dim3A_59 = vector.shape_cast %reduce_min3A_58 : vector<20xf32> to vector<1x20xf32>
    %jit3A_60 = arith.constant 0xFF800000 : f32
    %broadcast_in_dim3A_61 = vector.shape_cast %eq3A_51 : vector<8192x1xi1> to vector<8192x1xi1>
    %broadcast_in_dim3A_62 = vector.broadcast %broadcast_in_dim3A_61 : vector<8192x1xi1> to vector<8192x20xi1>
    %broadcast_in_dim3A_63 = vector.broadcast %jit3A_60 : f32 to vector<8192x20xf32>
    %select_n3A_64 = arith.select %broadcast_in_dim3A_62, %get3A_1, %broadcast_in_dim3A_63 : vector<8192x20xi1>, vector<8192x20xf32>
    %reduce_max3A_65 = arith.constant dense<0xFF800000> : vector<20xf32>
    %reduce_max3A_66 = vector.multi_reduction <maximumf>, %select_n3A_64, %reduce_max3A_65 [0] : vector<8192x20xf32> to vector<20xf32>
    %broadcast_in_dim3A_67 = vector.shape_cast %reduce_max3A_66 : vector<20xf32> to vector<1x20xf32>
    %eq3A_68 = arith.constant 3 : i32
    %eq3A_69 = vector.broadcast %eq3A_68 : i32 to vector<8192x1xi32>
    %eq3A_70 = arith.cmpi eq, %get3A_4, %eq3A_69 : vector<8192x1xi32>
    %jit3A_71 = arith.constant 0x7F800000 : f32
    %broadcast_in_dim3A_72 = vector.shape_cast %eq3A_70 : vector<8192x1xi1> to vector<8192x1xi1>
    %broadcast_in_dim3A_73 = vector.broadcast %broadcast_in_dim3A_72 : vector<8192x1xi1> to vector<8192x20xi1>
    %broadcast_in_dim3A_74 = vector.broadcast %jit3A_71 : f32 to vector<8192x20xf32>
    %select_n3A_75 = arith.select %broadcast_in_dim3A_73, %get3A_1, %broadcast_in_dim3A_74 : vector<8192x20xi1>, vector<8192x20xf32>
    %reduce_min3A_76 = arith.constant dense<0x7F800000> : vector<20xf32>
    %reduce_min3A_77 = vector.multi_reduction <minimumf>, %select_n3A_75, %reduce_min3A_76 [0] : vector<8192x20xf32> to vector<20xf32>
    %broadcast_in_dim3A_78 = vector.shape_cast %reduce_min3A_77 : vector<20xf32> to vector<1x20xf32>
    %jit3A_79 = arith.constant 0xFF800000 : f32
    %broadcast_in_dim3A_80 = vector.shape_cast %eq3A_70 : vector<8192x1xi1> to vector<8192x1xi1>
    %broadcast_in_dim3A_81 = vector.broadcast %broadcast_in_dim3A_80 : vector<8192x1xi1> to vector<8192x20xi1>
    %broadcast_in_dim3A_82 = vector.broadcast %jit3A_79 : f32 to vector<8192x20xf32>
    %select_n3A_83 = arith.select %broadcast_in_dim3A_81, %get3A_1, %broadcast_in_dim3A_82 : vector<8192x20xi1>, vector<8192x20xf32>
    %reduce_max3A_84 = arith.constant dense<0xFF800000> : vector<20xf32>
    %reduce_max3A_85 = vector.multi_reduction <maximumf>, %select_n3A_83, %reduce_max3A_84 [0] : vector<8192x20xf32> to vector<20xf32>
    %broadcast_in_dim3A_86 = vector.shape_cast %reduce_max3A_85 : vector<20xf32> to vector<1x20xf32>
    %eq3A_87 = arith.constant 4 : i32
    %eq3A_88 = vector.broadcast %eq3A_87 : i32 to vector<8192x1xi32>
    %eq3A_89 = arith.cmpi eq, %get3A_4, %eq3A_88 : vector<8192x1xi32>
    %jit3A_90 = arith.constant 0x7F800000 : f32
    %broadcast_in_dim3A_91 = vector.shape_cast %eq3A_89 : vector<8192x1xi1> to vector<8192x1xi1>
    %broadcast_in_dim3A_92 = vector.broadcast %broadcast_in_dim3A_91 : vector<8192x1xi1> to vector<8192x20xi1>
    %broadcast_in_dim3A_93 = vector.broadcast %jit3A_90 : f32 to vector<8192x20xf32>
    %select_n3A_94 = arith.select %broadcast_in_dim3A_92, %get3A_1, %broadcast_in_dim3A_93 : vector<8192x20xi1>, vector<8192x20xf32>
    %reduce_min3A_95 = arith.constant dense<0x7F800000> : vector<20xf32>
    %reduce_min3A_96 = vector.multi_reduction <minimumf>, %select_n3A_94, %reduce_min3A_95 [0] : vector<8192x20xf32> to vector<20xf32>
    %broadcast_in_dim3A_97 = vector.shape_cast %reduce_min3A_96 : vector<20xf32> to vector<1x20xf32>
    %jit3A_98 = arith.constant 0xFF800000 : f32
    %broadcast_in_dim3A_99 = vector.shape_cast %eq3A_89 : vector<8192x1xi1> to vector<8192x1xi1>
    %broadcast_in_dim3A_100 = vector.broadcast %broadcast_in_dim3A_99 : vector<8192x1xi1> to vector<8192x20xi1>
    %broadcast_in_dim3A_101 = vector.broadcast %jit3A_98 : f32 to vector<8192x20xf32>
    %select_n3A_102 = arith.select %broadcast_in_dim3A_100, %get3A_1, %broadcast_in_dim3A_101 : vector<8192x20xi1>, vector<8192x20xf32>
    %reduce_max3A_103 = arith.constant dense<0xFF800000> : vector<20xf32>
    %reduce_max3A_104 = vector.multi_reduction <maximumf>, %select_n3A_102, %reduce_max3A_103 [0] : vector<8192x20xf32> to vector<20xf32>
    %broadcast_in_dim3A_105 = vector.shape_cast %reduce_max3A_104 : vector<20xf32> to vector<1x20xf32>
    %eq3A_106 = arith.constant 5 : i32
    %eq3A_107 = vector.broadcast %eq3A_106 : i32 to vector<8192x1xi32>
    %eq3A_108 = arith.cmpi eq, %get3A_4, %eq3A_107 : vector<8192x1xi32>
    %jit3A_109 = arith.constant 0x7F800000 : f32
    %broadcast_in_dim3A_110 = vector.shape_cast %eq3A_108 : vector<8192x1xi1> to vector<8192x1xi1>
    %broadcast_in_dim3A_111 = vector.broadcast %broadcast_in_dim3A_110 : vector<8192x1xi1> to vector<8192x20xi1>
    %broadcast_in_dim3A_112 = vector.broadcast %jit3A_109 : f32 to vector<8192x20xf32>
    %select_n3A_113 = arith.select %broadcast_in_dim3A_111, %get3A_1, %broadcast_in_dim3A_112 : vector<8192x20xi1>, vector<8192x20xf32>
    %reduce_min3A_114 = arith.constant dense<0x7F800000> : vector<20xf32>
    %reduce_min3A_115 = vector.multi_reduction <minimumf>, %select_n3A_113, %reduce_min3A_114 [0] : vector<8192x20xf32> to vector<20xf32>
    %broadcast_in_dim3A_116 = vector.shape_cast %reduce_min3A_115 : vector<20xf32> to vector<1x20xf32>
    %jit3A_117 = arith.constant 0xFF800000 : f32
    %broadcast_in_dim3A_118 = vector.shape_cast %eq3A_108 : vector<8192x1xi1> to vector<8192x1xi1>
    %broadcast_in_dim3A_119 = vector.broadcast %broadcast_in_dim3A_118 : vector<8192x1xi1> to vector<8192x20xi1>
    %broadcast_in_dim3A_120 = vector.broadcast %jit3A_117 : f32 to vector<8192x20xf32>
    %select_n3A_121 = arith.select %broadcast_in_dim3A_119, %get3A_1, %broadcast_in_dim3A_120 : vector<8192x20xi1>, vector<8192x20xf32>
    %reduce_max3A_122 = arith.constant dense<0xFF800000> : vector<20xf32>
    %reduce_max3A_123 = vector.multi_reduction <maximumf>, %select_n3A_121, %reduce_max3A_122 [0] : vector<8192x20xf32> to vector<20xf32>
    %broadcast_in_dim3A_124 = vector.shape_cast %reduce_max3A_123 : vector<20xf32> to vector<1x20xf32>
    %eq3A_125 = arith.constant 6 : i32
    %eq3A_126 = vector.broadcast %eq3A_125 : i32 to vector<8192x1xi32>
    %eq3A_127 = arith.cmpi eq, %get3A_4, %eq3A_126 : vector<8192x1xi32>
    %jit3A_128 = arith.constant 0x7F800000 : f32
    %broadcast_in_dim3A_129 = vector.shape_cast %eq3A_127 : vector<8192x1xi1> to vector<8192x1xi1>
    %broadcast_in_dim3A_130 = vector.broadcast %broadcast_in_dim3A_129 : vector<8192x1xi1> to vector<8192x20xi1>
    %broadcast_in_dim3A_131 = vector.broadcast %jit3A_128 : f32 to vector<8192x20xf32>
    %select_n3A_132 = arith.select %broadcast_in_dim3A_130, %get3A_1, %broadcast_in_dim3A_131 : vector<8192x20xi1>, vector<8192x20xf32>
    %reduce_min3A_133 = arith.constant dense<0x7F800000> : vector<20xf32>
    %reduce_min3A_134 = vector.multi_reduction <minimumf>, %select_n3A_132, %reduce_min3A_133 [0] : vector<8192x20xf32> to vector<20xf32>
    %broadcast_in_dim3A_135 = vector.shape_cast %reduce_min3A_134 : vector<20xf32> to vector<1x20xf32>
    %jit3A_136 = arith.constant 0xFF800000 : f32
    %broadcast_in_dim3A_137 = vector.shape_cast %eq3A_127 : vector<8192x1xi1> to vector<8192x1xi1>
    %broadcast_in_dim3A_138 = vector.broadcast %broadcast_in_dim3A_137 : vector<8192x1xi1> to vector<8192x20xi1>
    %broadcast_in_dim3A_139 = vector.broadcast %jit3A_136 : f32 to vector<8192x20xf32>
    %select_n3A_140 = arith.select %broadcast_in_dim3A_138, %get3A_1, %broadcast_in_dim3A_139 : vector<8192x20xi1>, vector<8192x20xf32>
    %reduce_max3A_141 = arith.constant dense<0xFF800000> : vector<20xf32>
    %reduce_max3A_142 = vector.multi_reduction <maximumf>, %select_n3A_140, %reduce_max3A_141 [0] : vector<8192x20xf32> to vector<20xf32>
    %broadcast_in_dim3A_143 = vector.shape_cast %reduce_max3A_142 : vector<20xf32> to vector<1x20xf32>
    %eq3A_144 = arith.constant 7 : i32
    %eq3A_145 = vector.broadcast %eq3A_144 : i32 to vector<8192x1xi32>
    %eq3A_146 = arith.cmpi eq, %get3A_4, %eq3A_145 : vector<8192x1xi32>
    %jit3A_147 = arith.constant 0x7F800000 : f32
    %broadcast_in_dim3A_148 = vector.shape_cast %eq3A_146 : vector<8192x1xi1> to vector<8192x1xi1>
    %broadcast_in_dim3A_149 = vector.broadcast %broadcast_in_dim3A_148 : vector<8192x1xi1> to vector<8192x20xi1>
    %broadcast_in_dim3A_150 = vector.broadcast %jit3A_147 : f32 to vector<8192x20xf32>
    %select_n3A_151 = arith.select %broadcast_in_dim3A_149, %get3A_1, %broadcast_in_dim3A_150 : vector<8192x20xi1>, vector<8192x20xf32>
    %reduce_min3A_152 = arith.constant dense<0x7F800000> : vector<20xf32>
    %reduce_min3A_153 = vector.multi_reduction <minimumf>, %select_n3A_151, %reduce_min3A_152 [0] : vector<8192x20xf32> to vector<20xf32>
    %broadcast_in_dim3A_154 = vector.shape_cast %reduce_min3A_153 : vector<20xf32> to vector<1x20xf32>
    %jit3A_155 = arith.constant 0xFF800000 : f32
    %broadcast_in_dim3A_156 = vector.shape_cast %eq3A_146 : vector<8192x1xi1> to vector<8192x1xi1>
    %broadcast_in_dim3A_157 = vector.broadcast %broadcast_in_dim3A_156 : vector<8192x1xi1> to vector<8192x20xi1>
    %broadcast_in_dim3A_158 = vector.broadcast %jit3A_155 : f32 to vector<8192x20xf32>
    %select_n3A_159 = arith.select %broadcast_in_dim3A_157, %get3A_1, %broadcast_in_dim3A_158 : vector<8192x20xi1>, vector<8192x20xf32>
    %reduce_max3A_160 = arith.constant dense<0xFF800000> : vector<20xf32>
    %reduce_max3A_161 = vector.multi_reduction <maximumf>, %select_n3A_159, %reduce_max3A_160 [0] : vector<8192x20xf32> to vector<20xf32>
    %broadcast_in_dim3A_162 = vector.shape_cast %reduce_max3A_161 : vector<20xf32> to vector<1x20xf32>
    %concatenate3A = tpu.concatenate %broadcast_in_dim3A_22, %broadcast_in_dim3A_40, %broadcast_in_dim3A_59, %broadcast_in_dim3A_78, %broadcast_in_dim3A_97, %broadcast_in_dim3A_116, %broadcast_in_dim3A_135, %broadcast_in_dim3A_154 in 0 : vector<1x20xf32>, vector<1x20xf32>, vector<1x20xf32>, vector<1x20xf32>, vector<1x20xf32>, vector<1x20xf32>, vector<1x20xf32>, vector<1x20xf32> -> vector<8x20xf32>
    %concatenate3A_163 = tpu.concatenate %broadcast_in_dim3A_29, %broadcast_in_dim3A_48, %broadcast_in_dim3A_67, %broadcast_in_dim3A_86, %broadcast_in_dim3A_105, %broadcast_in_dim3A_124, %broadcast_in_dim3A_143, %broadcast_in_dim3A_162 in 0 : vector<1x20xf32>, vector<1x20xf32>, vector<1x20xf32>, vector<1x20xf32>, vector<1x20xf32>, vector<1x20xf32>, vector<1x20xf32>, vector<1x20xf32> -> vector<8x20xf32>
    %gt3A = arith.constant 0.000000e+00 : f32
    %gt3A_164 = vector.broadcast %gt3A : f32 to vector<8x1xf32>
    %gt3A_165 = arith.cmpf ogt, %dot_general3A_9, %gt3A_164 : vector<8x1xf32>
    %jit3A_166 = arith.constant 0.000000e+00 : f32
    %broadcast_in_dim3A_167 = vector.shape_cast %gt3A_165 : vector<8x1xi1> to vector<8x1xi1>
    %broadcast_in_dim3A_168 = vector.broadcast %broadcast_in_dim3A_167 : vector<8x1xi1> to vector<8x20xi1>
    %broadcast_in_dim3A_169 = vector.broadcast %jit3A_166 : f32 to vector<8x20xf32>
    %select_n3A_170 = arith.select %broadcast_in_dim3A_168, %concatenate3A, %broadcast_in_dim3A_169 : vector<8x20xi1>, vector<8x20xf32>
    %jit3A_171 = arith.constant 0.000000e+00 : f32
    %broadcast_in_dim3A_172 = vector.shape_cast %gt3A_165 : vector<8x1xi1> to vector<8x1xi1>
    %broadcast_in_dim3A_173 = vector.broadcast %broadcast_in_dim3A_172 : vector<8x1xi1> to vector<8x20xi1>
    %broadcast_in_dim3A_174 = vector.broadcast %jit3A_171 : f32 to vector<8x20xf32>
    %select_n3A_175 = arith.select %broadcast_in_dim3A_173, %concatenate3A_163, %broadcast_in_dim3A_174 : vector<8x20xi1>, vector<8x20xf32>
    %concatenate3A_176 = tpu.concatenate %div3A_14, %select_n3A_170, %select_n3A_175 in 1 : vector<8x20xf32>, vector<8x20xf32>, vector<8x20xf32> -> vector<8x60xf32>
    %dot_general3A_177 = arith.constant dense<0.000000e+00> : vector<8192x60xf32>
    %dot_general3A_178 = tpu.matmul %convert_element_type3A_7, %concatenate3A_176, %dot_general3A_177 {dimension_numbers = #tpu.dot_dimension_numbers<[1], [0], [0], [1], [0, 0, 1, 1], [], []>, transpose_lhs_hint = false} : vector<8192x8xf32>, vector<8x60xf32>, vector<8192x60xf32> -> vector<8192x60xf32>
    %concatenate3A_179 = tpu.concatenate %dot_general3A_178, %get3A_1 in 1 : vector<8192x60xf32>, vector<8192x20xf32> -> vector<8192x80xf32>
    %get3A_180 = arith.constant 0 : index
    %get3A_181 = arith.constant 0 : index
    %get3A_182 = vector.load %arg3[%get3A_180, %get3A_181] : memref<2x128xf32, #tpu.memory_space<vmem>>, vector<2x128xf32>
    %get3A_183 = arith.constant 0 : index
    %get3A_184 = arith.constant 0 : index
    %get3A_185 = vector.load %arg2[%get3A_183, %get3A_184] : memref<80x128xf32, #tpu.memory_space<vmem>>, vector<80x128xf32>
    %dot_general3A_186 = arith.constant dense<0.000000e+00> : vector<8192x128xf32>
    %dot_general3A_187 = tpu.matmul %concatenate3A_179, %get3A_185, %dot_general3A_186 {dimension_numbers = #tpu.dot_dimension_numbers<[1], [0], [0], [1], [0, 0, 1, 1], [], []>, transpose_lhs_hint = false} : vector<8192x80xf32>, vector<80x128xf32>, vector<8192x128xf32> -> vector<8192x128xf32>
    %slice3A = vector.extract_strided_slice %get3A_182 {offsets = [0, 0], sizes = [1, 128], strides = [1, 1]} : vector<2x128xf32> to vector<1x128xf32>
    %add3A = vector.broadcast %slice3A : vector<1x128xf32> to vector<8192x128xf32>
    %add3A_188 = arith.addf %dot_general3A_187, %add3A : vector<8192x128xf32>
    %max3A_189 = arith.constant 0.000000e+00 : f32
    %max3A_190 = vector.broadcast %max3A_189 : f32 to vector<8192x128xf32>
    %max3A_191 = arith.maximumf %add3A_188, %max3A_190 : vector<8192x128xf32>
    %get3A_192 = arith.constant 0 : index
    %get3A_193 = arith.constant 0 : index
    %get3A_194 = vector.load %arg4[%get3A_192, %get3A_193] : memref<1x128xf32, #tpu.memory_space<vmem>>, vector<1x128xf32>
    %mul3A = arith.constant 0.999994993 : f32
    %mul3A_195 = vector.broadcast %mul3A : f32 to vector<1x128xf32>
    %mul3A_196 = arith.mulf %get3A_194, %mul3A_195 : vector<1x128xf32>
    %mul3A_197 = vector.broadcast %mul3A_196 : vector<1x128xf32> to vector<8192x128xf32>
    %mul3A_198 = arith.mulf %max3A_191, %mul3A_197 : vector<8192x128xf32>
    %slice3A_199 = vector.extract_strided_slice %get3A_182 {offsets = [1, 0], sizes = [1, 128], strides = [1, 1]} : vector<2x128xf32> to vector<1x128xf32>
    %add3A_200 = vector.broadcast %slice3A_199 : vector<1x128xf32> to vector<8192x128xf32>
    %add3A_201 = arith.addf %mul3A_198, %add3A_200 : vector<8192x128xf32>
    %get3A_202 = arith.constant 0 : index
    %get3A_203 = arith.constant 0 : index
    %get3A_204 = vector.load %arg6[%get3A_202, %get3A_203] : memref<2x128xf32, #tpu.memory_space<vmem>>, vector<2x128xf32>
    %get3A_205 = arith.constant 0 : index
    %get3A_206 = arith.constant 0 : index
    %get3A_207 = vector.load %arg5[%get3A_205, %get3A_206] : memref<128x128xf32, #tpu.memory_space<vmem>>, vector<128x128xf32>
    %dot_general3A_208 = arith.constant dense<0.000000e+00> : vector<8192x128xf32>
    %dot_general3A_209 = tpu.matmul %add3A_201, %get3A_207, %dot_general3A_208 {dimension_numbers = #tpu.dot_dimension_numbers<[1], [0], [0], [1], [0, 0, 1, 1], [], []>, transpose_lhs_hint = false} : vector<8192x128xf32>, vector<128x128xf32>, vector<8192x128xf32> -> vector<8192x128xf32>
    %slice3A_210 = vector.extract_strided_slice %get3A_204 {offsets = [0, 0], sizes = [1, 128], strides = [1, 1]} : vector<2x128xf32> to vector<1x128xf32>
    %add3A_211 = vector.broadcast %slice3A_210 : vector<1x128xf32> to vector<8192x128xf32>
    %add3A_212 = arith.addf %dot_general3A_209, %add3A_211 : vector<8192x128xf32>
    %max3A_213 = arith.constant 0.000000e+00 : f32
    %max3A_214 = vector.broadcast %max3A_213 : f32 to vector<8192x128xf32>
    %max3A_215 = arith.maximumf %add3A_212, %max3A_214 : vector<8192x128xf32>
    %get3A_216 = arith.constant 0 : index
    %get3A_217 = arith.constant 0 : index
    %get3A_218 = vector.load %arg7[%get3A_216, %get3A_217] : memref<1x128xf32, #tpu.memory_space<vmem>>, vector<1x128xf32>
    %mul3A_219 = arith.constant 0.999994993 : f32
    %mul3A_220 = vector.broadcast %mul3A_219 : f32 to vector<1x128xf32>
    %mul3A_221 = arith.mulf %get3A_218, %mul3A_220 : vector<1x128xf32>
    %mul3A_222 = vector.broadcast %mul3A_221 : vector<1x128xf32> to vector<8192x128xf32>
    %mul3A_223 = arith.mulf %max3A_215, %mul3A_222 : vector<8192x128xf32>
    %slice3A_224 = vector.extract_strided_slice %get3A_204 {offsets = [1, 0], sizes = [1, 128], strides = [1, 1]} : vector<2x128xf32> to vector<1x128xf32>
    %add3A_225 = vector.broadcast %slice3A_224 : vector<1x128xf32> to vector<8192x128xf32>
    %add3A_226 = arith.addf %mul3A_223, %add3A_225 : vector<8192x128xf32>
    %get3A_227 = arith.constant 0 : index
    %get3A_228 = arith.constant 0 : index
    %get3A_229 = vector.load %arg8[%get3A_227, %get3A_228] : memref<128x64xf32, #tpu.memory_space<vmem>>, vector<128x64xf32>
    %dot_general3A_230 = arith.constant dense<0.000000e+00> : vector<8192x64xf32>
    %dot_general3A_231 = tpu.matmul %add3A_226, %get3A_229, %dot_general3A_230 {dimension_numbers = #tpu.dot_dimension_numbers<[1], [0], [0], [1], [0, 0, 1, 1], [], []>, transpose_lhs_hint = false} : vector<8192x128xf32>, vector<128x64xf32>, vector<8192x64xf32> -> vector<8192x64xf32>
    %get3A_232 = arith.constant 0 : index
    %get3A_233 = arith.constant 0 : index
    %get3A_234 = vector.load %arg9[%get3A_232, %get3A_233] : memref<1x64xf32, #tpu.memory_space<vmem>>, vector<1x64xf32>
    %add3A_235 = vector.broadcast %get3A_234 : vector<1x64xf32> to vector<8192x64xf32>
    %add3A_236 = arith.addf %dot_general3A_231, %add3A_235 : vector<8192x64xf32>
    %get3A_237 = arith.constant 0 : index
    %get3A_238 = arith.constant 0 : index
    %get3A_239 = vector.load %arg10[%get3A_237, %get3A_238] : memref<64x16xf32, #tpu.memory_space<vmem>>, vector<64x16xf32>
    %dot_general3A_240 = arith.constant dense<0.000000e+00> : vector<8192x16xf32>
    %dot_general3A_241 = tpu.matmul %add3A_236, %get3A_239, %dot_general3A_240 {dimension_numbers = #tpu.dot_dimension_numbers<[1], [0], [0], [1], [0, 0, 1, 1], [], []>, transpose_lhs_hint = false} : vector<8192x64xf32>, vector<64x16xf32>, vector<8192x16xf32> -> vector<8192x16xf32>
    %get3A_242 = arith.constant 0 : index
    %get3A_243 = arith.constant 0 : index
    %get3A_244 = vector.load %arg11[%get3A_242, %get3A_243] : memref<1x16xf32, #tpu.memory_space<vmem>>, vector<1x16xf32>
    %add3A_245 = vector.broadcast %get3A_244 : vector<1x16xf32> to vector<8192x16xf32>
    %add3A_246 = arith.addf %dot_general3A_241, %add3A_245 : vector<8192x16xf32>
    %get3A_247 = arith.constant 0 : index
    %get3A_248 = arith.constant 0 : index
    %get3A_249 = vector.load %arg12[%get3A_247, %get3A_248] : memref<64x128xf32, #tpu.memory_space<vmem>>, vector<64x128xf32>
    %dot_general3A_250 = arith.constant dense<0.000000e+00> : vector<8192x128xf32>
    %dot_general3A_251 = tpu.matmul %add3A_236, %get3A_249, %dot_general3A_250 {dimension_numbers = #tpu.dot_dimension_numbers<[1], [0], [0], [1], [0, 0, 1, 1], [], []>, transpose_lhs_hint = false} : vector<8192x64xf32>, vector<64x128xf32>, vector<8192x128xf32> -> vector<8192x128xf32>
    %get3A_252 = arith.constant 0 : index
    %get3A_253 = arith.constant 0 : index
    %get3A_254 = vector.load %arg13[%get3A_252, %get3A_253] : memref<1x128xf32, #tpu.memory_space<vmem>>, vector<1x128xf32>
    %add3A_255 = vector.broadcast %get3A_254 : vector<1x128xf32> to vector<8192x128xf32>
    %add3A_256 = arith.addf %dot_general3A_251, %add3A_255 : vector<8192x128xf32>
    %swap3A = arith.constant 0 : index
    %swap3A_257 = arith.constant 0 : index
    %swap3A_258 = vector.load %arg14[%swap3A, %swap3A_257] : memref<8192x64xf32, #tpu.memory_space<vmem>>, vector<8192x64xf32>
    tpu.vector_store %arg14[%swap3A, %swap3A_257], %add3A_236 {strides = array<i32>} : memref<8192x64xf32, #tpu.memory_space<vmem>>, vector<8192x64xf32>,
    %swap3A_259 = arith.constant 0 : index
    %swap3A_260 = arith.constant 0 : index
    %swap3A_261 = vector.load %arg15[%swap3A_259, %swap3A_260] : memref<8192x16xf32, #tpu.memory_space<vmem>>, vector<8192x16xf32>
    tpu.vector_store %arg15[%swap3A_259, %swap3A_260], %add3A_246 {strides = array<i32>} : memref<8192x16xf32, #tpu.memory_space<vmem>>, vector<8192x16xf32>,
    %swap3A_262 = arith.constant 0 : index
    %swap3A_263 = arith.constant 0 : index
    %swap3A_264 = vector.load %arg16[%swap3A_262, %swap3A_263] : memref<8192x128xf32, #tpu.memory_space<vmem>>, vector<8192x128xf32>
    tpu.vector_store %arg16[%swap3A_262, %swap3A_263], %add3A_256 {strides = array<i32>} : memref<8192x128xf32, #tpu.memory_space<vmem>>, vector<8192x128xf32>,
    return
  }
}

module attributes {stable_mosaic.version = 14 : i64} {
  func.func @_b1_body(%arg0: i32, %arg1: memref<16xi32, #tpu.memory_space<smem>>, %arg2: memref<16xi32, #tpu.memory_space<smem>>, %arg3: memref<512x16xf32, #tpu.memory_space<vmem>>, %arg4: memref<512x1xi32, #tpu.memory_space<vmem>>, %arg5: memref<8192x16xf32, #tpu.memory_space<vmem>>, %arg6: memref<1x8192xi32, #tpu.memory_space<vmem>>, %arg7: memref<512x5xi32, #tpu.memory_space<vmem>>, %arg8: memref<512x5xf32, #tpu.memory_space<vmem>>) attributes {dimension_semantics = [#tpu.dimension_semantics<parallel>], iteration_bounds = array<i64: 16>, scalar_prefetch = 2 : i64, scratch_operands = 0 : i64, tpu.core_type = #tpu.core_type<tc>, window_params = [{transform_indices = @transform_0, window_bounds = array<i64: 512, 16>}, {transform_indices = @transform_1, window_bounds = array<i64: 512, 1>}, {pipeline_mode = #tpu.pipeline_mode<synchronous>, transform_indices = @transform_2, window_bounds = array<i64: 8192, 16>}, {pipeline_mode = #tpu.pipeline_mode<synchronous>, transform_indices = @transform_3, window_bounds = array<i64: 1, 8192>}, {transform_indices = @transform_4, window_bounds = array<i64: 512, 5>}, {transform_indices = @transform_5, window_bounds = array<i64: 512, 5>}]} {
    %get3A = arith.index_cast %arg0 : i32 to index
    %get3A_0 = memref.load %arg1[%get3A] : memref<16xi32, #tpu.memory_space<smem>>
    %get3A_1 = arith.index_cast %arg0 : i32 to index
    %get3A_2 = memref.load %arg2[%get3A_1] : memref<16xi32, #tpu.memory_space<smem>>
    %get3A_3 = arith.constant 0 : index
    %get3A_4 = arith.constant 0 : index
    %get3A_5 = vector.load %arg3[%get3A_3, %get3A_4] : memref<512x16xf32, #tpu.memory_space<vmem>>, vector<512x16xf32>
    %mul3A = arith.mulf %get3A_5, %get3A_5 : vector<512x16xf32>
    %reduce_sum3A = arith.constant dense<0.000000e+00> : vector<512xf32>
    %reduce_sum3A_6 = vector.multi_reduction <add>, %mul3A, %reduce_sum3A [1] : vector<512x16xf32> to vector<512xf32>
    %broadcast_in_dim3A = vector.shape_cast %reduce_sum3A_6 : vector<512xf32> to vector<512x1xf32>
    %mul3A_7 = arith.constant -2.000000e+00 : f32
    %mul3A_8 = vector.broadcast %mul3A_7 : f32 to vector<512x16xf32>
    %mul3A_9 = arith.mulf %get3A_5, %mul3A_8 : vector<512x16xf32>
    %broadcast_in_dim3A_10 = arith.constant 1.000000e+00 : f32
    %broadcast_in_dim3A_11 = vector.broadcast %broadcast_in_dim3A_10 : f32 to vector<512x1xf32>
    %concatenate3A = tpu.concatenate %mul3A_9, %broadcast_in_dim3A_11 in 1 : vector<512x16xf32>, vector<512x1xf32> -> vector<512x17xf32>
    %get3A_12 = arith.constant 0 : index
    %get3A_13 = arith.constant 0 : index
    %get3A_14 = vector.load %arg4[%get3A_12, %get3A_13] : memref<512x1xi32, #tpu.memory_space<vmem>>, vector<512x1xi32>
    %iota3A = tpu.iota {dimensions = array<i32: 1>} : vector<512x2048xi32>
    %broadcast_in_dim3A_15 = arith.constant 0xFF800000 : f32
    %broadcast_in_dim3A_16 = vector.broadcast %broadcast_in_dim3A_15 : f32 to vector<512x5xf32>
    %iota3A_17 = tpu.iota {dimensions = array<i32: 1>} : vector<512x5xi32>
    %add3A = arith.constant 1073741824 : i32
    %add3A_18 = vector.broadcast %add3A : i32 to vector<512x5xi32>
    %add3A_19 = arith.addi %add3A_18, %iota3A_17 : vector<512x5xi32>
    %while3A = arith.constant 0 : i32
    %while3A_20 = arith.subi %get3A_2, %while3A : i32
    %while3A_21 = arith.addi %while3A, %while3A_20 : i32
    %while3A_22 = arith.constant 1 : i32
    %while3A_23 = arith.divsi %while3A_20, %while3A_22 : i32
    %while3A_24 = arith.muli %while3A_23, %while3A_22 : i32
    %while3A_25 = arith.addi %while3A, %while3A_24 : i32
    %while3A_26 = arith.constant 1 : i32
    %while3A_27:2 = scf.for %while3A_38 = %while3A to %while3A_25 step %while3A_26 iter_args(%while3A_39 = %broadcast_in_dim3A_16, %while3A_40 = %add3A_19) -> (vector<512x5xf32>, vector<512x5xi32>)  : i32 {
      %mul3A_41 = arith.constant 2048 : i32
      %mul3A_42 = arith.muli %while3A_38, %mul3A_41 : i32
      %add3A_43 = arith.addi %get3A_0, %mul3A_42 : i32
      %min3A = arith.constant 6144 : i32
      %min3A_44 = arith.minsi %add3A_43, %min3A : i32
      %multiple_of3A = tpu.assume_multiple %min3A_44, 128 : i32
      %get3A_45 = arith.index_cast %multiple_of3A : i32 to index
      %get3A_46 = arith.constant 0 : index
      %get3A_47 = vector.load %arg5[%get3A_45, %get3A_46] : memref<8192x16xf32, #tpu.memory_space<vmem>>, vector<2048x16xf32>
      %mul3A_48 = arith.mulf %get3A_47, %get3A_47 : vector<2048x16xf32>
      %reduce_sum3A_49 = arith.constant dense<0.000000e+00> : vector<2048xf32>
      %reduce_sum3A_50 = vector.multi_reduction <add>, %mul3A_48, %reduce_sum3A_49 [1] : vector<2048x16xf32> to vector<2048xf32>
      %broadcast_in_dim3A_51 = vector.shape_cast %reduce_sum3A_50 : vector<2048xf32> to vector<2048x1xf32>
      %concatenate3A_52 = tpu.concatenate %get3A_47, %broadcast_in_dim3A_51 in 1 : vector<2048x16xf32>, vector<2048x1xf32> -> vector<2048x17xf32>
      %dot_general3A = arith.constant dense<0.000000e+00> : vector<512x2048xf32>
      %dot_general3A_53 = tpu.matmul %concatenate3A, %concatenate3A_52, %dot_general3A {dimension_numbers = #tpu.dot_dimension_numbers<[1], [1], [0], [0], [0, 0, 1, 0], [], []>, transpose_lhs_hint = false} : vector<512x17xf32>, vector<2048x17xf32>, vector<512x2048xf32> -> vector<512x2048xf32>
      %add3A_54 = vector.broadcast %broadcast_in_dim3A : vector<512x1xf32> to vector<512x2048xf32>
      %add3A_55 = arith.addf %add3A_54, %dot_general3A_53 : vector<512x2048xf32>
      %max3A = arith.constant 0.000000e+00 : f32
      %max3A_56 = vector.broadcast %max3A : f32 to vector<512x2048xf32>
      %max3A_57 = arith.maximumf %add3A_55, %max3A_56 : vector<512x2048xf32>
      %get3A_58 = arith.constant 0 : index
      %get3A_59 = arith.index_cast %multiple_of3A : i32 to index
      %get3A_60 = vector.load %arg6[%get3A_58, %get3A_59] : memref<1x8192xi32, #tpu.memory_space<vmem>>, vector<1x2048xi32>
      %eq3A = vector.broadcast %get3A_14 : vector<512x1xi32> to vector<512x2048xi32>
      %eq3A_61 = vector.broadcast %get3A_60 : vector<1x2048xi32> to vector<512x2048xi32>
      %eq3A_62 = arith.cmpi eq, %eq3A, %eq3A_61 : vector<512x2048xi32>
      %neg3A = arith.constant 0.000000e+00 : f32
      %neg3A_63 = vector.broadcast %neg3A : f32 to vector<512x2048xf32>
      %neg3A_64 = arith.subf %neg3A_63, %max3A_57 : vector<512x2048xf32>
      %jit3A = arith.constant -1.000000e+09 : f32
      %broadcast_in_dim3A_65 = vector.broadcast %jit3A : f32 to vector<512x2048xf32>
      %select_n3A = arith.select %eq3A_62, %neg3A_64, %broadcast_in_dim3A_65 : vector<512x2048xi1>, vector<512x2048xf32>
      %add3A_66 = vector.broadcast %multiple_of3A : i32 to vector<512x2048xi32>
      %add3A_67 = arith.addi %iota3A, %add3A_66 : vector<512x2048xi32>
      %concatenate3A_68 = tpu.concatenate %while3A_39, %select_n3A in 1 : vector<512x5xf32>, vector<512x2048xf32> -> vector<512x2053xf32>
      %concatenate3A_69 = tpu.concatenate %while3A_40, %add3A_67 in 1 : vector<512x5xi32>, vector<512x2048xi32> -> vector<512x2053xi32>
      %reduce_max3A = arith.constant dense<0xFF800000> : vector<512xf32>
      %reduce_max3A_70 = vector.multi_reduction <maximumf>, %concatenate3A_68, %reduce_max3A [1] : vector<512x2053xf32> to vector<512xf32>
      %broadcast_in_dim3A_71 = vector.shape_cast %reduce_max3A_70 : vector<512xf32> to vector<512x1xf32>
      %eq3A_72 = vector.broadcast %broadcast_in_dim3A_71 : vector<512x1xf32> to vector<512x2053xf32>
      %eq3A_73 = arith.cmpf oeq, %concatenate3A_68, %eq3A_72 : vector<512x2053xf32>
      %jit3A_74 = arith.constant 1073741824 : i32
      %broadcast_in_dim3A_75 = vector.broadcast %jit3A_74 : i32 to vector<512x2053xi32>
      %select_n3A_76 = arith.select %eq3A_73, %concatenate3A_69, %broadcast_in_dim3A_75 : vector<512x2053xi1>, vector<512x2053xi32>
      %reduce_min3A = arith.constant dense<2147483647> : vector<512xi32>
      %reduce_min3A_77 = vector.multi_reduction <minsi>, %select_n3A_76, %reduce_min3A [1] : vector<512x2053xi32> to vector<512xi32>
      %broadcast_in_dim3A_78 = vector.shape_cast %reduce_min3A_77 : vector<512xi32> to vector<512x1xi32>
      %eq3A_79 = vector.broadcast %broadcast_in_dim3A_78 : vector<512x1xi32> to vector<512x2053xi32>
      %eq3A_80 = arith.cmpi eq, %concatenate3A_69, %eq3A_79 : vector<512x2053xi32>
      %jit3A_81 = arith.constant 0xFF800000 : f32
      %broadcast_in_dim3A_82 = vector.broadcast %jit3A_81 : f32 to vector<512x2053xf32>
      %select_n3A_83 = arith.select %eq3A_80, %broadcast_in_dim3A_82, %concatenate3A_68 : vector<512x2053xi1>, vector<512x2053xf32>
      %reduce_max3A_84 = arith.constant dense<0xFF800000> : vector<512xf32>
      %reduce_max3A_85 = vector.multi_reduction <maximumf>, %select_n3A_83, %reduce_max3A_84 [1] : vector<512x2053xf32> to vector<512xf32>
      %broadcast_in_dim3A_86 = vector.shape_cast %reduce_max3A_85 : vector<512xf32> to vector<512x1xf32>
      %eq3A_87 = vector.broadcast %broadcast_in_dim3A_86 : vector<512x1xf32> to vector<512x2053xf32>
      %eq3A_88 = arith.cmpf oeq, %select_n3A_83, %eq3A_87 : vector<512x2053xf32>
      %jit3A_89 = arith.constant 1073741824 : i32
      %broadcast_in_dim3A_90 = vector.broadcast %jit3A_89 : i32 to vector<512x2053xi32>
      %select_n3A_91 = arith.select %eq3A_88, %concatenate3A_69, %broadcast_in_dim3A_90 : vector<512x2053xi1>, vector<512x2053xi32>
      %reduce_min3A_92 = arith.constant dense<2147483647> : vector<512xi32>
      %reduce_min3A_93 = vector.multi_reduction <minsi>, %select_n3A_91, %reduce_min3A_92 [1] : vector<512x2053xi32> to vector<512xi32>
      %broadcast_in_dim3A_94 = vector.shape_cast %reduce_min3A_93 : vector<512xi32> to vector<512x1xi32>
      %eq3A_95 = vector.broadcast %broadcast_in_dim3A_94 : vector<512x1xi32> to vector<512x2053xi32>
      %eq3A_96 = arith.cmpi eq, %concatenate3A_69, %eq3A_95 : vector<512x2053xi32>
      %jit3A_97 = arith.constant 0xFF800000 : f32
      %broadcast_in_dim3A_98 = vector.broadcast %jit3A_97 : f32 to vector<512x2053xf32>
      %select_n3A_99 = arith.select %eq3A_96, %broadcast_in_dim3A_98, %select_n3A_83 : vector<512x2053xi1>, vector<512x2053xf32>
      %reduce_max3A_100 = arith.constant dense<0xFF800000> : vector<512xf32>
      %reduce_max3A_101 = vector.multi_reduction <maximumf>, %select_n3A_99, %reduce_max3A_100 [1] : vector<512x2053xf32> to vector<512xf32>
      %broadcast_in_dim3A_102 = vector.shape_cast %reduce_max3A_101 : vector<512xf32> to vector<512x1xf32>
      %eq3A_103 = vector.broadcast %broadcast_in_dim3A_102 : vector<512x1xf32> to vector<512x2053xf32>
      %eq3A_104 = arith.cmpf oeq, %select_n3A_99, %eq3A_103 : vector<512x2053xf32>
      %jit3A_105 = arith.constant 1073741824 : i32
      %broadcast_in_dim3A_106 = vector.broadcast %jit3A_105 : i32 to vector<512x2053xi32>
      %select_n3A_107 = arith.select %eq3A_104, %concatenate3A_69, %broadcast_in_dim3A_106 : vector<512x2053xi1>, vector<512x2053xi32>
      %reduce_min3A_108 = arith.constant dense<2147483647> : vector<512xi32>
      %reduce_min3A_109 = vector.multi_reduction <minsi>, %select_n3A_107, %reduce_min3A_108 [1] : vector<512x2053xi32> to vector<512xi32>
      %broadcast_in_dim3A_110 = vector.shape_cast %reduce_min3A_109 : vector<512xi32> to vector<512x1xi32>
      %eq3A_111 = vector.broadcast %broadcast_in_dim3A_110 : vector<512x1xi32> to vector<512x2053xi32>
      %eq3A_112 = arith.cmpi eq, %concatenate3A_69, %eq3A_111 : vector<512x2053xi32>
      %jit3A_113 = arith.constant 0xFF800000 : f32
      %broadcast_in_dim3A_114 = vector.broadcast %jit3A_113 : f32 to vector<512x2053xf32>
      %select_n3A_115 = arith.select %eq3A_112, %broadcast_in_dim3A_114, %select_n3A_99 : vector<512x2053xi1>, vector<512x2053xf32>
      %reduce_max3A_116 = arith.constant dense<0xFF800000> : vector<512xf32>
      %reduce_max3A_117 = vector.multi_reduction <maximumf>, %select_n3A_115, %reduce_max3A_116 [1] : vector<512x2053xf32> to vector<512xf32>
      %broadcast_in_dim3A_118 = vector.shape_cast %reduce_max3A_117 : vector<512xf32> to vector<512x1xf32>
      %eq3A_119 = vector.broadcast %broadcast_in_dim3A_118 : vector<512x1xf32> to vector<512x2053xf32>
      %eq3A_120 = arith.cmpf oeq, %select_n3A_115, %eq3A_119 : vector<512x2053xf32>
      %jit3A_121 = arith.constant 1073741824 : i32
      %broadcast_in_dim3A_122 = vector.broadcast %jit3A_121 : i32 to vector<512x2053xi32>
      %select_n3A_123 = arith.select %eq3A_120, %concatenate3A_69, %broadcast_in_dim3A_122 : vector<512x2053xi1>, vector<512x2053xi32>
      %reduce_min3A_124 = arith.constant dense<2147483647> : vector<512xi32>
      %reduce_min3A_125 = vector.multi_reduction <minsi>, %select_n3A_123, %reduce_min3A_124 [1] : vector<512x2053xi32> to vector<512xi32>
      %broadcast_in_dim3A_126 = vector.shape_cast %reduce_min3A_125 : vector<512xi32> to vector<512x1xi32>
      %eq3A_127 = vector.broadcast %broadcast_in_dim3A_126 : vector<512x1xi32> to vector<512x2053xi32>
      %eq3A_128 = arith.cmpi eq, %concatenate3A_69, %eq3A_127 : vector<512x2053xi32>
      %jit3A_129 = arith.constant 0xFF800000 : f32
      %broadcast_in_dim3A_130 = vector.broadcast %jit3A_129 : f32 to vector<512x2053xf32>
      %select_n3A_131 = arith.select %eq3A_128, %broadcast_in_dim3A_130, %select_n3A_115 : vector<512x2053xi1>, vector<512x2053xf32>
      %reduce_max3A_132 = arith.constant dense<0xFF800000> : vector<512xf32>
      %reduce_max3A_133 = vector.multi_reduction <maximumf>, %select_n3A_131, %reduce_max3A_132 [1] : vector<512x2053xf32> to vector<512xf32>
      %broadcast_in_dim3A_134 = vector.shape_cast %reduce_max3A_133 : vector<512xf32> to vector<512x1xf32>
      %eq3A_135 = vector.broadcast %broadcast_in_dim3A_134 : vector<512x1xf32> to vector<512x2053xf32>
      %eq3A_136 = arith.cmpf oeq, %select_n3A_131, %eq3A_135 : vector<512x2053xf32>
      %jit3A_137 = arith.constant 1073741824 : i32
      %broadcast_in_dim3A_138 = vector.broadcast %jit3A_137 : i32 to vector<512x2053xi32>
      %select_n3A_139 = arith.select %eq3A_136, %concatenate3A_69, %broadcast_in_dim3A_138 : vector<512x2053xi1>, vector<512x2053xi32>
      %reduce_min3A_140 = arith.constant dense<2147483647> : vector<512xi32>
      %reduce_min3A_141 = vector.multi_reduction <minsi>, %select_n3A_139, %reduce_min3A_140 [1] : vector<512x2053xi32> to vector<512xi32>
      %broadcast_in_dim3A_142 = vector.shape_cast %reduce_min3A_141 : vector<512xi32> to vector<512x1xi32>
      %eq3A_143 = vector.broadcast %broadcast_in_dim3A_142 : vector<512x1xi32> to vector<512x2053xi32>
      %eq3A_144 = arith.cmpi eq, %concatenate3A_69, %eq3A_143 : vector<512x2053xi32>
      %jit3A_145 = arith.constant 0xFF800000 : f32
      %broadcast_in_dim3A_146 = vector.broadcast %jit3A_145 : f32 to vector<512x2053xf32>
      %select_n3A_147 = arith.select %eq3A_144, %broadcast_in_dim3A_146, %select_n3A_131 : vector<512x2053xi1>, vector<512x2053xf32>
      %concatenate3A_148 = tpu.concatenate %broadcast_in_dim3A_71, %broadcast_in_dim3A_86, %broadcast_in_dim3A_102, %broadcast_in_dim3A_118, %broadcast_in_dim3A_134 in 1 : vector<512x1xf32>, vector<512x1xf32>, vector<512x1xf32>, vector<512x1xf32>, vector<512x1xf32> -> vector<512x5xf32>
      %concatenate3A_149 = tpu.concatenate %broadcast_in_dim3A_78, %broadcast_in_dim3A_94, %broadcast_in_dim3A_110, %broadcast_in_dim3A_126, %broadcast_in_dim3A_142 in 1 : vector<512x1xi32>, vector<512x1xi32>, vector<512x1xi32>, vector<512x1xi32>, vector<512x1xi32> -> vector<512x5xi32>
      scf.yield %concatenate3A_148, %concatenate3A_149 : vector<512x5xf32>, vector<512x5xi32>
    }
    %while3A_28 = arith.constant 1 : i32
    %while3A_29:2 = scf.for %while3A_38 = %while3A_25 to %while3A_21 step %while3A_28 iter_args(%while3A_39 = %while3A_27#0, %while3A_40 = %while3A_27#1) -> (vector<512x5xf32>, vector<512x5xi32>)  : i32 {
      %mul3A_41 = arith.constant 2048 : i32
      %mul3A_42 = arith.muli %while3A_38, %mul3A_41 : i32
      %add3A_43 = arith.addi %get3A_0, %mul3A_42 : i32
      %min3A = arith.constant 6144 : i32
      %min3A_44 = arith.minsi %add3A_43, %min3A : i32
      %multiple_of3A = tpu.assume_multiple %min3A_44, 128 : i32
      %get3A_45 = arith.index_cast %multiple_of3A : i32 to index
      %get3A_46 = arith.constant 0 : index
      %get3A_47 = vector.load %arg5[%get3A_45, %get3A_46] : memref<8192x16xf32, #tpu.memory_space<vmem>>, vector<2048x16xf32>
      %mul3A_48 = arith.mulf %get3A_47, %get3A_47 : vector<2048x16xf32>
      %reduce_sum3A_49 = arith.constant dense<0.000000e+00> : vector<2048xf32>
      %reduce_sum3A_50 = vector.multi_reduction <add>, %mul3A_48, %reduce_sum3A_49 [1] : vector<2048x16xf32> to vector<2048xf32>
      %broadcast_in_dim3A_51 = vector.shape_cast %reduce_sum3A_50 : vector<2048xf32> to vector<2048x1xf32>
      %concatenate3A_52 = tpu.concatenate %get3A_47, %broadcast_in_dim3A_51 in 1 : vector<2048x16xf32>, vector<2048x1xf32> -> vector<2048x17xf32>
      %dot_general3A = arith.constant dense<0.000000e+00> : vector<512x2048xf32>
      %dot_general3A_53 = tpu.matmul %concatenate3A, %concatenate3A_52, %dot_general3A {dimension_numbers = #tpu.dot_dimension_numbers<[1], [1], [0], [0], [0, 0, 1, 0], [], []>, transpose_lhs_hint = false} : vector<512x17xf32>, vector<2048x17xf32>, vector<512x2048xf32> -> vector<512x2048xf32>
      %add3A_54 = vector.broadcast %broadcast_in_dim3A : vector<512x1xf32> to vector<512x2048xf32>
      %add3A_55 = arith.addf %add3A_54, %dot_general3A_53 : vector<512x2048xf32>
      %max3A = arith.constant 0.000000e+00 : f32
      %max3A_56 = vector.broadcast %max3A : f32 to vector<512x2048xf32>
      %max3A_57 = arith.maximumf %add3A_55, %max3A_56 : vector<512x2048xf32>
      %get3A_58 = arith.constant 0 : index
      %get3A_59 = arith.index_cast %multiple_of3A : i32 to index
      %get3A_60 = vector.load %arg6[%get3A_58, %get3A_59] : memref<1x8192xi32, #tpu.memory_space<vmem>>, vector<1x2048xi32>
      %eq3A = vector.broadcast %get3A_14 : vector<512x1xi32> to vector<512x2048xi32>
      %eq3A_61 = vector.broadcast %get3A_60 : vector<1x2048xi32> to vector<512x2048xi32>
      %eq3A_62 = arith.cmpi eq, %eq3A, %eq3A_61 : vector<512x2048xi32>
      %neg3A = arith.constant 0.000000e+00 : f32
      %neg3A_63 = vector.broadcast %neg3A : f32 to vector<512x2048xf32>
      %neg3A_64 = arith.subf %neg3A_63, %max3A_57 : vector<512x2048xf32>
      %jit3A = arith.constant -1.000000e+09 : f32
      %broadcast_in_dim3A_65 = vector.broadcast %jit3A : f32 to vector<512x2048xf32>
      %select_n3A = arith.select %eq3A_62, %neg3A_64, %broadcast_in_dim3A_65 : vector<512x2048xi1>, vector<512x2048xf32>
      %add3A_66 = vector.broadcast %multiple_of3A : i32 to vector<512x2048xi32>
      %add3A_67 = arith.addi %iota3A, %add3A_66 : vector<512x2048xi32>
      %concatenate3A_68 = tpu.concatenate %while3A_39, %select_n3A in 1 : vector<512x5xf32>, vector<512x2048xf32> -> vector<512x2053xf32>
      %concatenate3A_69 = tpu.concatenate %while3A_40, %add3A_67 in 1 : vector<512x5xi32>, vector<512x2048xi32> -> vector<512x2053xi32>
      %reduce_max3A = arith.constant dense<0xFF800000> : vector<512xf32>
      %reduce_max3A_70 = vector.multi_reduction <maximumf>, %concatenate3A_68, %reduce_max3A [1] : vector<512x2053xf32> to vector<512xf32>
      %broadcast_in_dim3A_71 = vector.shape_cast %reduce_max3A_70 : vector<512xf32> to vector<512x1xf32>
      %eq3A_72 = vector.broadcast %broadcast_in_dim3A_71 : vector<512x1xf32> to vector<512x2053xf32>
      %eq3A_73 = arith.cmpf oeq, %concatenate3A_68, %eq3A_72 : vector<512x2053xf32>
      %jit3A_74 = arith.constant 1073741824 : i32
      %broadcast_in_dim3A_75 = vector.broadcast %jit3A_74 : i32 to vector<512x2053xi32>
      %select_n3A_76 = arith.select %eq3A_73, %concatenate3A_69, %broadcast_in_dim3A_75 : vector<512x2053xi1>, vector<512x2053xi32>
      %reduce_min3A = arith.constant dense<2147483647> : vector<512xi32>
      %reduce_min3A_77 = vector.multi_reduction <minsi>, %select_n3A_76, %reduce_min3A [1] : vector<512x2053xi32> to vector<512xi32>
      %broadcast_in_dim3A_78 = vector.shape_cast %reduce_min3A_77 : vector<512xi32> to vector<512x1xi32>
      %eq3A_79 = vector.broadcast %broadcast_in_dim3A_78 : vector<512x1xi32> to vector<512x2053xi32>
      %eq3A_80 = arith.cmpi eq, %concatenate3A_69, %eq3A_79 : vector<512x2053xi32>
      %jit3A_81 = arith.constant 0xFF800000 : f32
      %broadcast_in_dim3A_82 = vector.broadcast %jit3A_81 : f32 to vector<512x2053xf32>
      %select_n3A_83 = arith.select %eq3A_80, %broadcast_in_dim3A_82, %concatenate3A_68 : vector<512x2053xi1>, vector<512x2053xf32>
      %reduce_max3A_84 = arith.constant dense<0xFF800000> : vector<512xf32>
      %reduce_max3A_85 = vector.multi_reduction <maximumf>, %select_n3A_83, %reduce_max3A_84 [1] : vector<512x2053xf32> to vector<512xf32>
      %broadcast_in_dim3A_86 = vector.shape_cast %reduce_max3A_85 : vector<512xf32> to vector<512x1xf32>
      %eq3A_87 = vector.broadcast %broadcast_in_dim3A_86 : vector<512x1xf32> to vector<512x2053xf32>
      %eq3A_88 = arith.cmpf oeq, %select_n3A_83, %eq3A_87 : vector<512x2053xf32>
      %jit3A_89 = arith.constant 1073741824 : i32
      %broadcast_in_dim3A_90 = vector.broadcast %jit3A_89 : i32 to vector<512x2053xi32>
      %select_n3A_91 = arith.select %eq3A_88, %concatenate3A_69, %broadcast_in_dim3A_90 : vector<512x2053xi1>, vector<512x2053xi32>
      %reduce_min3A_92 = arith.constant dense<2147483647> : vector<512xi32>
      %reduce_min3A_93 = vector.multi_reduction <minsi>, %select_n3A_91, %reduce_min3A_92 [1] : vector<512x2053xi32> to vector<512xi32>
      %broadcast_in_dim3A_94 = vector.shape_cast %reduce_min3A_93 : vector<512xi32> to vector<512x1xi32>
      %eq3A_95 = vector.broadcast %broadcast_in_dim3A_94 : vector<512x1xi32> to vector<512x2053xi32>
      %eq3A_96 = arith.cmpi eq, %concatenate3A_69, %eq3A_95 : vector<512x2053xi32>
      %jit3A_97 = arith.constant 0xFF800000 : f32
      %broadcast_in_dim3A_98 = vector.broadcast %jit3A_97 : f32 to vector<512x2053xf32>
      %select_n3A_99 = arith.select %eq3A_96, %broadcast_in_dim3A_98, %select_n3A_83 : vector<512x2053xi1>, vector<512x2053xf32>
      %reduce_max3A_100 = arith.constant dense<0xFF800000> : vector<512xf32>
      %reduce_max3A_101 = vector.multi_reduction <maximumf>, %select_n3A_99, %reduce_max3A_100 [1] : vector<512x2053xf32> to vector<512xf32>
      %broadcast_in_dim3A_102 = vector.shape_cast %reduce_max3A_101 : vector<512xf32> to vector<512x1xf32>
      %eq3A_103 = vector.broadcast %broadcast_in_dim3A_102 : vector<512x1xf32> to vector<512x2053xf32>
      %eq3A_104 = arith.cmpf oeq, %select_n3A_99, %eq3A_103 : vector<512x2053xf32>
      %jit3A_105 = arith.constant 1073741824 : i32
      %broadcast_in_dim3A_106 = vector.broadcast %jit3A_105 : i32 to vector<512x2053xi32>
      %select_n3A_107 = arith.select %eq3A_104, %concatenate3A_69, %broadcast_in_dim3A_106 : vector<512x2053xi1>, vector<512x2053xi32>
      %reduce_min3A_108 = arith.constant dense<2147483647> : vector<512xi32>
      %reduce_min3A_109 = vector.multi_reduction <minsi>, %select_n3A_107, %reduce_min3A_108 [1] : vector<512x2053xi32> to vector<512xi32>
      %broadcast_in_dim3A_110 = vector.shape_cast %reduce_min3A_109 : vector<512xi32> to vector<512x1xi32>
      %eq3A_111 = vector.broadcast %broadcast_in_dim3A_110 : vector<512x1xi32> to vector<512x2053xi32>
      %eq3A_112 = arith.cmpi eq, %concatenate3A_69, %eq3A_111 : vector<512x2053xi32>
      %jit3A_113 = arith.constant 0xFF800000 : f32
      %broadcast_in_dim3A_114 = vector.broadcast %jit3A_113 : f32 to vector<512x2053xf32>
      %select_n3A_115 = arith.select %eq3A_112, %broadcast_in_dim3A_114, %select_n3A_99 : vector<512x2053xi1>, vector<512x2053xf32>
      %reduce_max3A_116 = arith.constant dense<0xFF800000> : vector<512xf32>
      %reduce_max3A_117 = vector.multi_reduction <maximumf>, %select_n3A_115, %reduce_max3A_116 [1] : vector<512x2053xf32> to vector<512xf32>
      %broadcast_in_dim3A_118 = vector.shape_cast %reduce_max3A_117 : vector<512xf32> to vector<512x1xf32>
      %eq3A_119 = vector.broadcast %broadcast_in_dim3A_118 : vector<512x1xf32> to vector<512x2053xf32>
      %eq3A_120 = arith.cmpf oeq, %select_n3A_115, %eq3A_119 : vector<512x2053xf32>
      %jit3A_121 = arith.constant 1073741824 : i32
      %broadcast_in_dim3A_122 = vector.broadcast %jit3A_121 : i32 to vector<512x2053xi32>
      %select_n3A_123 = arith.select %eq3A_120, %concatenate3A_69, %broadcast_in_dim3A_122 : vector<512x2053xi1>, vector<512x2053xi32>
      %reduce_min3A_124 = arith.constant dense<2147483647> : vector<512xi32>
      %reduce_min3A_125 = vector.multi_reduction <minsi>, %select_n3A_123, %reduce_min3A_124 [1] : vector<512x2053xi32> to vector<512xi32>
      %broadcast_in_dim3A_126 = vector.shape_cast %reduce_min3A_125 : vector<512xi32> to vector<512x1xi32>
      %eq3A_127 = vector.broadcast %broadcast_in_dim3A_126 : vector<512x1xi32> to vector<512x2053xi32>
      %eq3A_128 = arith.cmpi eq, %concatenate3A_69, %eq3A_127 : vector<512x2053xi32>
      %jit3A_129 = arith.constant 0xFF800000 : f32
      %broadcast_in_dim3A_130 = vector.broadcast %jit3A_129 : f32 to vector<512x2053xf32>
      %select_n3A_131 = arith.select %eq3A_128, %broadcast_in_dim3A_130, %select_n3A_115 : vector<512x2053xi1>, vector<512x2053xf32>
      %reduce_max3A_132 = arith.constant dense<0xFF800000> : vector<512xf32>
      %reduce_max3A_133 = vector.multi_reduction <maximumf>, %select_n3A_131, %reduce_max3A_132 [1] : vector<512x2053xf32> to vector<512xf32>
      %broadcast_in_dim3A_134 = vector.shape_cast %reduce_max3A_133 : vector<512xf32> to vector<512x1xf32>
      %eq3A_135 = vector.broadcast %broadcast_in_dim3A_134 : vector<512x1xf32> to vector<512x2053xf32>
      %eq3A_136 = arith.cmpf oeq, %select_n3A_131, %eq3A_135 : vector<512x2053xf32>
      %jit3A_137 = arith.constant 1073741824 : i32
      %broadcast_in_dim3A_138 = vector.broadcast %jit3A_137 : i32 to vector<512x2053xi32>
      %select_n3A_139 = arith.select %eq3A_136, %concatenate3A_69, %broadcast_in_dim3A_138 : vector<512x2053xi1>, vector<512x2053xi32>
      %reduce_min3A_140 = arith.constant dense<2147483647> : vector<512xi32>
      %reduce_min3A_141 = vector.multi_reduction <minsi>, %select_n3A_139, %reduce_min3A_140 [1] : vector<512x2053xi32> to vector<512xi32>
      %broadcast_in_dim3A_142 = vector.shape_cast %reduce_min3A_141 : vector<512xi32> to vector<512x1xi32>
      %eq3A_143 = vector.broadcast %broadcast_in_dim3A_142 : vector<512x1xi32> to vector<512x2053xi32>
      %eq3A_144 = arith.cmpi eq, %concatenate3A_69, %eq3A_143 : vector<512x2053xi32>
      %jit3A_145 = arith.constant 0xFF800000 : f32
      %broadcast_in_dim3A_146 = vector.broadcast %jit3A_145 : f32 to vector<512x2053xf32>
      %select_n3A_147 = arith.select %eq3A_144, %broadcast_in_dim3A_146, %select_n3A_131 : vector<512x2053xi1>, vector<512x2053xf32>
      %concatenate3A_148 = tpu.concatenate %broadcast_in_dim3A_71, %broadcast_in_dim3A_86, %broadcast_in_dim3A_102, %broadcast_in_dim3A_118, %broadcast_in_dim3A_134 in 1 : vector<512x1xf32>, vector<512x1xf32>, vector<512x1xf32>, vector<512x1xf32>, vector<512x1xf32> -> vector<512x5xf32>
      %concatenate3A_149 = tpu.concatenate %broadcast_in_dim3A_78, %broadcast_in_dim3A_94, %broadcast_in_dim3A_110, %broadcast_in_dim3A_126, %broadcast_in_dim3A_142 in 1 : vector<512x1xi32>, vector<512x1xi32>, vector<512x1xi32>, vector<512x1xi32>, vector<512x1xi32> -> vector<512x5xi32>
      scf.yield %concatenate3A_148, %concatenate3A_149 : vector<512x5xf32>, vector<512x5xi32>
    }
    %swap3A = arith.constant 0 : index
    %swap3A_30 = arith.constant 0 : index
    %swap3A_31 = vector.load %arg7[%swap3A, %swap3A_30] : memref<512x5xi32, #tpu.memory_space<vmem>>, vector<512x5xi32>
    tpu.vector_store %arg7[%swap3A, %swap3A_30], %while3A_29#1 {strides = array<i32>} : memref<512x5xi32, #tpu.memory_space<vmem>>, vector<512x5xi32>,
    %mul3A_32 = arith.constant 1.000000e+01 : f32
    %mul3A_33 = vector.broadcast %mul3A_32 : f32 to vector<512x5xf32>
    %mul3A_34 = arith.mulf %mul3A_33, %while3A_29#0 : vector<512x5xf32>
    %exp3A = math.exp %mul3A_34 : vector<512x5xf32>
    %swap3A_35 = arith.constant 0 : index
    %swap3A_36 = arith.constant 0 : index
    %swap3A_37 = vector.load %arg8[%swap3A_35, %swap3A_36] : memref<512x5xf32, #tpu.memory_space<vmem>>, vector<512x5xf32>
    tpu.vector_store %arg8[%swap3A_35, %swap3A_36], %exp3A {strides = array<i32>} : memref<512x5xf32, #tpu.memory_space<vmem>>, vector<512x5xf32>,
    return
  }
  func.func @transform_0(%arg0: i32, %arg1: memref<16xi32, #tpu.memory_space<smem>>, %arg2: memref<16xi32, #tpu.memory_space<smem>>) -> (i32, i32) {
    %c0_i32 = arith.constant 0 : i32
    %c0_i32_0 = arith.constant 0 : i32
    return %arg0, %c0_i32 : i32, i32
  }
  func.func @transform_1(%arg0: i32, %arg1: memref<16xi32, #tpu.memory_space<smem>>, %arg2: memref<16xi32, #tpu.memory_space<smem>>) -> (i32, i32) {
    %c0_i32 = arith.constant 0 : i32
    %c0_i32_0 = arith.constant 0 : i32
    return %arg0, %c0_i32 : i32, i32
  }
  func.func @transform_2(%arg0: i32, %arg1: memref<16xi32, #tpu.memory_space<smem>>, %arg2: memref<16xi32, #tpu.memory_space<smem>>) -> (i32, i32) {
    %c0_i32 = arith.constant 0 : i32
    %c0_i32_0 = arith.constant 0 : i32
    %c0_i32_1 = arith.constant 0 : i32
    return %c0_i32, %c0_i32_0 : i32, i32
  }
  func.func @transform_3(%arg0: i32, %arg1: memref<16xi32, #tpu.memory_space<smem>>, %arg2: memref<16xi32, #tpu.memory_space<smem>>) -> (i32, i32) {
    %c0_i32 = arith.constant 0 : i32
    %c0_i32_0 = arith.constant 0 : i32
    %c0_i32_1 = arith.constant 0 : i32
    return %c0_i32, %c0_i32_0 : i32, i32
  }
  func.func @transform_4(%arg0: i32, %arg1: memref<16xi32, #tpu.memory_space<smem>>, %arg2: memref<16xi32, #tpu.memory_space<smem>>) -> (i32, i32) {
    %c0_i32 = arith.constant 0 : i32
    %c0_i32_0 = arith.constant 0 : i32
    return %arg0, %c0_i32 : i32, i32
  }
  func.func @transform_5(%arg0: i32, %arg1: memref<16xi32, #tpu.memory_space<smem>>, %arg2: memref<16xi32, #tpu.memory_space<smem>>) -> (i32, i32) {
    %c0_i32 = arith.constant 0 : i32
    %c0_i32_0 = arith.constant 0 : i32
    return %arg0, %c0_i32 : i32, i32
  }
}

module attributes {stable_mosaic.version = 14 : i64} {
  func.func @_b2_body(%arg0: i32, %arg1: memref<512x640xf32, #tpu.memory_space<vmem>>, %arg2: memref<512x5xf32, #tpu.memory_space<vmem>>, %arg3: memref<512x64xf32, #tpu.memory_space<vmem>>, %arg4: memref<192x64xf32, #tpu.memory_space<vmem>>, %arg5: memref<2x64xf32, #tpu.memory_space<vmem>>, %arg6: memref<1x64xf32, #tpu.memory_space<vmem>>, %arg7: memref<64x128xf32, #tpu.memory_space<vmem>>, %arg8: memref<2x128xf32, #tpu.memory_space<vmem>>, %arg9: memref<1x128xf32, #tpu.memory_space<vmem>>, %arg10: memref<128x128xf32, #tpu.memory_space<vmem>>, %arg11: memref<2x128xf32, #tpu.memory_space<vmem>>, %arg12: memref<1x128xf32, #tpu.memory_space<vmem>>, %arg13: memref<128x64xf32, #tpu.memory_space<vmem>>, %arg14: memref<1x64xf32, #tpu.memory_space<vmem>>, %arg15: memref<64x16xf32, #tpu.memory_space<vmem>>, %arg16: memref<1x16xf32, #tpu.memory_space<vmem>>, %arg17: memref<64x128xf32, #tpu.memory_space<vmem>>, %arg18: memref<1x128xf32, #tpu.memory_space<vmem>>, %arg19: memref<512x64xf32, #tpu.memory_space<vmem>>, %arg20: memref<512x64xf32, #tpu.memory_space<vmem>>, %arg21: memref<512x16xf32, #tpu.memory_space<vmem>>, %arg22: memref<512x128xf32, #tpu.memory_space<vmem>>) attributes {dimension_semantics = [#tpu.dimension_semantics<parallel>], iteration_bounds = array<i64: 16>, scalar_prefetch = 0 : i64, scratch_operands = 0 : i64, tpu.core_type = #tpu.core_type<tc>, window_params = [{transform_indices = @transform_0, window_bounds = array<i64: 512, 640>}, {transform_indices = @transform_1, window_bounds = array<i64: 512, 5>}, {transform_indices = @transform_2, window_bounds = array<i64: 512, 64>}, {pipeline_mode = #tpu.pipeline_mode<synchronous>, transform_indices = @transform_3, window_bounds = array<i64: 192, 64>}, {pipeline_mode = #tpu.pipeline_mode<synchronous>, transform_indices = @transform_4, window_bounds = array<i64: 2, 64>}, {pipeline_mode = #tpu.pipeline_mode<synchronous>, transform_indices = @transform_5, window_bounds = array<i64: 1, 64>}, {pipeline_mode = #tpu.pipeline_mode<synchronous>, transform_indices = @transform_6, window_bounds = array<i64: 64, 128>}, {pipeline_mode = #tpu.pipeline_mode<synchronous>, transform_indices = @transform_7, window_bounds = array<i64: 2, 128>}, {pipeline_mode = #tpu.pipeline_mode<synchronous>, transform_indices = @transform_8, window_bounds = array<i64: 1, 128>}, {pipeline_mode = #tpu.pipeline_mode<synchronous>, transform_indices = @transform_9, window_bounds = array<i64: 128, 128>}, {pipeline_mode = #tpu.pipeline_mode<synchronous>, transform_indices = @transform_10, window_bounds = array<i64: 2, 128>}, {pipeline_mode = #tpu.pipeline_mode<synchronous>, transform_indices = @transform_11, window_bounds = array<i64: 1, 128>}, {pipeline_mode = #tpu.pipeline_mode<synchronous>, transform_indices = @transform_12, window_bounds = array<i64: 128, 64>}, {pipeline_mode = #tpu.pipeline_mode<synchronous>, transform_indices = @transform_13, window_bounds = array<i64: 1, 64>}, {pipeline_mode = #tpu.pipeline_mode<synchronous>, transform_indices = @transform_14, window_bounds = array<i64: 64, 16>}, {pipeline_mode = #tpu.pipeline_mode<synchronous>, transform_indices = @transform_15, window_bounds = array<i64: 1, 16>}, {pipeline_mode = #tpu.pipeline_mode<synchronous>, transform_indices = @transform_16, window_bounds = array<i64: 64, 128>}, {pipeline_mode = #tpu.pipeline_mode<synchronous>, transform_indices = @transform_17, window_bounds = array<i64: 1, 128>}, {transform_indices = @transform_18, window_bounds = array<i64: 512, 64>}, {transform_indices = @transform_19, window_bounds = array<i64: 512, 64>}, {transform_indices = @transform_20, window_bounds = array<i64: 512, 16>}, {transform_indices = @transform_21, window_bounds = array<i64: 512, 128>}]} {
    %get3A = arith.constant 0 : index
    %get3A_0 = arith.constant 0 : index
    %get3A_1 = vector.load %arg1[%get3A, %get3A_0] : memref<512x640xf32, #tpu.memory_space<vmem>>, vector<512x640xf32>
    %get3A_2 = arith.constant 0 : index
    %get3A_3 = arith.constant 0 : index
    %get3A_4 = vector.load %arg2[%get3A_2, %get3A_3] : memref<512x5xf32, #tpu.memory_space<vmem>>, vector<512x5xf32>
    %broadcast_in_dim3A = arith.constant 0.000000e+00 : f32
    %broadcast_in_dim3A_5 = vector.broadcast %broadcast_in_dim3A : f32 to vector<512x64xf32>
    %broadcast_in_dim3A_6 = arith.constant 0xFF800000 : f32
    %broadcast_in_dim3A_7 = vector.broadcast %broadcast_in_dim3A_6 : f32 to vector<512x64xf32>
    %slice3A = vector.extract_strided_slice %get3A_1 {offsets = [0, 0], sizes = [512, 64], strides = [1, 1]} : vector<512x640xf32> to vector<512x64xf32>
    %slice3A_8 = vector.extract_strided_slice %get3A_4 {offsets = [0, 0], sizes = [512, 1], strides = [1, 1]} : vector<512x5xf32> to vector<512x1xf32>
    %mul3A = vector.broadcast %slice3A_8 : vector<512x1xf32> to vector<512x64xf32>
    %mul3A_9 = arith.mulf %slice3A, %mul3A : vector<512x64xf32>
    %add3A = arith.addf %broadcast_in_dim3A_5, %mul3A_9 : vector<512x64xf32>
    %max3A = arith.maximumf %broadcast_in_dim3A_7, %mul3A_9 : vector<512x64xf32>
    %slice3A_10 = vector.extract_strided_slice %get3A_1 {offsets = [0, 128], sizes = [512, 64], strides = [1, 1]} : vector<512x640xf32> to vector<512x64xf32>
    %slice3A_11 = vector.extract_strided_slice %get3A_4 {offsets = [0, 1], sizes = [512, 1], strides = [1, 1]} : vector<512x5xf32> to vector<512x1xf32>
    %mul3A_12 = vector.broadcast %slice3A_11 : vector<512x1xf32> to vector<512x64xf32>
    %mul3A_13 = arith.mulf %slice3A_10, %mul3A_12 : vector<512x64xf32>
    %add3A_14 = arith.addf %add3A, %mul3A_13 : vector<512x64xf32>
    %max3A_15 = arith.maximumf %max3A, %mul3A_13 : vector<512x64xf32>
    %slice3A_16 = vector.extract_strided_slice %get3A_1 {offsets = [0, 256], sizes = [512, 64], strides = [1, 1]} : vector<512x640xf32> to vector<512x64xf32>
    %slice3A_17 = vector.extract_strided_slice %get3A_4 {offsets = [0, 2], sizes = [512, 1], strides = [1, 1]} : vector<512x5xf32> to vector<512x1xf32>
    %mul3A_18 = vector.broadcast %slice3A_17 : vector<512x1xf32> to vector<512x64xf32>
    %mul3A_19 = arith.mulf %slice3A_16, %mul3A_18 : vector<512x64xf32>
    %add3A_20 = arith.addf %add3A_14, %mul3A_19 : vector<512x64xf32>
    %max3A_21 = arith.maximumf %max3A_15, %mul3A_19 : vector<512x64xf32>
    %slice3A_22 = vector.extract_strided_slice %get3A_1 {offsets = [0, 384], sizes = [512, 64], strides = [1, 1]} : vector<512x640xf32> to vector<512x64xf32>
    %slice3A_23 = vector.extract_strided_slice %get3A_4 {offsets = [0, 3], sizes = [512, 1], strides = [1, 1]} : vector<512x5xf32> to vector<512x1xf32>
    %mul3A_24 = vector.broadcast %slice3A_23 : vector<512x1xf32> to vector<512x64xf32>
    %mul3A_25 = arith.mulf %slice3A_22, %mul3A_24 : vector<512x64xf32>
    %add3A_26 = arith.addf %add3A_20, %mul3A_25 : vector<512x64xf32>
    %max3A_27 = arith.maximumf %max3A_21, %mul3A_25 : vector<512x64xf32>
    %slice3A_28 = vector.extract_strided_slice %get3A_1 {offsets = [0, 512], sizes = [512, 64], strides = [1, 1]} : vector<512x640xf32> to vector<512x64xf32>
    %slice3A_29 = vector.extract_strided_slice %get3A_4 {offsets = [0, 4], sizes = [512, 1], strides = [1, 1]} : vector<512x5xf32> to vector<512x1xf32>
    %mul3A_30 = vector.broadcast %slice3A_29 : vector<512x1xf32> to vector<512x64xf32>
    %mul3A_31 = arith.mulf %slice3A_28, %mul3A_30 : vector<512x64xf32>
    %add3A_32 = arith.addf %add3A_26, %mul3A_31 : vector<512x64xf32>
    %max3A_33 = arith.maximumf %max3A_27, %mul3A_31 : vector<512x64xf32>
    %get3A_34 = arith.constant 0 : index
    %get3A_35 = arith.constant 0 : index
    %get3A_36 = vector.load %arg3[%get3A_34, %get3A_35] : memref<512x64xf32, #tpu.memory_space<vmem>>, vector<512x64xf32>
    %mul3A_37 = arith.constant 2.000000e-01 : f32
    %mul3A_38 = vector.broadcast %mul3A_37 : f32 to vector<512x64xf32>
    %mul3A_39 = arith.mulf %add3A_32, %mul3A_38 : vector<512x64xf32>
    %concatenate3A = tpu.concatenate %get3A_36, %mul3A_39, %max3A_33 in 1 : vector<512x64xf32>, vector<512x64xf32>, vector<512x64xf32> -> vector<512x192xf32>
    %get3A_40 = arith.constant 0 : index
    %get3A_41 = arith.constant 0 : index
    %get3A_42 = vector.load %arg5[%get3A_40, %get3A_41] : memref<2x64xf32, #tpu.memory_space<vmem>>, vector<2x64xf32>
    %get3A_43 = arith.constant 0 : index
    %get3A_44 = arith.constant 0 : index
    %get3A_45 = vector.load %arg4[%get3A_43, %get3A_44] : memref<192x64xf32, #tpu.memory_space<vmem>>, vector<192x64xf32>
    %dot_general3A = arith.constant dense<0.000000e+00> : vector<512x64xf32>
    %dot_general3A_46 = tpu.matmul %concatenate3A, %get3A_45, %dot_general3A {dimension_numbers = #tpu.dot_dimension_numbers<[1], [0], [0], [1], [0, 0, 1, 1], [], []>, transpose_lhs_hint = false} : vector<512x192xf32>, vector<192x64xf32>, vector<512x64xf32> -> vector<512x64xf32>
    %slice3A_47 = vector.extract_strided_slice %get3A_42 {offsets = [0, 0], sizes = [1, 64], strides = [1, 1]} : vector<2x64xf32> to vector<1x64xf32>
    %add3A_48 = vector.broadcast %slice3A_47 : vector<1x64xf32> to vector<512x64xf32>
    %add3A_49 = arith.addf %dot_general3A_46, %add3A_48 : vector<512x64xf32>
    %get3A_50 = arith.constant 0 : index
    %get3A_51 = arith.constant 0 : index
    %get3A_52 = vector.load %arg6[%get3A_50, %get3A_51] : memref<1x64xf32, #tpu.memory_space<vmem>>, vector<1x64xf32>
    %mul3A_53 = arith.constant 0.999994993 : f32
    %mul3A_54 = vector.broadcast %mul3A_53 : f32 to vector<1x64xf32>
    %mul3A_55 = arith.mulf %get3A_52, %mul3A_54 : vector<1x64xf32>
    %mul3A_56 = vector.broadcast %mul3A_55 : vector<1x64xf32> to vector<512x64xf32>
    %mul3A_57 = arith.mulf %add3A_49, %mul3A_56 : vector<512x64xf32>
    %slice3A_58 = vector.extract_strided_slice %get3A_42 {offsets = [1, 0], sizes = [1, 64], strides = [1, 1]} : vector<2x64xf32> to vector<1x64xf32>
    %add3A_59 = vector.broadcast %slice3A_58 : vector<1x64xf32> to vector<512x64xf32>
    %add3A_60 = arith.addf %mul3A_57, %add3A_59 : vector<512x64xf32>
    %get3A_61 = arith.constant 0 : index
    %get3A_62 = arith.constant 0 : index
    %get3A_63 = vector.load %arg8[%get3A_61, %get3A_62] : memref<2x128xf32, #tpu.memory_space<vmem>>, vector<2x128xf32>
    %get3A_64 = arith.constant 0 : index
    %get3A_65 = arith.constant 0 : index
    %get3A_66 = vector.load %arg7[%get3A_64, %get3A_65] : memref<64x128xf32, #tpu.memory_space<vmem>>, vector<64x128xf32>
    %dot_general3A_67 = arith.constant dense<0.000000e+00> : vector<512x128xf32>
    %dot_general3A_68 = tpu.matmul %add3A_60, %get3A_66, %dot_general3A_67 {dimension_numbers = #tpu.dot_dimension_numbers<[1], [0], [0], [1], [0, 0, 1, 1], [], []>, transpose_lhs_hint = false} : vector<512x64xf32>, vector<64x128xf32>, vector<512x128xf32> -> vector<512x128xf32>
    %slice3A_69 = vector.extract_strided_slice %get3A_63 {offsets = [0, 0], sizes = [1, 128], strides = [1, 1]} : vector<2x128xf32> to vector<1x128xf32>
    %add3A_70 = vector.broadcast %slice3A_69 : vector<1x128xf32> to vector<512x128xf32>
    %add3A_71 = arith.addf %dot_general3A_68, %add3A_70 : vector<512x128xf32>
    %max3A_72 = arith.constant 0.000000e+00 : f32
    %max3A_73 = vector.broadcast %max3A_72 : f32 to vector<512x128xf32>
    %max3A_74 = arith.maximumf %add3A_71, %max3A_73 : vector<512x128xf32>
    %get3A_75 = arith.constant 0 : index
    %get3A_76 = arith.constant 0 : index
    %get3A_77 = vector.load %arg9[%get3A_75, %get3A_76] : memref<1x128xf32, #tpu.memory_space<vmem>>, vector<1x128xf32>
    %mul3A_78 = arith.constant 0.999994993 : f32
    %mul3A_79 = vector.broadcast %mul3A_78 : f32 to vector<1x128xf32>
    %mul3A_80 = arith.mulf %get3A_77, %mul3A_79 : vector<1x128xf32>
    %mul3A_81 = vector.broadcast %mul3A_80 : vector<1x128xf32> to vector<512x128xf32>
    %mul3A_82 = arith.mulf %max3A_74, %mul3A_81 : vector<512x128xf32>
    %slice3A_83 = vector.extract_strided_slice %get3A_63 {offsets = [1, 0], sizes = [1, 128], strides = [1, 1]} : vector<2x128xf32> to vector<1x128xf32>
    %add3A_84 = vector.broadcast %slice3A_83 : vector<1x128xf32> to vector<512x128xf32>
    %add3A_85 = arith.addf %mul3A_82, %add3A_84 : vector<512x128xf32>
    %get3A_86 = arith.constant 0 : index
    %get3A_87 = arith.constant 0 : index
    %get3A_88 = vector.load %arg11[%get3A_86, %get3A_87] : memref<2x128xf32, #tpu.memory_space<vmem>>, vector<2x128xf32>
    %get3A_89 = arith.constant 0 : index
    %get3A_90 = arith.constant 0 : index
    %get3A_91 = vector.load %arg10[%get3A_89, %get3A_90] : memref<128x128xf32, #tpu.memory_space<vmem>>, vector<128x128xf32>
    %dot_general3A_92 = arith.constant dense<0.000000e+00> : vector<512x128xf32>
    %dot_general3A_93 = tpu.matmul %add3A_85, %get3A_91, %dot_general3A_92 {dimension_numbers = #tpu.dot_dimension_numbers<[1], [0], [0], [1], [0, 0, 1, 1], [], []>, transpose_lhs_hint = false} : vector<512x128xf32>, vector<128x128xf32>, vector<512x128xf32> -> vector<512x128xf32>
    %slice3A_94 = vector.extract_strided_slice %get3A_88 {offsets = [0, 0], sizes = [1, 128], strides = [1, 1]} : vector<2x128xf32> to vector<1x128xf32>
    %add3A_95 = vector.broadcast %slice3A_94 : vector<1x128xf32> to vector<512x128xf32>
    %add3A_96 = arith.addf %dot_general3A_93, %add3A_95 : vector<512x128xf32>
    %max3A_97 = arith.constant 0.000000e+00 : f32
    %max3A_98 = vector.broadcast %max3A_97 : f32 to vector<512x128xf32>
    %max3A_99 = arith.maximumf %add3A_96, %max3A_98 : vector<512x128xf32>
    %get3A_100 = arith.constant 0 : index
    %get3A_101 = arith.constant 0 : index
    %get3A_102 = vector.load %arg12[%get3A_100, %get3A_101] : memref<1x128xf32, #tpu.memory_space<vmem>>, vector<1x128xf32>
    %mul3A_103 = arith.constant 0.999994993 : f32
    %mul3A_104 = vector.broadcast %mul3A_103 : f32 to vector<1x128xf32>
    %mul3A_105 = arith.mulf %get3A_102, %mul3A_104 : vector<1x128xf32>
    %mul3A_106 = vector.broadcast %mul3A_105 : vector<1x128xf32> to vector<512x128xf32>
    %mul3A_107 = arith.mulf %max3A_99, %mul3A_106 : vector<512x128xf32>
    %slice3A_108 = vector.extract_strided_slice %get3A_88 {offsets = [1, 0], sizes = [1, 128], strides = [1, 1]} : vector<2x128xf32> to vector<1x128xf32>
    %add3A_109 = vector.broadcast %slice3A_108 : vector<1x128xf32> to vector<512x128xf32>
    %add3A_110 = arith.addf %mul3A_107, %add3A_109 : vector<512x128xf32>
    %get3A_111 = arith.constant 0 : index
    %get3A_112 = arith.constant 0 : index
    %get3A_113 = vector.load %arg13[%get3A_111, %get3A_112] : memref<128x64xf32, #tpu.memory_space<vmem>>, vector<128x64xf32>
    %dot_general3A_114 = arith.constant dense<0.000000e+00> : vector<512x64xf32>
    %dot_general3A_115 = tpu.matmul %add3A_110, %get3A_113, %dot_general3A_114 {dimension_numbers = #tpu.dot_dimension_numbers<[1], [0], [0], [1], [0, 0, 1, 1], [], []>, transpose_lhs_hint = false} : vector<512x128xf32>, vector<128x64xf32>, vector<512x64xf32> -> vector<512x64xf32>
    %get3A_116 = arith.constant 0 : index
    %get3A_117 = arith.constant 0 : index
    %get3A_118 = vector.load %arg14[%get3A_116, %get3A_117] : memref<1x64xf32, #tpu.memory_space<vmem>>, vector<1x64xf32>
    %add3A_119 = vector.broadcast %get3A_118 : vector<1x64xf32> to vector<512x64xf32>
    %add3A_120 = arith.addf %dot_general3A_115, %add3A_119 : vector<512x64xf32>
    %get3A_121 = arith.constant 0 : index
    %get3A_122 = arith.constant 0 : index
    %get3A_123 = vector.load %arg15[%get3A_121, %get3A_122] : memref<64x16xf32, #tpu.memory_space<vmem>>, vector<64x16xf32>
    %dot_general3A_124 = arith.constant dense<0.000000e+00> : vector<512x16xf32>
    %dot_general3A_125 = tpu.matmul %add3A_120, %get3A_123, %dot_general3A_124 {dimension_numbers = #tpu.dot_dimension_numbers<[1], [0], [0], [1], [0, 0, 1, 1], [], []>, transpose_lhs_hint = false} : vector<512x64xf32>, vector<64x16xf32>, vector<512x16xf32> -> vector<512x16xf32>
    %get3A_126 = arith.constant 0 : index
    %get3A_127 = arith.constant 0 : index
    %get3A_128 = vector.load %arg16[%get3A_126, %get3A_127] : memref<1x16xf32, #tpu.memory_space<vmem>>, vector<1x16xf32>
    %add3A_129 = vector.broadcast %get3A_128 : vector<1x16xf32> to vector<512x16xf32>
    %add3A_130 = arith.addf %dot_general3A_125, %add3A_129 : vector<512x16xf32>
    %get3A_131 = arith.constant 0 : index
    %get3A_132 = arith.constant 0 : index
    %get3A_133 = vector.load %arg17[%get3A_131, %get3A_132] : memref<64x128xf32, #tpu.memory_space<vmem>>, vector<64x128xf32>
    %dot_general3A_134 = arith.constant dense<0.000000e+00> : vector<512x128xf32>
    %dot_general3A_135 = tpu.matmul %add3A_120, %get3A_133, %dot_general3A_134 {dimension_numbers = #tpu.dot_dimension_numbers<[1], [0], [0], [1], [0, 0, 1, 1], [], []>, transpose_lhs_hint = false} : vector<512x64xf32>, vector<64x128xf32>, vector<512x128xf32> -> vector<512x128xf32>
    %get3A_136 = arith.constant 0 : index
    %get3A_137 = arith.constant 0 : index
    %get3A_138 = vector.load %arg18[%get3A_136, %get3A_137] : memref<1x128xf32, #tpu.memory_space<vmem>>, vector<1x128xf32>
    %add3A_139 = vector.broadcast %get3A_138 : vector<1x128xf32> to vector<512x128xf32>
    %add3A_140 = arith.addf %dot_general3A_135, %add3A_139 : vector<512x128xf32>
    %swap3A = arith.constant 0 : index
    %swap3A_141 = arith.constant 0 : index
    %swap3A_142 = vector.load %arg19[%swap3A, %swap3A_141] : memref<512x64xf32, #tpu.memory_space<vmem>>, vector<512x64xf32>
    tpu.vector_store %arg19[%swap3A, %swap3A_141], %add3A_60 {strides = array<i32>} : memref<512x64xf32, #tpu.memory_space<vmem>>, vector<512x64xf32>,
    %swap3A_143 = arith.constant 0 : index
    %swap3A_144 = arith.constant 0 : index
    %swap3A_145 = vector.load %arg20[%swap3A_143, %swap3A_144] : memref<512x64xf32, #tpu.memory_space<vmem>>, vector<512x64xf32>
    tpu.vector_store %arg20[%swap3A_143, %swap3A_144], %add3A_120 {strides = array<i32>} : memref<512x64xf32, #tpu.memory_space<vmem>>, vector<512x64xf32>,
    %swap3A_146 = arith.constant 0 : index
    %swap3A_147 = arith.constant 0 : index
    %swap3A_148 = vector.load %arg21[%swap3A_146, %swap3A_147] : memref<512x16xf32, #tpu.memory_space<vmem>>, vector<512x16xf32>
    tpu.vector_store %arg21[%swap3A_146, %swap3A_147], %add3A_130 {strides = array<i32>} : memref<512x16xf32, #tpu.memory_space<vmem>>, vector<512x16xf32>,
    %swap3A_149 = arith.constant 0 : index
    %swap3A_150 = arith.constant 0 : index
    %swap3A_151 = vector.load %arg22[%swap3A_149, %swap3A_150] : memref<512x128xf32, #tpu.memory_space<vmem>>, vector<512x128xf32>
    tpu.vector_store %arg22[%swap3A_149, %swap3A_150], %add3A_140 {strides = array<i32>} : memref<512x128xf32, #tpu.memory_space<vmem>>, vector<512x128xf32>,
    return
  }
  func.func @transform_0(%arg0: i32) -> (i32, i32) {
    %c0_i32 = arith.constant 0 : i32
    %c0_i32_0 = arith.constant 0 : i32
    return %arg0, %c0_i32 : i32, i32
  }
  func.func @transform_1(%arg0: i32) -> (i32, i32) {
    %c0_i32 = arith.constant 0 : i32
    %c0_i32_0 = arith.constant 0 : i32
    return %arg0, %c0_i32 : i32, i32
  }
  func.func @transform_2(%arg0: i32) -> (i32, i32) {
    %c0_i32 = arith.constant 0 : i32
    %c0_i32_0 = arith.constant 0 : i32
    return %arg0, %c0_i32 : i32, i32
  }
  func.func @transform_3(%arg0: i32) -> (i32, i32) {
    %c0_i32 = arith.constant 0 : i32
    %c0_i32_0 = arith.constant 0 : i32
    %c0_i32_1 = arith.constant 0 : i32
    return %c0_i32, %c0_i32_0 : i32, i32
  }
  func.func @transform_4(%arg0: i32) -> (i32, i32) {
    %c0_i32 = arith.constant 0 : i32
    %c0_i32_0 = arith.constant 0 : i32
    %c0_i32_1 = arith.constant 0 : i32
    return %c0_i32, %c0_i32_0 : i32, i32
  }
  func.func @transform_5(%arg0: i32) -> (i32, i32) {
    %c0_i32 = arith.constant 0 : i32
    %c0_i32_0 = arith.constant 0 : i32
    %c0_i32_1 = arith.constant 0 : i32
    return %c0_i32, %c0_i32_0 : i32, i32
  }
  func.func @transform_6(%arg0: i32) -> (i32, i32) {
    %c0_i32 = arith.constant 0 : i32
    %c0_i32_0 = arith.constant 0 : i32
    %c0_i32_1 = arith.constant 0 : i32
    return %c0_i32, %c0_i32_0 : i32, i32
  }
  func.func @transform_7(%arg0: i32) -> (i32, i32) {
    %c0_i32 = arith.constant 0 : i32
    %c0_i32_0 = arith.constant 0 : i32
    %c0_i32_1 = arith.constant 0 : i32
    return %c0_i32, %c0_i32_0 : i32, i32
  }
  func.func @transform_8(%arg0: i32) -> (i32, i32) {
    %c0_i32 = arith.constant 0 : i32
    %c0_i32_0 = arith.constant 0 : i32
    %c0_i32_1 = arith.constant 0 : i32
    return %c0_i32, %c0_i32_0 : i32, i32
  }
  func.func @transform_9(%arg0: i32) -> (i32, i32) {
    %c0_i32 = arith.constant 0 : i32
    %c0_i32_0 = arith.constant 0 : i32
    %c0_i32_1 = arith.constant 0 : i32
    return %c0_i32, %c0_i32_0 : i32, i32
  }
  func.func @transform_10(%arg0: i32) -> (i32, i32) {
    %c0_i32 = arith.constant 0 : i32
    %c0_i32_0 = arith.constant 0 : i32
    %c0_i32_1 = arith.constant 0 : i32
    return %c0_i32, %c0_i32_0 : i32, i32
  }
  func.func @transform_11(%arg0: i32) -> (i32, i32) {
    %c0_i32 = arith.constant 0 : i32
    %c0_i32_0 = arith.constant 0 : i32
    %c0_i32_1 = arith.constant 0 : i32
    return %c0_i32, %c0_i32_0 : i32, i32
  }
  func.func @transform_12(%arg0: i32) -> (i32, i32) {
    %c0_i32 = arith.constant 0 : i32
    %c0_i32_0 = arith.constant 0 : i32
    %c0_i32_1 = arith.constant 0 : i32
    return %c0_i32, %c0_i32_0 : i32, i32
  }
  func.func @transform_13(%arg0: i32) -> (i32, i32) {
    %c0_i32 = arith.constant 0 : i32
    %c0_i32_0 = arith.constant 0 : i32
    %c0_i32_1 = arith.constant 0 : i32
    return %c0_i32, %c0_i32_0 : i32, i32
  }
  func.func @transform_14(%arg0: i32) -> (i32, i32) {
    %c0_i32 = arith.constant 0 : i32
    %c0_i32_0 = arith.constant 0 : i32
    %c0_i32_1 = arith.constant 0 : i32
    return %c0_i32, %c0_i32_0 : i32, i32
  }
  func.func @transform_15(%arg0: i32) -> (i32, i32) {
    %c0_i32 = arith.constant 0 : i32
    %c0_i32_0 = arith.constant 0 : i32
    %c0_i32_1 = arith.constant 0 : i32
    return %c0_i32, %c0_i32_0 : i32, i32
  }
  func.func @transform_16(%arg0: i32) -> (i32, i32) {
    %c0_i32 = arith.constant 0 : i32
    %c0_i32_0 = arith.constant 0 : i32
    %c0_i32_1 = arith.constant 0 : i32
    return %c0_i32, %c0_i32_0 : i32, i32
  }
  func.func @transform_17(%arg0: i32) -> (i32, i32) {
    %c0_i32 = arith.constant 0 : i32
    %c0_i32_0 = arith.constant 0 : i32
    %c0_i32_1 = arith.constant 0 : i32
    return %c0_i32, %c0_i32_0 : i32, i32
  }
  func.func @transform_18(%arg0: i32) -> (i32, i32) {
    %c0_i32 = arith.constant 0 : i32
    %c0_i32_0 = arith.constant 0 : i32
    return %arg0, %c0_i32 : i32, i32
  }
  func.func @transform_19(%arg0: i32) -> (i32, i32) {
    %c0_i32 = arith.constant 0 : i32
    %c0_i32_0 = arith.constant 0 : i32
    return %arg0, %c0_i32 : i32, i32
  }
  func.func @transform_20(%arg0: i32) -> (i32, i32) {
    %c0_i32 = arith.constant 0 : i32
    %c0_i32_0 = arith.constant 0 : i32
    return %arg0, %c0_i32 : i32, i32
  }
  func.func @transform_21(%arg0: i32) -> (i32, i32) {
    %c0_i32 = arith.constant 0 : i32
    %c0_i32_0 = arith.constant 0 : i32
    return %arg0, %c0_i32 : i32, i32
  }
}

module attributes {stable_mosaic.version = 14 : i64} {
  func.func @_c2_body(%arg0: i32, %arg1: memref<512x640xf32, #tpu.memory_space<vmem>>, %arg2: memref<512x5xf32, #tpu.memory_space<vmem>>, %arg3: memref<512x64xf32, #tpu.memory_space<vmem>>, %arg4: memref<192x64xf32, #tpu.memory_space<vmem>>, %arg5: memref<2x64xf32, #tpu.memory_space<vmem>>, %arg6: memref<1x64xf32, #tpu.memory_space<vmem>>, %arg7: memref<512x64xf32, #tpu.memory_space<vmem>>, %arg8: memref<512x64xf32, #tpu.memory_space<vmem>>, %arg9: memref<192x256xf32, #tpu.memory_space<vmem>>, %arg10: memref<2x256xf32, #tpu.memory_space<vmem>>, %arg11: memref<1x256xf32, #tpu.memory_space<vmem>>, %arg12: memref<256x256xf32, #tpu.memory_space<vmem>>, %arg13: memref<2x256xf32, #tpu.memory_space<vmem>>, %arg14: memref<1x256xf32, #tpu.memory_space<vmem>>, %arg15: memref<256x256xf32, #tpu.memory_space<vmem>>, %arg16: memref<2x256xf32, #tpu.memory_space<vmem>>, %arg17: memref<1x256xf32, #tpu.memory_space<vmem>>, %arg18: memref<256x1xf32, #tpu.memory_space<vmem>>, %arg19: memref<1x1xf32, #tpu.memory_space<vmem>>, %arg20: memref<512x1xf32, #tpu.memory_space<vmem>>) attributes {dimension_semantics = [#tpu.dimension_semantics<parallel>], iteration_bounds = array<i64: 16>, scalar_prefetch = 0 : i64, scratch_operands = 0 : i64, tpu.core_type = #tpu.core_type<tc>, window_params = [{transform_indices = @transform_0, window_bounds = array<i64: 512, 640>}, {transform_indices = @transform_1, window_bounds = array<i64: 512, 5>}, {transform_indices = @transform_2, window_bounds = array<i64: 512, 64>}, {pipeline_mode = #tpu.pipeline_mode<synchronous>, transform_indices = @transform_3, window_bounds = array<i64: 192, 64>}, {pipeline_mode = #tpu.pipeline_mode<synchronous>, transform_indices = @transform_4, window_bounds = array<i64: 2, 64>}, {pipeline_mode = #tpu.pipeline_mode<synchronous>, transform_indices = @transform_5, window_bounds = array<i64: 1, 64>}, {transform_indices = @transform_6, window_bounds = array<i64: 512, 64>}, {transform_indices = @transform_7, window_bounds = array<i64: 512, 64>}, {pipeline_mode = #tpu.pipeline_mode<synchronous>, transform_indices = @transform_8, window_bounds = array<i64: 192, 256>}, {pipeline_mode = #tpu.pipeline_mode<synchronous>, transform_indices = @transform_9, window_bounds = array<i64: 2, 256>}, {pipeline_mode = #tpu.pipeline_mode<synchronous>, transform_indices = @transform_10, window_bounds = array<i64: 1, 256>}, {pipeline_mode = #tpu.pipeline_mode<synchronous>, transform_indices = @transform_11, window_bounds = array<i64: 256, 256>}, {pipeline_mode = #tpu.pipeline_mode<synchronous>, transform_indices = @transform_12, window_bounds = array<i64: 2, 256>}, {pipeline_mode = #tpu.pipeline_mode<synchronous>, transform_indices = @transform_13, window_bounds = array<i64: 1, 256>}, {pipeline_mode = #tpu.pipeline_mode<synchronous>, transform_indices = @transform_14, window_bounds = array<i64: 256, 256>}, {pipeline_mode = #tpu.pipeline_mode<synchronous>, transform_indices = @transform_15, window_bounds = array<i64: 2, 256>}, {pipeline_mode = #tpu.pipeline_mode<synchronous>, transform_indices = @transform_16, window_bounds = array<i64: 1, 256>}, {pipeline_mode = #tpu.pipeline_mode<synchronous>, transform_indices = @transform_17, window_bounds = array<i64: 256, 1>}, {pipeline_mode = #tpu.pipeline_mode<synchronous>, transform_indices = @transform_18, window_bounds = array<i64: 1, 1>}, {transform_indices = @transform_19, window_bounds = array<i64: 512, 1>}]} {
    %get3A = arith.constant 0 : index
    %get3A_0 = arith.constant 0 : index
    %get3A_1 = vector.load %arg1[%get3A, %get3A_0] : memref<512x640xf32, #tpu.memory_space<vmem>>, vector<512x640xf32>
    %get3A_2 = arith.constant 0 : index
    %get3A_3 = arith.constant 0 : index
    %get3A_4 = vector.load %arg2[%get3A_2, %get3A_3] : memref<512x5xf32, #tpu.memory_space<vmem>>, vector<512x5xf32>
    %broadcast_in_dim3A = arith.constant 0.000000e+00 : f32
    %broadcast_in_dim3A_5 = vector.broadcast %broadcast_in_dim3A : f32 to vector<512x64xf32>
    %broadcast_in_dim3A_6 = arith.constant 0xFF800000 : f32
    %broadcast_in_dim3A_7 = vector.broadcast %broadcast_in_dim3A_6 : f32 to vector<512x64xf32>
    %slice3A = vector.extract_strided_slice %get3A_1 {offsets = [0, 0], sizes = [512, 64], strides = [1, 1]} : vector<512x640xf32> to vector<512x64xf32>
    %slice3A_8 = vector.extract_strided_slice %get3A_4 {offsets = [0, 0], sizes = [512, 1], strides = [1, 1]} : vector<512x5xf32> to vector<512x1xf32>
    %mul3A = vector.broadcast %slice3A_8 : vector<512x1xf32> to vector<512x64xf32>
    %mul3A_9 = arith.mulf %slice3A, %mul3A : vector<512x64xf32>
    %add3A = arith.addf %broadcast_in_dim3A_5, %mul3A_9 : vector<512x64xf32>
    %max3A = arith.maximumf %broadcast_in_dim3A_7, %mul3A_9 : vector<512x64xf32>
    %slice3A_10 = vector.extract_strided_slice %get3A_1 {offsets = [0, 128], sizes = [512, 64], strides = [1, 1]} : vector<512x640xf32> to vector<512x64xf32>
    %slice3A_11 = vector.extract_strided_slice %get3A_4 {offsets = [0, 1], sizes = [512, 1], strides = [1, 1]} : vector<512x5xf32> to vector<512x1xf32>
    %mul3A_12 = vector.broadcast %slice3A_11 : vector<512x1xf32> to vector<512x64xf32>
    %mul3A_13 = arith.mulf %slice3A_10, %mul3A_12 : vector<512x64xf32>
    %add3A_14 = arith.addf %add3A, %mul3A_13 : vector<512x64xf32>
    %max3A_15 = arith.maximumf %max3A, %mul3A_13 : vector<512x64xf32>
    %slice3A_16 = vector.extract_strided_slice %get3A_1 {offsets = [0, 256], sizes = [512, 64], strides = [1, 1]} : vector<512x640xf32> to vector<512x64xf32>
    %slice3A_17 = vector.extract_strided_slice %get3A_4 {offsets = [0, 2], sizes = [512, 1], strides = [1, 1]} : vector<512x5xf32> to vector<512x1xf32>
    %mul3A_18 = vector.broadcast %slice3A_17 : vector<512x1xf32> to vector<512x64xf32>
    %mul3A_19 = arith.mulf %slice3A_16, %mul3A_18 : vector<512x64xf32>
    %add3A_20 = arith.addf %add3A_14, %mul3A_19 : vector<512x64xf32>
    %max3A_21 = arith.maximumf %max3A_15, %mul3A_19 : vector<512x64xf32>
    %slice3A_22 = vector.extract_strided_slice %get3A_1 {offsets = [0, 384], sizes = [512, 64], strides = [1, 1]} : vector<512x640xf32> to vector<512x64xf32>
    %slice3A_23 = vector.extract_strided_slice %get3A_4 {offsets = [0, 3], sizes = [512, 1], strides = [1, 1]} : vector<512x5xf32> to vector<512x1xf32>
    %mul3A_24 = vector.broadcast %slice3A_23 : vector<512x1xf32> to vector<512x64xf32>
    %mul3A_25 = arith.mulf %slice3A_22, %mul3A_24 : vector<512x64xf32>
    %add3A_26 = arith.addf %add3A_20, %mul3A_25 : vector<512x64xf32>
    %max3A_27 = arith.maximumf %max3A_21, %mul3A_25 : vector<512x64xf32>
    %slice3A_28 = vector.extract_strided_slice %get3A_1 {offsets = [0, 512], sizes = [512, 64], strides = [1, 1]} : vector<512x640xf32> to vector<512x64xf32>
    %slice3A_29 = vector.extract_strided_slice %get3A_4 {offsets = [0, 4], sizes = [512, 1], strides = [1, 1]} : vector<512x5xf32> to vector<512x1xf32>
    %mul3A_30 = vector.broadcast %slice3A_29 : vector<512x1xf32> to vector<512x64xf32>
    %mul3A_31 = arith.mulf %slice3A_28, %mul3A_30 : vector<512x64xf32>
    %add3A_32 = arith.addf %add3A_26, %mul3A_31 : vector<512x64xf32>
    %max3A_33 = arith.maximumf %max3A_27, %mul3A_31 : vector<512x64xf32>
    %get3A_34 = arith.constant 0 : index
    %get3A_35 = arith.constant 0 : index
    %get3A_36 = vector.load %arg3[%get3A_34, %get3A_35] : memref<512x64xf32, #tpu.memory_space<vmem>>, vector<512x64xf32>
    %mul3A_37 = arith.constant 2.000000e-01 : f32
    %mul3A_38 = vector.broadcast %mul3A_37 : f32 to vector<512x64xf32>
    %mul3A_39 = arith.mulf %add3A_32, %mul3A_38 : vector<512x64xf32>
    %concatenate3A = tpu.concatenate %get3A_36, %mul3A_39, %max3A_33 in 1 : vector<512x64xf32>, vector<512x64xf32>, vector<512x64xf32> -> vector<512x192xf32>
    %get3A_40 = arith.constant 0 : index
    %get3A_41 = arith.constant 0 : index
    %get3A_42 = vector.load %arg5[%get3A_40, %get3A_41] : memref<2x64xf32, #tpu.memory_space<vmem>>, vector<2x64xf32>
    %get3A_43 = arith.constant 0 : index
    %get3A_44 = arith.constant 0 : index
    %get3A_45 = vector.load %arg4[%get3A_43, %get3A_44] : memref<192x64xf32, #tpu.memory_space<vmem>>, vector<192x64xf32>
    %dot_general3A = arith.constant dense<0.000000e+00> : vector<512x64xf32>
    %dot_general3A_46 = tpu.matmul %concatenate3A, %get3A_45, %dot_general3A {dimension_numbers = #tpu.dot_dimension_numbers<[1], [0], [0], [1], [0, 0, 1, 1], [], []>, transpose_lhs_hint = false} : vector<512x192xf32>, vector<192x64xf32>, vector<512x64xf32> -> vector<512x64xf32>
    %slice3A_47 = vector.extract_strided_slice %get3A_42 {offsets = [0, 0], sizes = [1, 64], strides = [1, 1]} : vector<2x64xf32> to vector<1x64xf32>
    %add3A_48 = vector.broadcast %slice3A_47 : vector<1x64xf32> to vector<512x64xf32>
    %add3A_49 = arith.addf %dot_general3A_46, %add3A_48 : vector<512x64xf32>
    %get3A_50 = arith.constant 0 : index
    %get3A_51 = arith.constant 0 : index
    %get3A_52 = vector.load %arg6[%get3A_50, %get3A_51] : memref<1x64xf32, #tpu.memory_space<vmem>>, vector<1x64xf32>
    %mul3A_53 = arith.constant 0.999994993 : f32
    %mul3A_54 = vector.broadcast %mul3A_53 : f32 to vector<1x64xf32>
    %mul3A_55 = arith.mulf %get3A_52, %mul3A_54 : vector<1x64xf32>
    %mul3A_56 = vector.broadcast %mul3A_55 : vector<1x64xf32> to vector<512x64xf32>
    %mul3A_57 = arith.mulf %add3A_49, %mul3A_56 : vector<512x64xf32>
    %slice3A_58 = vector.extract_strided_slice %get3A_42 {offsets = [1, 0], sizes = [1, 64], strides = [1, 1]} : vector<2x64xf32> to vector<1x64xf32>
    %add3A_59 = vector.broadcast %slice3A_58 : vector<1x64xf32> to vector<512x64xf32>
    %add3A_60 = arith.addf %mul3A_57, %add3A_59 : vector<512x64xf32>
    %get3A_61 = arith.constant 0 : index
    %get3A_62 = arith.constant 0 : index
    %get3A_63 = vector.load %arg7[%get3A_61, %get3A_62] : memref<512x64xf32, #tpu.memory_space<vmem>>, vector<512x64xf32>
    %get3A_64 = arith.constant 0 : index
    %get3A_65 = arith.constant 0 : index
    %get3A_66 = vector.load %arg8[%get3A_64, %get3A_65] : memref<512x64xf32, #tpu.memory_space<vmem>>, vector<512x64xf32>
    %concatenate3A_67 = tpu.concatenate %get3A_63, %get3A_66, %add3A_60 in 1 : vector<512x64xf32>, vector<512x64xf32>, vector<512x64xf32> -> vector<512x192xf32>
    %get3A_68 = arith.constant 0 : index
    %get3A_69 = arith.constant 0 : index
    %get3A_70 = vector.load %arg10[%get3A_68, %get3A_69] : memref<2x256xf32, #tpu.memory_space<vmem>>, vector<2x256xf32>
    %get3A_71 = arith.constant 0 : index
    %get3A_72 = arith.constant 0 : index
    %get3A_73 = vector.load %arg9[%get3A_71, %get3A_72] : memref<192x256xf32, #tpu.memory_space<vmem>>, vector<192x256xf32>
    %dot_general3A_74 = arith.constant dense<0.000000e+00> : vector<512x256xf32>
    %dot_general3A_75 = tpu.matmul %concatenate3A_67, %get3A_73, %dot_general3A_74 {dimension_numbers = #tpu.dot_dimension_numbers<[1], [0], [0], [1], [0, 0, 1, 1], [], []>, transpose_lhs_hint = false} : vector<512x192xf32>, vector<192x256xf32>, vector<512x256xf32> -> vector<512x256xf32>
    %slice3A_76 = vector.extract_strided_slice %get3A_70 {offsets = [0, 0], sizes = [1, 256], strides = [1, 1]} : vector<2x256xf32> to vector<1x256xf32>
    %add3A_77 = vector.broadcast %slice3A_76 : vector<1x256xf32> to vector<512x256xf32>
    %add3A_78 = arith.addf %dot_general3A_75, %add3A_77 : vector<512x256xf32>
    %max3A_79 = arith.constant 0.000000e+00 : f32
    %max3A_80 = vector.broadcast %max3A_79 : f32 to vector<512x256xf32>
    %max3A_81 = arith.maximumf %add3A_78, %max3A_80 : vector<512x256xf32>
    %get3A_82 = arith.constant 0 : index
    %get3A_83 = arith.constant 0 : index
    %get3A_84 = vector.load %arg11[%get3A_82, %get3A_83] : memref<1x256xf32, #tpu.memory_space<vmem>>, vector<1x256xf32>
    %mul3A_85 = arith.constant 0.999994993 : f32
    %mul3A_86 = vector.broadcast %mul3A_85 : f32 to vector<1x256xf32>
    %mul3A_87 = arith.mulf %get3A_84, %mul3A_86 : vector<1x256xf32>
    %mul3A_88 = vector.broadcast %mul3A_87 : vector<1x256xf32> to vector<512x256xf32>
    %mul3A_89 = arith.mulf %max3A_81, %mul3A_88 : vector<512x256xf32>
    %slice3A_90 = vector.extract_strided_slice %get3A_70 {offsets = [1, 0], sizes = [1, 256], strides = [1, 1]} : vector<2x256xf32> to vector<1x256xf32>
    %add3A_91 = vector.broadcast %slice3A_90 : vector<1x256xf32> to vector<512x256xf32>
    %add3A_92 = arith.addf %mul3A_89, %add3A_91 : vector<512x256xf32>
    %get3A_93 = arith.constant 0 : index
    %get3A_94 = arith.constant 0 : index
    %get3A_95 = vector.load %arg13[%get3A_93, %get3A_94] : memref<2x256xf32, #tpu.memory_space<vmem>>, vector<2x256xf32>
    %get3A_96 = arith.constant 0 : index
    %get3A_97 = arith.constant 0 : index
    %get3A_98 = vector.load %arg12[%get3A_96, %get3A_97] : memref<256x256xf32, #tpu.memory_space<vmem>>, vector<256x256xf32>
    %dot_general3A_99 = arith.constant dense<0.000000e+00> : vector<512x256xf32>
    %dot_general3A_100 = tpu.matmul %add3A_92, %get3A_98, %dot_general3A_99 {dimension_numbers = #tpu.dot_dimension_numbers<[1], [0], [0], [1], [0, 0, 1, 1], [], []>, transpose_lhs_hint = false} : vector<512x256xf32>, vector<256x256xf32>, vector<512x256xf32> -> vector<512x256xf32>
    %slice3A_101 = vector.extract_strided_slice %get3A_95 {offsets = [0, 0], sizes = [1, 256], strides = [1, 1]} : vector<2x256xf32> to vector<1x256xf32>
    %add3A_102 = vector.broadcast %slice3A_101 : vector<1x256xf32> to vector<512x256xf32>
    %add3A_103 = arith.addf %dot_general3A_100, %add3A_102 : vector<512x256xf32>
    %max3A_104 = arith.constant 0.000000e+00 : f32
    %max3A_105 = vector.broadcast %max3A_104 : f32 to vector<512x256xf32>
    %max3A_106 = arith.maximumf %add3A_103, %max3A_105 : vector<512x256xf32>
    %get3A_107 = arith.constant 0 : index
    %get3A_108 = arith.constant 0 : index
    %get3A_109 = vector.load %arg14[%get3A_107, %get3A_108] : memref<1x256xf32, #tpu.memory_space<vmem>>, vector<1x256xf32>
    %mul3A_110 = arith.constant 0.999994993 : f32
    %mul3A_111 = vector.broadcast %mul3A_110 : f32 to vector<1x256xf32>
    %mul3A_112 = arith.mulf %get3A_109, %mul3A_111 : vector<1x256xf32>
    %mul3A_113 = vector.broadcast %mul3A_112 : vector<1x256xf32> to vector<512x256xf32>
    %mul3A_114 = arith.mulf %max3A_106, %mul3A_113 : vector<512x256xf32>
    %slice3A_115 = vector.extract_strided_slice %get3A_95 {offsets = [1, 0], sizes = [1, 256], strides = [1, 1]} : vector<2x256xf32> to vector<1x256xf32>
    %add3A_116 = vector.broadcast %slice3A_115 : vector<1x256xf32> to vector<512x256xf32>
    %add3A_117 = arith.addf %mul3A_114, %add3A_116 : vector<512x256xf32>
    %get3A_118 = arith.constant 0 : index
    %get3A_119 = arith.constant 0 : index
    %get3A_120 = vector.load %arg16[%get3A_118, %get3A_119] : memref<2x256xf32, #tpu.memory_space<vmem>>, vector<2x256xf32>
    %get3A_121 = arith.constant 0 : index
    %get3A_122 = arith.constant 0 : index
    %get3A_123 = vector.load %arg15[%get3A_121, %get3A_122] : memref<256x256xf32, #tpu.memory_space<vmem>>, vector<256x256xf32>
    %dot_general3A_124 = arith.constant dense<0.000000e+00> : vector<512x256xf32>
    %dot_general3A_125 = tpu.matmul %add3A_117, %get3A_123, %dot_general3A_124 {dimension_numbers = #tpu.dot_dimension_numbers<[1], [0], [0], [1], [0, 0, 1, 1], [], []>, transpose_lhs_hint = false} : vector<512x256xf32>, vector<256x256xf32>, vector<512x256xf32> -> vector<512x256xf32>
    %slice3A_126 = vector.extract_strided_slice %get3A_120 {offsets = [0, 0], sizes = [1, 256], strides = [1, 1]} : vector<2x256xf32> to vector<1x256xf32>
    %add3A_127 = vector.broadcast %slice3A_126 : vector<1x256xf32> to vector<512x256xf32>
    %add3A_128 = arith.addf %dot_general3A_125, %add3A_127 : vector<512x256xf32>
    %max3A_129 = arith.constant 0.000000e+00 : f32
    %max3A_130 = vector.broadcast %max3A_129 : f32 to vector<512x256xf32>
    %max3A_131 = arith.maximumf %add3A_128, %max3A_130 : vector<512x256xf32>
    %get3A_132 = arith.constant 0 : index
    %get3A_133 = arith.constant 0 : index
    %get3A_134 = vector.load %arg17[%get3A_132, %get3A_133] : memref<1x256xf32, #tpu.memory_space<vmem>>, vector<1x256xf32>
    %mul3A_135 = arith.constant 0.999994993 : f32
    %mul3A_136 = vector.broadcast %mul3A_135 : f32 to vector<1x256xf32>
    %mul3A_137 = arith.mulf %get3A_134, %mul3A_136 : vector<1x256xf32>
    %mul3A_138 = vector.broadcast %mul3A_137 : vector<1x256xf32> to vector<512x256xf32>
    %mul3A_139 = arith.mulf %max3A_131, %mul3A_138 : vector<512x256xf32>
    %slice3A_140 = vector.extract_strided_slice %get3A_120 {offsets = [1, 0], sizes = [1, 256], strides = [1, 1]} : vector<2x256xf32> to vector<1x256xf32>
    %add3A_141 = vector.broadcast %slice3A_140 : vector<1x256xf32> to vector<512x256xf32>
    %add3A_142 = arith.addf %mul3A_139, %add3A_141 : vector<512x256xf32>
    %get3A_143 = arith.constant 0 : index
    %get3A_144 = arith.constant 0 : index
    %get3A_145 = vector.load %arg18[%get3A_143, %get3A_144] : memref<256x1xf32, #tpu.memory_space<vmem>>, vector<256x1xf32>
    %dot_general3A_146 = arith.constant dense<0.000000e+00> : vector<512x1xf32>
    %dot_general3A_147 = tpu.matmul %add3A_142, %get3A_145, %dot_general3A_146 {dimension_numbers = #tpu.dot_dimension_numbers<[1], [0], [0], [1], [0, 0, 1, 1], [], []>, transpose_lhs_hint = false} : vector<512x256xf32>, vector<256x1xf32>, vector<512x1xf32> -> vector<512x1xf32>
    %get3A_148 = arith.constant 0 : index
    %get3A_149 = arith.constant 0 : index
    %get3A_150 = vector.load %arg19[%get3A_148, %get3A_149] : memref<1x1xf32, #tpu.memory_space<vmem>>, vector<1x1xf32>
    %add3A_151 = vector.broadcast %get3A_150 : vector<1x1xf32> to vector<512x1xf32>
    %add3A_152 = arith.addf %dot_general3A_147, %add3A_151 : vector<512x1xf32>
    %logistic3A = arith.negf %add3A_152 : vector<512x1xf32>
    %logistic3A_153 = math.exp %logistic3A : vector<512x1xf32>
    %logistic3A_154 = arith.constant 1.000000e+00 : f32
    %logistic3A_155 = vector.broadcast %logistic3A_154 : f32 to vector<512x1xf32>
    %logistic3A_156 = arith.addf %logistic3A_155, %logistic3A_153 : vector<512x1xf32>
    %logistic3A_157 = arith.divf %logistic3A_155, %logistic3A_156 : vector<512x1xf32>
    %swap3A = arith.constant 0 : index
    %swap3A_158 = arith.constant 0 : index
    %swap3A_159 = vector.load %arg20[%swap3A, %swap3A_158] : memref<512x1xf32, #tpu.memory_space<vmem>>, vector<512x1xf32>
    tpu.vector_store %arg20[%swap3A, %swap3A_158], %logistic3A_157 {strides = array<i32>} : memref<512x1xf32, #tpu.memory_space<vmem>>, vector<512x1xf32>,
    return
  }
  func.func @transform_0(%arg0: i32) -> (i32, i32) {
    %c0_i32 = arith.constant 0 : i32
    %c0_i32_0 = arith.constant 0 : i32
    return %arg0, %c0_i32 : i32, i32
  }
  func.func @transform_1(%arg0: i32) -> (i32, i32) {
    %c0_i32 = arith.constant 0 : i32
    %c0_i32_0 = arith.constant 0 : i32
    return %arg0, %c0_i32 : i32, i32
  }
  func.func @transform_2(%arg0: i32) -> (i32, i32) {
    %c0_i32 = arith.constant 0 : i32
    %c0_i32_0 = arith.constant 0 : i32
    return %arg0, %c0_i32 : i32, i32
  }
  func.func @transform_3(%arg0: i32) -> (i32, i32) {
    %c0_i32 = arith.constant 0 : i32
    %c0_i32_0 = arith.constant 0 : i32
    %c0_i32_1 = arith.constant 0 : i32
    return %c0_i32, %c0_i32_0 : i32, i32
  }
  func.func @transform_4(%arg0: i32) -> (i32, i32) {
    %c0_i32 = arith.constant 0 : i32
    %c0_i32_0 = arith.constant 0 : i32
    %c0_i32_1 = arith.constant 0 : i32
    return %c0_i32, %c0_i32_0 : i32, i32
  }
  func.func @transform_5(%arg0: i32) -> (i32, i32) {
    %c0_i32 = arith.constant 0 : i32
    %c0_i32_0 = arith.constant 0 : i32
    %c0_i32_1 = arith.constant 0 : i32
    return %c0_i32, %c0_i32_0 : i32, i32
  }
  func.func @transform_6(%arg0: i32) -> (i32, i32) {
    %c0_i32 = arith.constant 0 : i32
    %c0_i32_0 = arith.constant 0 : i32
    return %arg0, %c0_i32 : i32, i32
  }
  func.func @transform_7(%arg0: i32) -> (i32, i32) {
    %c0_i32 = arith.constant 0 : i32
    %c0_i32_0 = arith.constant 0 : i32
    return %arg0, %c0_i32 : i32, i32
  }
  func.func @transform_8(%arg0: i32) -> (i32, i32) {
    %c0_i32 = arith.constant 0 : i32
    %c0_i32_0 = arith.constant 0 : i32
    %c0_i32_1 = arith.constant 0 : i32
    return %c0_i32, %c0_i32_0 : i32, i32
  }
  func.func @transform_9(%arg0: i32) -> (i32, i32) {
    %c0_i32 = arith.constant 0 : i32
    %c0_i32_0 = arith.constant 0 : i32
    %c0_i32_1 = arith.constant 0 : i32
    return %c0_i32, %c0_i32_0 : i32, i32
  }
  func.func @transform_10(%arg0: i32) -> (i32, i32) {
    %c0_i32 = arith.constant 0 : i32
    %c0_i32_0 = arith.constant 0 : i32
    %c0_i32_1 = arith.constant 0 : i32
    return %c0_i32, %c0_i32_0 : i32, i32
  }
  func.func @transform_11(%arg0: i32) -> (i32, i32) {
    %c0_i32 = arith.constant 0 : i32
    %c0_i32_0 = arith.constant 0 : i32
    %c0_i32_1 = arith.constant 0 : i32
    return %c0_i32, %c0_i32_0 : i32, i32
  }
  func.func @transform_12(%arg0: i32) -> (i32, i32) {
    %c0_i32 = arith.constant 0 : i32
    %c0_i32_0 = arith.constant 0 : i32
    %c0_i32_1 = arith.constant 0 : i32
    return %c0_i32, %c0_i32_0 : i32, i32
  }
  func.func @transform_13(%arg0: i32) -> (i32, i32) {
    %c0_i32 = arith.constant 0 : i32
    %c0_i32_0 = arith.constant 0 : i32
    %c0_i32_1 = arith.constant 0 : i32
    return %c0_i32, %c0_i32_0 : i32, i32
  }
  func.func @transform_14(%arg0: i32) -> (i32, i32) {
    %c0_i32 = arith.constant 0 : i32
    %c0_i32_0 = arith.constant 0 : i32
    %c0_i32_1 = arith.constant 0 : i32
    return %c0_i32, %c0_i32_0 : i32, i32
  }
  func.func @transform_15(%arg0: i32) -> (i32, i32) {
    %c0_i32 = arith.constant 0 : i32
    %c0_i32_0 = arith.constant 0 : i32
    %c0_i32_1 = arith.constant 0 : i32
    return %c0_i32, %c0_i32_0 : i32, i32
  }
  func.func @transform_16(%arg0: i32) -> (i32, i32) {
    %c0_i32 = arith.constant 0 : i32
    %c0_i32_0 = arith.constant 0 : i32
    %c0_i32_1 = arith.constant 0 : i32
    return %c0_i32, %c0_i32_0 : i32, i32
  }
  func.func @transform_17(%arg0: i32) -> (i32, i32) {
    %c0_i32 = arith.constant 0 : i32
    %c0_i32_0 = arith.constant 0 : i32
    %c0_i32_1 = arith.constant 0 : i32
    return %c0_i32, %c0_i32_0 : i32, i32
  }
  func.func @transform_18(%arg0: i32) -> (i32, i32) {
    %c0_i32 = arith.constant 0 : i32
    %c0_i32_0 = arith.constant 0 : i32
    %c0_i32_1 = arith.constant 0 : i32
    return %c0_i32, %c0_i32_0 : i32, i32
  }
  func.func @transform_19(%arg0: i32) -> (i32, i32) {
    %c0_i32 = arith.constant 0 : i32
    %c0_i32_0 = arith.constant 0 : i32
    return %arg0, %c0_i32 : i32, i32
  }
}

</mosaic_0001>

<sc_bundles>
// kernel: kernel.12.cloned.1.call-start
scs
__scs_entry_jumppad:
0x0: {  	(pc) =	sbr.rel $0x88, $3  }
0x1: {  	(tag) =	ssettag $0x0;
	lr =	simm.s32 $0x1  }
0x2: {  	[smem:$0x3F5B] =	sst lr;
	_ =	strace $0xD0000000  }
0x3: {  	_ = 	snop  }
0x4: {  	_ = 	snop  }
0x5: {  	_ = 	snop  }
0x6: {  	_ = 	snop  }
0x7: {  	_ = 	snop  }
__scs_overlays_trampoline_lowered:
0x8: {  	[smem:$0x3F6A] =	sst s0  }
0x9: {  	[smem:$0x3F6B] =	sst s1  }
0xa: {  	[smem:$0x3F6C] =	sst s2  }
0xb: {  	[smem:$0x3F6D] =	sst s3  }
0xc: {  	[smem:$0x3F6E] =	sst s4  }
0xd: {  	[smem:$0x3F6F] =	sst s5  }
0xe: {  	[smem:$0x3F70] =	sst s6  }
0xf: {  	[smem:$0x3F71] =	sst s7  }
0x10: {  	[smem:$0x3F72] =	sst s8  }
0x11: {  	[smem:$0x3F73] =	sst s9;
	s0 =	simm.s32 @!p0 $0x0  }
0x12: {  	s1 =	sld [smem:$0x3F59];
	s0 =	simm.s32 @p0 $0x1  }
0x13: {  	[smem:$0x3F74] =	sst s0;
	s0 =	simm.s32 @!p1 $0x0  }
0x14: {  	s2 =	sld [smem:$0x3F58];
	s0 =	simm.s32 @p1 $0x1  }
0x15: {  	[smem:$0x3F75] =	sst s0;
	s0 =	simm.s32 @!p2 $0x0  }
0x16: {  	s3 =	sld [smem:$0x3FDB];
	s0 =	simm.s32 @p2 $0x1  }
0x17: {  	s4 =	simm.s32 $0x1BF5;
	[smem:$0x3F77] =	sst s0  }
0x18: {  	s0 =	sld [smem:$0x3F5A];
	_ =	swait.ge [sflag:s4], $0x0  }
0x19: {  	s7 =	sld [smem:$0x3F5B]  }
0x1a: {  	s8 =	sadd.s32 $0xFFFFE003, lr  }
0x1b: {  	s9 =	sadd.s32 $0xFFFFFEF7, lr;
	s5 =	simm.s32 $0xFFFFFFFF;
	p2 =	slt.u32 s8, $0xFFFFF086  }
0x1c: {  	p1 =	slt.u32 s9, $0xF7A;
	s5 =	simm.s32 @!p2 $0x0  }
0x1d: {  	s5 =	simm.s32 @p1 $0x1;
	p0 =	seq.s32 s7, s2  }
0x1e: {  	s7 =	smul.u32 @!p0 $0xF7A, s2;
	p2 =	seq.s32 @!p0 s5, $0x0  }
0x1f: {  	s9 =	smul.u32 $0xF7A, s1;
	s8 =	simm.s32 @!p0 $0x1BF5;
	p2 =	por !p2, p0  }
0x20: {  	[sflag:s8] =	ssyncset.s32 @!p0 $0xFFFFF086;
	s6 =	sadd.s32 @!p0 s3, s7;
	s7 =	simm.s32 @!p0 $0x108  }
0x21: {  	s3 =	sadd.s32 s3, s9;
	s6 =	sadd.s32 @!p0 $0x88, s6;
	s7 =	simm.s32 @p2 $0x1082  }
0x22: {  	[simem:s7], [sflag:s8] =	dma.local @!p0 [hbm:s6], $0xF7A  }
0x23: {  	s9 =	sor.u32 $0xD0000000, s2;
	s6 =	simm.s32 $0x108;
	_ =	swait.ge @!p0 [sflag:s8], $0x0  }
0x24: {  	s3 =	sadd.s32 $0x88, s3;
	s6 =	simm.s32 @!p1 $0x1082;
	[sflag:s4] =	ssyncset.s32 $0xFFFFF086  }
0x25: {  	[simem:s6], [sflag:s4] =	dma.local [hbm:s3], $0xF7A  }
0x26: {  	[smem:$0x3F5B] =	sst s1;
	(tag) =	ssettag s2;
	_ =	strace s9  }
0x27: {  	s1 =	sld [smem:$0x3F6B]  }
0x28: {  	s2 =	sld [smem:$0x3F6C]  }
0x29: {  	s4 =	sld [smem:$0x3F6E]  }
0x2a: {  	p0 =	seq.s32 s5, $0x0;
	s5 =	sld [smem:$0x3F6F]  }
0x2b: {  	s6 =	sld [smem:$0x3F70]  }
0x2c: {  	s7 =	sld [smem:$0x3F71]  }
0x2d: {  	s3 =	simm.s32 $0x108;
	s8 =	sld [smem:$0x3F72]  }
0x2e: {  	s3 =	simm.s32 @!p0 $0x1082;
	s9 =	sld [smem:$0x3F73]  }
0x2f: {  	lr =	sadd.s32 s0, s3;
	s0 =	sld [smem:$0x3F6A]  }
0x30: {  	s3 =	sld [smem:$0x3F6D]  }
0x31: {  	[smem:$0x3F76] =	sst s10  }
0x32: {  	s10 =	sld [smem:$0x3F74];
	_ =	sdelay $0x3  }
0x33: {  	p0 =	seq.s32 s10, $0x1;
	s10 =	sld [smem:$0x3F76];
	_ =	sdelay $0x3  }
0x34: {  	[smem:$0x3F76] =	sst s10  }
0x35: {  	s10 =	sld [smem:$0x3F75];
	_ =	sdelay $0x3  }
0x36: {  	p1 =	seq.s32 s10, $0x1;
	s10 =	sld [smem:$0x3F76];
	_ =	sdelay $0x3  }
0x37: {  	[smem:$0x3F76] =	sst s10  }
0x38: {  	s10 =	sld [smem:$0x3F77]  }
0x39: {  	_ = 	snop;
	(pc) =	sbr.ind lr, $3  }
0x3a: {  	_ = 	snop  }
0x3b: {  	_ = 	snop  }
0x3c: {  	p2 =	seq.s32 s10, $0x1;
	s10 =	sld [smem:$0x3F76]  }
0x3d: {  	_ =	shalt  }
0x3e: {  	_ =	shalt  }
0x3f: {  	_ =	shalt  }
0x40: {  	_ =	shalt  }
0x41: {  	_ =	shalt  }
0x42: {  	_ =	shalt  }
0x43: {  	_ =	shalt  }
0x44: {  	_ =	shalt  }
0x45: {  	_ =	shalt  }
0x46: {  	_ =	shalt  }
0x47: {  	_ =	shalt  }
0x48: {  	_ =	shalt  }
0x49: {  	_ =	shalt  }
0x4a: {  	_ =	shalt  }
0x4b: {  	_ =	shalt  }
0x4c: {  	_ =	shalt  }
0x4d: {  	_ =	shalt  }
0x4e: {  	_ =	shalt  }
0x4f: {  	_ =	shalt  }
0x50: {  	_ =	shalt  }
0x51: {  	_ =	shalt  }
0x52: {  	_ =	shalt  }
0x53: {  	_ =	shalt  }
0x54: {  	_ =	shalt  }
0x55: {  	_ =	shalt  }
0x56: {  	_ =	shalt  }
0x57: {  	_ =	shalt  }
0x58: {  	_ =	shalt  }
0x59: {  	_ =	shalt  }
0x5a: {  	_ =	shalt  }
0x5b: {  	_ =	shalt  }
0x5c: {  	_ =	shalt  }
0x5d: {  	_ =	shalt  }
0x5e: {  	_ =	shalt  }
0x5f: {  	_ =	shalt  }
0x60: {  	_ =	shalt  }
0x61: {  	_ =	shalt  }
0x62: {  	_ =	shalt  }
0x63: {  	_ =	shalt  }
0x64: {  	_ =	shalt  }
0x65: {  	_ =	shalt  }
0x66: {  	_ =	shalt  }
0x67: {  	_ =	shalt  }
0x68: {  	_ =	shalt  }
0x69: {  	_ =	shalt  }
0x6a: {  	_ =	shalt  }
0x6b: {  	_ =	shalt  }
0x6c: {  	_ =	shalt  }
0x6d: {  	_ =	shalt  }
0x6e: {  	_ =	shalt  }
0x6f: {  	_ =	shalt  }
0x70: {  	_ =	shalt  }
0x71: {  	_ =	shalt  }
0x72: {  	_ =	shalt  }
0x73: {  	_ =	shalt  }
0x74: {  	_ =	shalt  }
0x75: {  	_ =	shalt  }
0x76: {  	_ =	shalt  }
0x77: {  	_ =	shalt  }
0x78: {  	_ =	shalt  }
0x79: {  	_ =	shalt  }
0x7a: {  	_ =	shalt  }
0x7b: {  	_ =	shalt  }
0x7c: {  	_ =	shalt  }
0x7d: {  	_ =	shalt  }
0x7e: {  	_ =	shalt  }
0x7f: {  	_ =	shalt  }
0x80: {  	_ =	shalt  }
0x81: {  	_ =	shalt  }
0x82: {  	_ =	shalt  }
0x83: {  	_ =	shalt  }
0x84: {  	_ =	shalt  }
0x85: {  	_ =	shalt  }
0x86: {  	_ =	shalt  }
0x87: {  	_ =	shalt  }
.Lfunc_end0:
.L_simem_size_0:
called_computation_lowered:
.L_overlay_start_0:
0x88: {  	s2 =	sld [smem:$0x3FD9]  }
0x89: {  	s3 =	sld [smem:$0x3FFE];
	_ =	sdelay $0x1  }
0x8a: {  	s1 =	srdreg.scid  }
0x8b: {  	s0 =	sand.u32 $0x1, s1  }
0x8c: {  	s16 =	sshll.u32 s0, $0xA;
	s2 =	sadd.s32 s3, s2  }
0x8d: {  	s2 =	sadd.s32 s2, s16  }
0x8e: {  	[smem:$0x3F82] =	sst s2  }
0x8f: {  	_ = 	snop  }
0x90: {  	(tm) =	ssettm $0x1  }
0x91: {  	s17 =	sld [smem:$0x3FFB];
	_ =	sdelay $0x3  }
0x92: {  	_ =	strace s17  }
0x93: {  	s2 =	sld [smem:$0x3FFC];
	_ =	sdelay $0x3  }
0x94: {  	_ =	strace s2  }
0x95: {  	s2 =	sld [smem:$0x3FFD];
	_ =	sdelay $0x3  }
0x96: {  	_ =	strace s2  }
0x97: {  	_ =	strace $0x8FFFFFFF  }
0x98: {  	s18 =	sld [smem:$0x3FDB];
	_ =	sdelay $0x1  }
0x99: {  	s19 =	simm.s32 $_scs_section_size  }
0x9a: {  	s4 =	simm.s32 $_size__tile_overlayer_lowered;
	s5 =	simm.s32 $_tile_overlayer_lowered  }
0x9b: {  	s22 =	simm.s32 $0x1BFF;
	s21 =	sshll.u32 s5, $0x1;
	s2 =	sadd.s32 s19, s18  }
0x9c: {  	s6 =	simm.s32 $0x0;
	s20 =	sshll.u32 s4, $0x1;
	s4 =	sadd.s32 s21, s2  }
0x9d: {  	[timem:s6], [sflag:s22] =	dma.local [hbm:s4], s20  }
0x9e: {  	_ =	swait.ge [sflag:s22], s20  }
0x9f: {  	s3 =	ssub.s32 $0x0, s20;
	[sflag:s22] =	ssyncset.done $0x0  }
0xa0: {  	[sflag:s22] =	ssyncadd.s32 s3;
	_ =	sdelay $0x1  }
0xa1: {  	s23 =	simm.s32 $0x1B8B  }
0xa2: {  	_ =	swait.ge [sflag:s23], $0x1  }
0xa3: {  	[sflag:s23] =	ssyncset.done $0x0  }
0xa4: {  	s25 =	simm.s32 $0x1B8E;
	s24 =	sld [smem:$0x3FFE];
	[sflag:s23] =	ssyncadd.s32 $0xFFFFFFFF  }
0xa5: {  	s26 =	simm.s32 $execute0_lowered;
	[smem:$0x3FD2] =	sst s25  }
0xa6: {  	s4 =	sshll.u32 s26, $0x1;
	_ =	strace $0x80000046;
	[dreg:$0x1] =	wrdreg $0xFFFFFFFF  }
0xa7: {  	s28 =	simm.s32 $_size_execute0_lowered;
	s2 =	sadd.s32 s2, s4;
	[dreg:$0x0] =	wrdreg $0x0  }
0xa8: {  	s4 =	sshll.u32 s28, $0x1;
	[dreg:$0x2] =	wrdreg s2  }
0xa9: {  	[dreg:$0x3] =	wrdreg s4  }
0xaa: {  	[dreg:$0x4] =	wrdreg $0xC0  }
0xab: {  	_ =	task [dreg:s6], $0x5FFFF  }
0xac: {  	[dreg:$0x1] =	wrdreg $0xFFFFFFFF  }
0xad: {  	[dreg:$0x0] =	wrdreg $0x60  }
0xae: {  	[dreg:$0x2] =	wrdreg s24  }
0xaf: {  	[dreg:$0x3] =	wrdreg $0x9  }
0xb0: {  	_ =	task.clear_ibuf [dreg:s6], $0x4FFFF;
	_ =	strace $0x90000046  }
0xb1: {  	s29 =	simm.s32 $0x9;
	_ =	strace $0x80000048  }
0xb2: {  	_ =	swait.ge [sflag:s29], $0x1  }
0xb3: {  	[sflag:s29] =	ssyncadd.s32 $0xFFFFFFFF  }
0xb4: {  	_ =	strace $0x90000048  }
0xb5: {  	_ =	sfence  }
0xb6: {  	s30 =	sld [smem:$0x0];
	_ =	sdelay $0x2  }
0xb7: {  	s31 =	sshll.u32 s1, $0xD;
	s1 =	sshrl.u32 s1, $0x2  }
0xb8: {  	s3 =	sand.u32 $0x4000, s31;
	s1 =	sadd.s32 s1, s30  }
0xb9: {  	s0 =	sor.u32 s3, s0;
	s1 =	sshll.u32 s1, $0x11  }
0xba: {  	s0 =	sor.u32 s1, s0  }
0xbb: {  	s0 =	sadd.s32 $0x8F2B, s0  }
0xbc: {  	[sflag:s0] =	ssyncadd.remote.s32 $0x1  }
0xbd: {  	_ =	sfence.sel $0xFFFF  }
0xbe: {  	[dreg:$0x0] =	wrdreg $0xFFFFFFFF;
	(pc) =	sbr.abs _section_cstart, $3  }
0xbf: {  	[dreg:$0x1] =	wrdreg $0xFFFFFFFF  }
0xc0: {  	_ =	task.clear_ibuf [dreg:s6], $0x2FFFF;
	_ =	strace $0x9FFFFFFF  }
0xc1: {  	(tm) =	ssettm $0x7FFFFFFF  }
tec
execute0_lowered:
.L_overlay_start_1:
0x0: {  	(tag) =	ssettag $0x1  }
0x1: {  	s1 =	srdreg.scid;
	s0 =	stileid.u32  }
0x2: {  	s25 =	sand.u32 $0x1, s1;
	s31 =	sshll.u32 s0, $0x1  }
0x3: {  	s9 =	rddreg [dreg:$0x0];
	s11 =	sor.u32 s25, s31  }
0x4: {  	s2 =	simm.s32 $0x0;
	s1 =	rddreg [dreg:$0x1];
	s3 =	sshll.u32 s11, $0x8  }
0x5: {  	[smem:$0x7FF] =	sst s2;
	s3 =	sadd.s32 s3, s9  }
0x6: {  	_ =	strace $0x80000047;
	s4 =	sadd.s32 $0x6D200, s3;
	s3 =	simm.s32 $0x2  }
0x7: {  	[tilespmem:s2], [sflag:$0x2] =	stream.linear.gather [hbm4b:s4+s2], $0x500, $0x38;
	[tilespmem:$0x4800] =	vst v63  }
0x8: {  	_ =	swait.ge [sflag:s3], $0x500  }
0x9: {  	s6 =	simm.s32 $0x80;
	s7 =	simm.s32 $0x800;
	[sflag:s3] =	ssyncset.done $0x0  }
0xa: {  	s8 =	simm.s32 $0x1;
	s5 =	sadd.s32 $0x2D200, s9;
	[sflag:s3] =	ssyncadd.s32 $0xFFFFFB00  }
0xb: {  	[tilespmem:s7], [sflag:$0x1] =	stream.indirect.gather [hbm4b:s5+s6], $0x80, s2, s6, $0xb8;
	[tilespmem:$0x4800] =	vst v63  }
0xc: {  	s10 =	smul.u32 $0x5000, s11;
	_ =	swait.ge [sflag:s8], $0x4000  }
0xd: {  	s12 =	sadd.s32 $0x6F200, s9;
	[sflag:s8] =	ssyncset.done $0x0  }
0xe: {  	s9 =	sadd.s32 s12, s10;
	[sflag:s8] =	ssyncadd.s32 $0xFFFFC000  }
0xf: {  	[hbm4b:s9+s2] =	stream.linear.scatter [tilespmem:s7], [sflag:$0x2], $0x4000, $0x38;
	[tilespmem:$0x4800] =	vst v63  }
0x10: {  	_ =	swait.ge [sflag:s3], $0x4000  }
0x11: {  	[sflag:s3] =	ssyncset.done $0x0  }
0x12: {  	[sflag:s3] =	ssyncadd.s32 $0xFFFFC000  }
0x13: {  	[tilespmem:s7], [sflag:$0x1] =	stream.indirect.gather [hbm4b:s5+s6], $0x80, s6, s6, $0xb8;
	[tilespmem:$0x4800] =	vst v63  }
0x14: {  	_ =	swait.ge [sflag:s8], $0x4000  }
0x15: {  	[sflag:s8] =	ssyncset.done $0x0  }
0x16: {  	s10 =	sadd.s32 $0x800, s9;
	[sflag:s8] =	ssyncadd.s32 $0xFFFFC000  }
0x17: {  	[hbm4b:s10+s2] =	stream.linear.scatter [tilespmem:s7], [sflag:$0x2], $0x4000, $0x38;
	[tilespmem:$0x4800] =	vst v63  }
0x18: {  	_ =	swait.ge [sflag:s3], $0x4000  }
0x19: {  	[sflag:s3] =	ssyncset.done $0x0  }
0x1a: {  	s13 =	smul.u32 $0x28000, s11;
	s11 =	simm.s32 $0x100;
	[sflag:s3] =	ssyncadd.s32 $0xFFFFC000  }
0x1b: {  	[tilespmem:s7], [sflag:$0x1] =	stream.indirect.gather [hbm4b:s5+s6], $0x80, s11, s6, $0xb8;
	[tilespmem:$0x4800] =	vst v63  }
0x1c: {  	s13 =	sshrl.u32 s13, $0x3;
	_ =	swait.ge [sflag:s8], $0x4000  }
0x1d: {  	s26 =	sadd.s32 s12, s13;
	[sflag:s8] =	ssyncset.done $0x0  }
0x1e: {  	s12 =	sadd.s32 $0x1000, s26;
	[sflag:s8] =	ssyncadd.s32 $0xFFFFC000  }
0x1f: {  	[hbm4b:s12+s2] =	stream.linear.scatter [tilespmem:s7], [sflag:$0x2], $0x4000, $0x38;
	[tilespmem:$0x4800] =	vst v63  }
0x20: {  	_ =	swait.ge [sflag:s3], $0x4000  }
0x21: {  	[sflag:s3] =	ssyncset.done $0x0  }
0x22: {  	s13 =	simm.s32 $0x180;
	[sflag:s3] =	ssyncadd.s32 $0xFFFFC000  }
0x23: {  	[tilespmem:s7], [sflag:$0x1] =	stream.indirect.gather [hbm4b:s5+s6], $0x80, s13, s6, $0xb8;
	[tilespmem:$0x4800] =	vst v63  }
0x24: {  	_ =	swait.ge [sflag:s8], $0x4000  }
0x25: {  	[sflag:s8] =	ssyncset.done $0x0  }
0x26: {  	s14 =	sadd.s32 $0x1800, s26;
	[sflag:s8] =	ssyncadd.s32 $0xFFFFC000  }
0x27: {  	[hbm4b:s14+s2] =	stream.linear.scatter [tilespmem:s7], [sflag:$0x2], $0x4000, $0x38;
	[tilespmem:$0x4800] =	vst v63  }
0x28: {  	_ =	swait.ge [sflag:s3], $0x4000  }
0x29: {  	[sflag:s3] =	ssyncset.done $0x0  }
0x2a: {  	s15 =	simm.s32 $0x200;
	[sflag:s3] =	ssyncadd.s32 $0xFFFFC000  }
0x2b: {  	[tilespmem:s7], [sflag:$0x1] =	stream.indirect.gather [hbm4b:s5+s6], $0x80, s15, s6, $0xb8;
	[tilespmem:$0x4800] =	vst v63  }
0x2c: {  	_ =	swait.ge [sflag:s8], $0x4000  }
0x2d: {  	[sflag:s8] =	ssyncset.done $0x0  }
0x2e: {  	s16 =	sadd.s32 $0x2000, s26;
	[sflag:s8] =	ssyncadd.s32 $0xFFFFC000  }
0x2f: {  	[hbm4b:s16+s2] =	stream.linear.scatter [tilespmem:s7], [sflag:$0x2], $0x4000, $0x38;
	[tilespmem:$0x4800] =	vst v63  }
0x30: {  	_ =	swait.ge [sflag:s3], $0x4000  }
0x31: {  	[sflag:s3] =	ssyncset.done $0x0  }
0x32: {  	s17 =	simm.s32 $0x280;
	[sflag:s3] =	ssyncadd.s32 $0xFFFFC000  }
0x33: {  	[tilespmem:s7], [sflag:$0x1] =	stream.indirect.gather [hbm4b:s5+s6], $0x80, s17, s6, $0xb8;
	[tilespmem:$0x4800] =	vst v63  }
0x34: {  	_ =	swait.ge [sflag:s8], $0x4000  }
0x35: {  	[sflag:s8] =	ssyncset.done $0x0  }
0x36: {  	s18 =	sadd.s32 $0x2800, s26;
	[sflag:s8] =	ssyncadd.s32 $0xFFFFC000  }
0x37: {  	[hbm4b:s18+s2] =	stream.linear.scatter [tilespmem:s7], [sflag:$0x2], $0x4000, $0x38;
	[tilespmem:$0x4800] =	vst v63  }
0x38: {  	_ =	swait.ge [sflag:s3], $0x4000  }
0x39: {  	[sflag:s3] =	ssyncset.done $0x0  }
0x3a: {  	s19 =	simm.s32 $0x300;
	[sflag:s3] =	ssyncadd.s32 $0xFFFFC000  }
0x3b: {  	[tilespmem:s7], [sflag:$0x1] =	stream.indirect.gather [hbm4b:s5+s6], $0x80, s19, s6, $0xb8;
	[tilespmem:$0x4800] =	vst v63  }
0x3c: {  	_ =	swait.ge [sflag:s8], $0x4000  }
0x3d: {  	[sflag:s8] =	ssyncset.done $0x0  }
0x3e: {  	s20 =	sadd.s32 $0x3000, s26;
	[sflag:s8] =	ssyncadd.s32 $0xFFFFC000  }
0x3f: {  	[hbm4b:s20+s2] =	stream.linear.scatter [tilespmem:s7], [sflag:$0x2], $0x4000, $0x38;
	[tilespmem:$0x4800] =	vst v63  }
0x40: {  	_ =	swait.ge [sflag:s3], $0x4000  }
0x41: {  	[sflag:s3] =	ssyncset.done $0x0  }
0x42: {  	s21 =	simm.s32 $0x380;
	[sflag:s3] =	ssyncadd.s32 $0xFFFFC000  }
0x43: {  	[tilespmem:s7], [sflag:$0x1] =	stream.indirect.gather [hbm4b:s5+s6], $0x80, s21, s6, $0xb8;
	[tilespmem:$0x4800] =	vst v63  }
0x44: {  	_ =	swait.ge [sflag:s8], $0x4000  }
0x45: {  	[sflag:s8] =	ssyncset.done $0x0  }
0x46: {  	s22 =	sadd.s32 $0x3800, s26;
	[sflag:s8] =	ssyncadd.s32 $0xFFFFC000  }
0x47: {  	[hbm4b:s22+s2] =	stream.linear.scatter [tilespmem:s7], [sflag:$0x2], $0x4000, $0x38;
	[tilespmem:$0x4800] =	vst v63  }
0x48: {  	_ =	swait.ge [sflag:s3], $0x4000  }
0x49: {  	[sflag:s3] =	ssyncset.done $0x0  }
0x4a: {  	s23 =	simm.s32 $0x400;
	[sflag:s3] =	ssyncadd.s32 $0xFFFFC000  }
0x4b: {  	[tilespmem:s7], [sflag:$0x1] =	stream.indirect.gather [hbm4b:s5+s6], $0x80, s23, s6, $0xb8;
	[tilespmem:$0x4800] =	vst v63  }
0x4c: {  	_ =	swait.ge [sflag:s8], $0x4000  }
0x4d: {  	[sflag:s8] =	ssyncset.done $0x0  }
0x4e: {  	s28 =	ssub.s32 $0x2, s25;
	s24 =	sadd.s32 $0x4000, s26;
	[sflag:s8] =	ssyncadd.s32 $0xFFFFC000  }
0x4f: {  	[hbm4b:s24+s2] =	stream.linear.scatter [tilespmem:s7], [sflag:$0x2], $0x4000, $0x38;
	[tilespmem:$0x4800] =	vst v63  }
0x50: {  	s29 =	sshrl.u32 s28, $0x1;
	_ =	swait.ge [sflag:s3], $0x4000  }
0x51: {  	s28 =	ssub.s32 s28, s29;
	[sflag:s3] =	ssyncset.done $0x0  }
0x52: {  	s25 =	simm.s32 $0x480;
	s28 =	smax.u32 s28, $0x1;
	[sflag:s3] =	ssyncadd.s32 $0xFFFFC000  }
0x53: {  	[tilespmem:s7], [sflag:$0x1] =	stream.indirect.gather [hbm4b:s5+s6], $0x80, s25, s6, $0xb8;
	[tilespmem:$0x4800] =	vst v63  }
0x54: {  	p0 =	sne.s32 s28, $0x1;
	_ =	swait.ge [sflag:s8], $0x4000  }
.Ltmp0:
0x55: {  	[sflag:s8] =	ssyncset.done $0x0;
	(pc) =	sbr.rel @!p0 .LBB2_2-.Ltmp0, $4  }
0x56: {  	s26 =	sadd.s32 $0x4800, s26;
	[sflag:s8] =	ssyncadd.s32 $0xFFFFC000  }
0x57: {  	[hbm4b:s26+s2] =	stream.linear.scatter [tilespmem:s7], [sflag:$0x2], $0x4000, $0x38;
	[tilespmem:$0x4800] =	vst v63  }
0x58: {  	_ =	swait.ge [sflag:s3], $0x4000  }
0x59: {  	s28 =	sadd.s32 $0xFFFFFFFF, s28;
	[sflag:s3] =	ssyncset.done $0x0  }
.LBB2_1:
0x5a: {  	p0 =	sne.s32 s28, $0x1;
	s28 =	sadd.s32 $0xFFFFFFFF, s28;
	[sflag:s3] =	ssyncadd.s32 $0xFFFFC000  }
0x5b: {  	[tilespmem:s2], [sflag:$0x2] =	stream.linear.gather [hbm4b:s4+s2], $0x500, $0x38;
	[tilespmem:$0x4800] =	vst v63  }
0x5c: {  	_ =	swait.ge [sflag:s3], $0x500  }
0x5d: {  	[sflag:s3] =	ssyncset.done $0x0  }
0x5e: {  	[sflag:s3] =	ssyncadd.s32 $0xFFFFFB00  }
0x5f: {  	[tilespmem:s7], [sflag:$0x1] =	stream.indirect.gather [hbm4b:s5+s6], $0x80, s2, s6, $0xb8;
	[tilespmem:$0x4800] =	vst v63  }
0x60: {  	_ =	swait.ge [sflag:s8], $0x4000  }
0x61: {  	[sflag:s8] =	ssyncset.done $0x0  }
0x62: {  	[sflag:s8] =	ssyncadd.s32 $0xFFFFC000  }
0x63: {  	[hbm4b:s9+s2] =	stream.linear.scatter [tilespmem:s7], [sflag:$0x2], $0x4000, $0x38;
	[tilespmem:$0x4800] =	vst v63  }
0x64: {  	_ =	swait.ge [sflag:s3], $0x4000  }
0x65: {  	[sflag:s3] =	ssyncset.done $0x0  }
0x66: {  	[sflag:s3] =	ssyncadd.s32 $0xFFFFC000  }
0x67: {  	[tilespmem:s7], [sflag:$0x1] =	stream.indirect.gather [hbm4b:s5+s6], $0x80, s6, s6, $0xb8;
	[tilespmem:$0x4800] =	vst v63  }
0x68: {  	_ =	swait.ge [sflag:s8], $0x4000  }
0x69: {  	[sflag:s8] =	ssyncset.done $0x0  }
0x6a: {  	[sflag:s8] =	ssyncadd.s32 $0xFFFFC000  }
0x6b: {  	[hbm4b:s10+s2] =	stream.linear.scatter [tilespmem:s7], [sflag:$0x2], $0x4000, $0x38;
	[tilespmem:$0x4800] =	vst v63  }
0x6c: {  	_ =	swait.ge [sflag:s3], $0x4000  }
0x6d: {  	[sflag:s3] =	ssyncset.done $0x0  }
0x6e: {  	[sflag:s3] =	ssyncadd.s32 $0xFFFFC000  }
0x6f: {  	[tilespmem:s7], [sflag:$0x1] =	stream.indirect.gather [hbm4b:s5+s6], $0x80, s11, s6, $0xb8;
	[tilespmem:$0x4800] =	vst v63  }
0x70: {  	_ =	swait.ge [sflag:s8], $0x4000  }
0x71: {  	[sflag:s8] =	ssyncset.done $0x0  }
0x72: {  	[sflag:s8] =	ssyncadd.s32 $0xFFFFC000  }
0x73: {  	[hbm4b:s12+s2] =	stream.linear.scatter [tilespmem:s7], [sflag:$0x2], $0x4000, $0x38;
	[tilespmem:$0x4800] =	vst v63  }
0x74: {  	_ =	swait.ge [sflag:s3], $0x4000  }
0x75: {  	[sflag:s3] =	ssyncset.done $0x0  }
0x76: {  	[sflag:s3] =	ssyncadd.s32 $0xFFFFC000  }
0x77: {  	[tilespmem:s7], [sflag:$0x1] =	stream.indirect.gather [hbm4b:s5+s6], $0x80, s13, s6, $0xb8;
	[tilespmem:$0x4800] =	vst v63  }
0x78: {  	_ =	swait.ge [sflag:s8], $0x4000  }
0x79: {  	[sflag:s8] =	ssyncset.done $0x0  }
0x7a: {  	[sflag:s8] =	ssyncadd.s32 $0xFFFFC000  }
0x7b: {  	[hbm4b:s14+s2] =	stream.linear.scatter [tilespmem:s7], [sflag:$0x2], $0x4000, $0x38;
	[tilespmem:$0x4800] =	vst v63  }
0x7c: {  	_ =	swait.ge [sflag:s3], $0x4000  }
0x7d: {  	[sflag:s3] =	ssyncset.done $0x0  }
0x7e: {  	[sflag:s3] =	ssyncadd.s32 $0xFFFFC000  }
0x7f: {  	[tilespmem:s7], [sflag:$0x1] =	stream.indirect.gather [hbm4b:s5+s6], $0x80, s15, s6, $0xb8;
	[tilespmem:$0x4800] =	vst v63  }
0x80: {  	_ =	swait.ge [sflag:s8], $0x4000  }
0x81: {  	[sflag:s8] =	ssyncset.done $0x0  }
0x82: {  	[sflag:s8] =	ssyncadd.s32 $0xFFFFC000  }
0x83: {  	[hbm4b:s16+s2] =	stream.linear.scatter [tilespmem:s7], [sflag:$0x2], $0x4000, $0x38;
	[tilespmem:$0x4800] =	vst v63  }
0x84: {  	_ =	swait.ge [sflag:s3], $0x4000  }
0x85: {  	[sflag:s3] =	ssyncset.done $0x0  }
0x86: {  	[sflag:s3] =	ssyncadd.s32 $0xFFFFC000  }
0x87: {  	[tilespmem:s7], [sflag:$0x1] =	stream.indirect.gather [hbm4b:s5+s6], $0x80, s17, s6, $0xb8;
	[tilespmem:$0x4800] =	vst v63  }
0x88: {  	_ =	swait.ge [sflag:s8], $0x4000  }
0x89: {  	[sflag:s8] =	ssyncset.done $0x0  }
0x8a: {  	[sflag:s8] =	ssyncadd.s32 $0xFFFFC000  }
0x8b: {  	[hbm4b:s18+s2] =	stream.linear.scatter [tilespmem:s7], [sflag:$0x2], $0x4000, $0x38;
	[tilespmem:$0x4800] =	vst v63  }
0x8c: {  	_ =	swait.ge [sflag:s3], $0x4000  }
0x8d: {  	[sflag:s3] =	ssyncset.done $0x0  }
0x8e: {  	[sflag:s3] =	ssyncadd.s32 $0xFFFFC000  }
0x8f: {  	[tilespmem:s7], [sflag:$0x1] =	stream.indirect.gather [hbm4b:s5+s6], $0x80, s19, s6, $0xb8;
	[tilespmem:$0x4800] =	vst v63  }
0x90: {  	_ =	swait.ge [sflag:s8], $0x4000  }
0x91: {  	[sflag:s8] =	ssyncset.done $0x0  }
0x92: {  	[sflag:s8] =	ssyncadd.s32 $0xFFFFC000  }
0x93: {  	[hbm4b:s20+s2] =	stream.linear.scatter [tilespmem:s7], [sflag:$0x2], $0x4000, $0x38;
	[tilespmem:$0x4800] =	vst v63  }
0x94: {  	_ =	swait.ge [sflag:s3], $0x4000  }
0x95: {  	[sflag:s3] =	ssyncset.done $0x0  }
0x96: {  	[sflag:s3] =	ssyncadd.s32 $0xFFFFC000  }
0x97: {  	[tilespmem:s7], [sflag:$0x1] =	stream.indirect.gather [hbm4b:s5+s6], $0x80, s21, s6, $0xb8;
	[tilespmem:$0x4800] =	vst v63  }
0x98: {  	_ =	swait.ge [sflag:s8], $0x4000  }
0x99: {  	[sflag:s8] =	ssyncset.done $0x0  }
0x9a: {  	[sflag:s8] =	ssyncadd.s32 $0xFFFFC000  }
0x9b: {  	[hbm4b:s22+s2] =	stream.linear.scatter [tilespmem:s7], [sflag:$0x2], $0x4000, $0x38;
	[tilespmem:$0x4800] =	vst v63  }
0x9c: {  	_ =	swait.ge [sflag:s3], $0x4000  }
0x9d: {  	[sflag:s3] =	ssyncset.done $0x0  }
0x9e: {  	[sflag:s3] =	ssyncadd.s32 $0xFFFFC000  }
0x9f: {  	[tilespmem:s7], [sflag:$0x1] =	stream.indirect.gather [hbm4b:s5+s6], $0x80, s23, s6, $0xb8;
	[tilespmem:$0x4800] =	vst v63  }
0xa0: {  	_ =	swait.ge [sflag:s8], $0x4000  }
0xa1: {  	[sflag:s8] =	ssyncset.done $0x0  }
0xa2: {  	[sflag:s8] =	ssyncadd.s32 $0xFFFFC000  }
0xa3: {  	[hbm4b:s24+s2] =	stream.linear.scatter [tilespmem:s7], [sflag:$0x2], $0x4000, $0x38;
	[tilespmem:$0x4800] =	vst v63  }
0xa4: {  	_ =	swait.ge [sflag:s3], $0x4000  }
0xa5: {  	[sflag:s3] =	ssyncset.done $0x0  }
0xa6: {  	[sflag:s3] =	ssyncadd.s32 $0xFFFFC000  }
0xa7: {  	[tilespmem:s7], [sflag:$0x1] =	stream.indirect.gather [hbm4b:s5+s6], $0x80, s25, s6, $0xb8;
	[tilespmem:$0x4800] =	vst v63  }
0xa8: {  	_ =	swait.ge [sflag:s8], $0x4000  }
.Ltmp1:
0xa9: {  	[sflag:s8] =	ssyncset.done $0x0;
	(pc) =	sbr.rel @p0 .LBB2_1-.Ltmp1, $4  }
0xaa: {  	[sflag:s8] =	ssyncadd.s32 $0xFFFFC000  }
0xab: {  	[hbm4b:s26+s2] =	stream.linear.scatter [tilespmem:s7], [sflag:$0x2], $0x4000, $0x38;
	[tilespmem:$0x4800] =	vst v63  }
0xac: {  	_ =	swait.ge [sflag:s3], $0x4000  }
0xad: {  	[sflag:s3] =	ssyncset.done $0x0  }
.LBB2_2:
0xae: {  	[sflag:s3] =	ssyncadd.s32 $0xFFFFC000  }
0xaf: {  	_ =	sfence.sel $0x180000  }
0xb0: {  	[bflag:$0x0] =	sbarrier.arrive $0xFFFF  }
0xb1: {  	p0 =	sne.s32 s0, $0x0;
	_ =	strace $0x90000047  }
0xb2: {  	s0 =	sadd.s32 @!p0 $0x100000, s1;
	[bflag:$0x2] =	sbarrier.arrive $0xFFFF  }
0xb3: {  	[sflag:s0] =	ssyncadd.tile.s32 @!p0 $0x1;
	_ =	shalt  }
.Lfunc_end2:
_tile_overlayer_lowered:
.L_overlay_start_2:
0xb4: {  	(tag) =	ssettag $0x2  }
0xb5: {  	s0 =	rddreg [dreg:$0x0];
	s2 =	stileid.u32  }
0xb6: {  	s1 =	rddreg [dreg:$0x1];
	p0 =	sne.s32 s2, $0x0  }
0xb7: {  	s3 =	rddreg [dreg:$0x2];
	[bflag:$0x3] =	sbarrier.arrive $0xFFFF;
	s2 =	simm.s32 @!p0 $0x1C02  }
0xb8: {  	[timem:s3], [sflag:s2] =	dma.local @!p0 [hbm:s0], s1  }
0xb9: {  	s0 =	simm.s32 @!p0 $0x2  }
0xba: {  	_ =	swait.ge @!p0 [sflag:s0], s1  }
0xbb: {  	s1 =	ssub.s32 @!p0 $0x0, s1;
	[sflag:s0] =	ssyncset.done @!p0 $0x0  }
0xbc: {  	[sflag:s0] =	ssyncadd.s32 @!p0 s1  }
0xbd: {  	[bflag:$0x3] =	sbarrier.arrive $0xFFFF  }
0xbe: {  	_ =	shalt  }

// kernel: kernel.15.cloned.1.call-start
scs
__scs_entry_jumppad:
0x0: {  	(pc) =	sbr.rel $0x88, $3  }
0x1: {  	(tag) =	ssettag $0x0;
	lr =	simm.s32 $0x1  }
0x2: {  	[smem:$0x3F5B] =	sst lr;
	_ =	strace $0xD0000000  }
0x3: {  	_ = 	snop  }
0x4: {  	_ = 	snop  }
0x5: {  	_ = 	snop  }
0x6: {  	_ = 	snop  }
0x7: {  	_ = 	snop  }
__scs_overlays_trampoline_lowered:
0x8: {  	[smem:$0x3F6A] =	sst s0  }
0x9: {  	[smem:$0x3F6B] =	sst s1  }
0xa: {  	[smem:$0x3F6C] =	sst s2  }
0xb: {  	[smem:$0x3F6D] =	sst s3  }
0xc: {  	[smem:$0x3F6E] =	sst s4  }
0xd: {  	[smem:$0x3F6F] =	sst s5  }
0xe: {  	[smem:$0x3F70] =	sst s6  }
0xf: {  	[smem:$0x3F71] =	sst s7  }
0x10: {  	[smem:$0x3F72] =	sst s8  }
0x11: {  	[smem:$0x3F73] =	sst s9;
	s0 =	simm.s32 @!p0 $0x0  }
0x12: {  	s1 =	sld [smem:$0x3F59];
	s0 =	simm.s32 @p0 $0x1  }
0x13: {  	[smem:$0x3F74] =	sst s0;
	s0 =	simm.s32 @!p1 $0x0  }
0x14: {  	s2 =	sld [smem:$0x3F58];
	s0 =	simm.s32 @p1 $0x1  }
0x15: {  	[smem:$0x3F75] =	sst s0;
	s0 =	simm.s32 @!p2 $0x0  }
0x16: {  	s3 =	sld [smem:$0x3FDB];
	s0 =	simm.s32 @p2 $0x1  }
0x17: {  	s4 =	simm.s32 $0x1BF5;
	[smem:$0x3F77] =	sst s0  }
0x18: {  	s0 =	sld [smem:$0x3F5A];
	_ =	swait.ge [sflag:s4], $0x0  }
0x19: {  	s7 =	sld [smem:$0x3F5B]  }
0x1a: {  	s8 =	sadd.s32 $0xFFFFE003, lr  }
0x1b: {  	s9 =	sadd.s32 $0xFFFFFEF7, lr;
	s5 =	simm.s32 $0xFFFFFFFF;
	p2 =	slt.u32 s8, $0xFFFFF086  }
0x1c: {  	p1 =	slt.u32 s9, $0xF7A;
	s5 =	simm.s32 @!p2 $0x0  }
0x1d: {  	s5 =	simm.s32 @p1 $0x1;
	p0 =	seq.s32 s7, s2  }
0x1e: {  	s7 =	smul.u32 @!p0 $0xF7A, s2;
	p2 =	seq.s32 @!p0 s5, $0x0  }
0x1f: {  	s9 =	smul.u32 $0xF7A, s1;
	s8 =	simm.s32 @!p0 $0x1BF5;
	p2 =	por !p2, p0  }
0x20: {  	[sflag:s8] =	ssyncset.s32 @!p0 $0xFFFFF086;
	s6 =	sadd.s32 @!p0 s3, s7;
	s7 =	simm.s32 @!p0 $0x108  }
0x21: {  	s3 =	sadd.s32 s3, s9;
	s6 =	sadd.s32 @!p0 $0x88, s6;
	s7 =	simm.s32 @p2 $0x1082  }
0x22: {  	[simem:s7], [sflag:s8] =	dma.local @!p0 [hbm:s6], $0xF7A  }
0x23: {  	s9 =	sor.u32 $0xD0000000, s2;
	s6 =	simm.s32 $0x108;
	_ =	swait.ge @!p0 [sflag:s8], $0x0  }
0x24: {  	s3 =	sadd.s32 $0x88, s3;
	s6 =	simm.s32 @!p1 $0x1082;
	[sflag:s4] =	ssyncset.s32 $0xFFFFF086  }
0x25: {  	[simem:s6], [sflag:s4] =	dma.local [hbm:s3], $0xF7A  }
0x26: {  	[smem:$0x3F5B] =	sst s1;
	(tag) =	ssettag s2;
	_ =	strace s9  }
0x27: {  	s1 =	sld [smem:$0x3F6B]  }
0x28: {  	s2 =	sld [smem:$0x3F6C]  }
0x29: {  	s4 =	sld [smem:$0x3F6E]  }
0x2a: {  	p0 =	seq.s32 s5, $0x0;
	s5 =	sld [smem:$0x3F6F]  }
0x2b: {  	s6 =	sld [smem:$0x3F70]  }
0x2c: {  	s7 =	sld [smem:$0x3F71]  }
0x2d: {  	s3 =	simm.s32 $0x108;
	s8 =	sld [smem:$0x3F72]  }
0x2e: {  	s3 =	simm.s32 @!p0 $0x1082;
	s9 =	sld [smem:$0x3F73]  }
0x2f: {  	lr =	sadd.s32 s0, s3;
	s0 =	sld [smem:$0x3F6A]  }
0x30: {  	s3 =	sld [smem:$0x3F6D]  }
0x31: {  	[smem:$0x3F76] =	sst s10  }
0x32: {  	s10 =	sld [smem:$0x3F74];
	_ =	sdelay $0x3  }
0x33: {  	p0 =	seq.s32 s10, $0x1;
	s10 =	sld [smem:$0x3F76];
	_ =	sdelay $0x3  }
0x34: {  	[smem:$0x3F76] =	sst s10  }
0x35: {  	s10 =	sld [smem:$0x3F75];
	_ =	sdelay $0x3  }
0x36: {  	p1 =	seq.s32 s10, $0x1;
	s10 =	sld [smem:$0x3F76];
	_ =	sdelay $0x3  }
0x37: {  	[smem:$0x3F76] =	sst s10  }
0x38: {  	s10 =	sld [smem:$0x3F77]  }
0x39: {  	_ = 	snop;
	(pc) =	sbr.ind lr, $3  }
0x3a: {  	_ = 	snop  }
0x3b: {  	_ = 	snop  }
0x3c: {  	p2 =	seq.s32 s10, $0x1;
	s10 =	sld [smem:$0x3F76]  }
0x3d: {  	_ =	shalt  }
0x3e: {  	_ =	shalt  }
0x3f: {  	_ =	shalt  }
0x40: {  	_ =	shalt  }
0x41: {  	_ =	shalt  }
0x42: {  	_ =	shalt  }
0x43: {  	_ =	shalt  }
0x44: {  	_ =	shalt  }
0x45: {  	_ =	shalt  }
0x46: {  	_ =	shalt  }
0x47: {  	_ =	shalt  }
0x48: {  	_ =	shalt  }
0x49: {  	_ =	shalt  }
0x4a: {  	_ =	shalt  }
0x4b: {  	_ =	shalt  }
0x4c: {  	_ =	shalt  }
0x4d: {  	_ =	shalt  }
0x4e: {  	_ =	shalt  }
0x4f: {  	_ =	shalt  }
0x50: {  	_ =	shalt  }
0x51: {  	_ =	shalt  }
0x52: {  	_ =	shalt  }
0x53: {  	_ =	shalt  }
0x54: {  	_ =	shalt  }
0x55: {  	_ =	shalt  }
0x56: {  	_ =	shalt  }
0x57: {  	_ =	shalt  }
0x58: {  	_ =	shalt  }
0x59: {  	_ =	shalt  }
0x5a: {  	_ =	shalt  }
0x5b: {  	_ =	shalt  }
0x5c: {  	_ =	shalt  }
0x5d: {  	_ =	shalt  }
0x5e: {  	_ =	shalt  }
0x5f: {  	_ =	shalt  }
0x60: {  	_ =	shalt  }
0x61: {  	_ =	shalt  }
0x62: {  	_ =	shalt  }
0x63: {  	_ =	shalt  }
0x64: {  	_ =	shalt  }
0x65: {  	_ =	shalt  }
0x66: {  	_ =	shalt  }
0x67: {  	_ =	shalt  }
0x68: {  	_ =	shalt  }
0x69: {  	_ =	shalt  }
0x6a: {  	_ =	shalt  }
0x6b: {  	_ =	shalt  }
0x6c: {  	_ =	shalt  }
0x6d: {  	_ =	shalt  }
0x6e: {  	_ =	shalt  }
0x6f: {  	_ =	shalt  }
0x70: {  	_ =	shalt  }
0x71: {  	_ =	shalt  }
0x72: {  	_ =	shalt  }
0x73: {  	_ =	shalt  }
0x74: {  	_ =	shalt  }
0x75: {  	_ =	shalt  }
0x76: {  	_ =	shalt  }
0x77: {  	_ =	shalt  }
0x78: {  	_ =	shalt  }
0x79: {  	_ =	shalt  }
0x7a: {  	_ =	shalt  }
0x7b: {  	_ =	shalt  }
0x7c: {  	_ =	shalt  }
0x7d: {  	_ =	shalt  }
0x7e: {  	_ =	shalt  }
0x7f: {  	_ =	shalt  }
0x80: {  	_ =	shalt  }
0x81: {  	_ =	shalt  }
0x82: {  	_ =	shalt  }
0x83: {  	_ =	shalt  }
0x84: {  	_ =	shalt  }
0x85: {  	_ =	shalt  }
0x86: {  	_ =	shalt  }
0x87: {  	_ =	shalt  }
.Lfunc_end0:
.L_simem_size_0:
called_computation.1_lowered:
.L_overlay_start_0:
0x88: {  	s2 =	sld [smem:$0x3FD9]  }
0x89: {  	s3 =	sld [smem:$0x3FFE];
	_ =	sdelay $0x1  }
0x8a: {  	s1 =	srdreg.scid  }
0x8b: {  	s0 =	sand.u32 $0x1, s1  }
0x8c: {  	s16 =	sshll.u32 s0, $0xA;
	s2 =	sadd.s32 s3, s2  }
0x8d: {  	s2 =	sadd.s32 s2, s16  }
0x8e: {  	[smem:$0x3F82] =	sst s2  }
0x8f: {  	_ = 	snop  }
0x90: {  	(tm) =	ssettm $0x1  }
0x91: {  	s17 =	sld [smem:$0x3FFB];
	_ =	sdelay $0x3  }
0x92: {  	_ =	strace s17  }
0x93: {  	s2 =	sld [smem:$0x3FFC];
	_ =	sdelay $0x3  }
0x94: {  	_ =	strace s2  }
0x95: {  	s2 =	sld [smem:$0x3FFD];
	_ =	sdelay $0x3  }
0x96: {  	_ =	strace s2  }
0x97: {  	_ =	strace $0x8FFFFFFF  }
0x98: {  	s18 =	sld [smem:$0x3FDB];
	_ =	sdelay $0x1  }
0x99: {  	s19 =	simm.s32 $_scs_section_size  }
0x9a: {  	s4 =	simm.s32 $_size__tile_overlayer_lowered;
	s5 =	simm.s32 $_tile_overlayer_lowered  }
0x9b: {  	s22 =	simm.s32 $0x1BFF;
	s21 =	sshll.u32 s5, $0x1;
	s2 =	sadd.s32 s19, s18  }
0x9c: {  	s6 =	simm.s32 $0x0;
	s20 =	sshll.u32 s4, $0x1;
	s4 =	sadd.s32 s21, s2  }
0x9d: {  	[timem:s6], [sflag:s22] =	dma.local [hbm:s4], s20  }
0x9e: {  	_ =	swait.ge [sflag:s22], s20  }
0x9f: {  	s3 =	ssub.s32 $0x0, s20;
	[sflag:s22] =	ssyncset.done $0x0  }
0xa0: {  	[sflag:s22] =	ssyncadd.s32 s3;
	_ =	sdelay $0x1  }
0xa1: {  	s23 =	simm.s32 $0x1B8B  }
0xa2: {  	_ =	swait.ge [sflag:s23], $0x1  }
0xa3: {  	[sflag:s23] =	ssyncset.done $0x0  }
0xa4: {  	s25 =	simm.s32 $0x1B8E;
	s24 =	sld [smem:$0x3FFE];
	[sflag:s23] =	ssyncadd.s32 $0xFFFFFFFF  }
0xa5: {  	s26 =	simm.s32 $execute0_lowered;
	[smem:$0x3FD2] =	sst s25  }
0xa6: {  	s4 =	sshll.u32 s26, $0x1;
	_ =	strace $0x80000049;
	[dreg:$0x1] =	wrdreg $0xFFFFFFFF  }
0xa7: {  	s28 =	simm.s32 $_size_execute0_lowered;
	s2 =	sadd.s32 s2, s4;
	[dreg:$0x0] =	wrdreg $0x0  }
0xa8: {  	s4 =	sshll.u32 s28, $0x1;
	[dreg:$0x2] =	wrdreg s2  }
0xa9: {  	[dreg:$0x3] =	wrdreg s4  }
0xaa: {  	[dreg:$0x4] =	wrdreg $0xC0  }
0xab: {  	_ =	task [dreg:s6], $0x5FFFF  }
0xac: {  	[dreg:$0x1] =	wrdreg $0xFFFFFFFF  }
0xad: {  	[dreg:$0x0] =	wrdreg $0x60  }
0xae: {  	[dreg:$0x2] =	wrdreg s24  }
0xaf: {  	[dreg:$0x3] =	wrdreg $0x9  }
0xb0: {  	_ =	task.clear_ibuf [dreg:s6], $0x4FFFF;
	_ =	strace $0x90000049  }
0xb1: {  	s29 =	simm.s32 $0x9;
	_ =	strace $0x8000004B  }
0xb2: {  	_ =	swait.ge [sflag:s29], $0x1  }
0xb3: {  	[sflag:s29] =	ssyncadd.s32 $0xFFFFFFFF  }
0xb4: {  	_ =	strace $0x9000004B  }
0xb5: {  	_ =	sfence  }
0xb6: {  	s30 =	sld [smem:$0x0];
	_ =	sdelay $0x2  }
0xb7: {  	s31 =	sshll.u32 s1, $0xD;
	s1 =	sshrl.u32 s1, $0x2  }
0xb8: {  	s3 =	sand.u32 $0x4000, s31;
	s1 =	sadd.s32 s1, s30  }
0xb9: {  	s0 =	sor.u32 s3, s0;
	s1 =	sshll.u32 s1, $0x11  }
0xba: {  	s0 =	sor.u32 s1, s0  }
0xbb: {  	s0 =	sadd.s32 $0x8F2B, s0  }
0xbc: {  	[sflag:s0] =	ssyncadd.remote.s32 $0x1  }
0xbd: {  	_ =	sfence.sel $0xFFFF  }
0xbe: {  	[dreg:$0x0] =	wrdreg $0xFFFFFFFF;
	(pc) =	sbr.abs _section_cstart, $3  }
0xbf: {  	[dreg:$0x1] =	wrdreg $0xFFFFFFFF  }
0xc0: {  	_ =	task.clear_ibuf [dreg:s6], $0x2FFFF;
	_ =	strace $0x9FFFFFFF  }
0xc1: {  	(tm) =	ssettm $0x7FFFFFFF  }
tec
execute0_lowered:
.L_overlay_start_1:
0x0: {  	(tag) =	ssettag $0x1  }
0x1: {  	s1 =	srdreg.scid;
	s0 =	stileid.u32  }
0x2: {  	s25 =	sand.u32 $0x1, s1;
	s31 =	sshll.u32 s0, $0x1  }
0x3: {  	s9 =	rddreg [dreg:$0x0];
	s11 =	sor.u32 s25, s31  }
0x4: {  	s2 =	simm.s32 $0x0;
	s1 =	rddreg [dreg:$0x1];
	s3 =	sshll.u32 s11, $0x8  }
0x5: {  	[smem:$0x7FF] =	sst s2;
	s3 =	sadd.s32 s3, s9  }
0x6: {  	_ =	strace $0x8000004A;
	s4 =	sadd.s32 $0x6D200, s3;
	s3 =	simm.s32 $0x2  }
0x7: {  	[tilespmem:s2], [sflag:$0x2] =	stream.linear.gather [hbm4b:s4+s2], $0x500, $0x38;
	[tilespmem:$0x4800] =	vst v63  }
0x8: {  	_ =	swait.ge [sflag:s3], $0x500  }
0x9: {  	s6 =	simm.s32 $0x80;
	s7 =	simm.s32 $0x800;
	[sflag:s3] =	ssyncset.done $0x0  }
0xa: {  	s8 =	simm.s32 $0x1;
	s5 =	sadd.s32 $0x2D200, s9;
	[sflag:s3] =	ssyncadd.s32 $0xFFFFFB00  }
0xb: {  	[tilespmem:s7], [sflag:$0x1] =	stream.indirect.gather [hbm4b:s5+s6], $0x80, s2, s6, $0xb8;
	[tilespmem:$0x4800] =	vst v63  }
0xc: {  	s10 =	smul.u32 $0x5000, s11;
	_ =	swait.ge [sflag:s8], $0x4000  }
0xd: {  	s12 =	sadd.s32 $0x6F200, s9;
	[sflag:s8] =	ssyncset.done $0x0  }
0xe: {  	s9 =	sadd.s32 s12, s10;
	[sflag:s8] =	ssyncadd.s32 $0xFFFFC000  }
0xf: {  	[hbm4b:s9+s2] =	stream.linear.scatter [tilespmem:s7], [sflag:$0x2], $0x4000, $0x38;
	[tilespmem:$0x4800] =	vst v63  }
0x10: {  	_ =	swait.ge [sflag:s3], $0x4000  }
0x11: {  	[sflag:s3] =	ssyncset.done $0x0  }
0x12: {  	[sflag:s3] =	ssyncadd.s32 $0xFFFFC000  }
0x13: {  	[tilespmem:s7], [sflag:$0x1] =	stream.indirect.gather [hbm4b:s5+s6], $0x80, s6, s6, $0xb8;
	[tilespmem:$0x4800] =	vst v63  }
0x14: {  	_ =	swait.ge [sflag:s8], $0x4000  }
0x15: {  	[sflag:s8] =	ssyncset.done $0x0  }
0x16: {  	s10 =	sadd.s32 $0x800, s9;
	[sflag:s8] =	ssyncadd.s32 $0xFFFFC000  }
0x17: {  	[hbm4b:s10+s2] =	stream.linear.scatter [tilespmem:s7], [sflag:$0x2], $0x4000, $0x38;
	[tilespmem:$0x4800] =	vst v63  }
0x18: {  	_ =	swait.ge [sflag:s3], $0x4000  }
0x19: {  	[sflag:s3] =	ssyncset.done $0x0  }
0x1a: {  	s13 =	smul.u32 $0x28000, s11;
	s11 =	simm.s32 $0x100;
	[sflag:s3] =	ssyncadd.s32 $0xFFFFC000  }
0x1b: {  	[tilespmem:s7], [sflag:$0x1] =	stream.indirect.gather [hbm4b:s5+s6], $0x80, s11, s6, $0xb8;
	[tilespmem:$0x4800] =	vst v63  }
0x1c: {  	s13 =	sshrl.u32 s13, $0x3;
	_ =	swait.ge [sflag:s8], $0x4000  }
0x1d: {  	s26 =	sadd.s32 s12, s13;
	[sflag:s8] =	ssyncset.done $0x0  }
0x1e: {  	s12 =	sadd.s32 $0x1000, s26;
	[sflag:s8] =	ssyncadd.s32 $0xFFFFC000  }
0x1f: {  	[hbm4b:s12+s2] =	stream.linear.scatter [tilespmem:s7], [sflag:$0x2], $0x4000, $0x38;
	[tilespmem:$0x4800] =	vst v63  }
0x20: {  	_ =	swait.ge [sflag:s3], $0x4000  }
0x21: {  	[sflag:s3] =	ssyncset.done $0x0  }
0x22: {  	s13 =	simm.s32 $0x180;
	[sflag:s3] =	ssyncadd.s32 $0xFFFFC000  }
0x23: {  	[tilespmem:s7], [sflag:$0x1] =	stream.indirect.gather [hbm4b:s5+s6], $0x80, s13, s6, $0xb8;
	[tilespmem:$0x4800] =	vst v63  }
0x24: {  	_ =	swait.ge [sflag:s8], $0x4000  }
0x25: {  	[sflag:s8] =	ssyncset.done $0x0  }
0x26: {  	s14 =	sadd.s32 $0x1800, s26;
	[sflag:s8] =	ssyncadd.s32 $0xFFFFC000  }
0x27: {  	[hbm4b:s14+s2] =	stream.linear.scatter [tilespmem:s7], [sflag:$0x2], $0x4000, $0x38;
	[tilespmem:$0x4800] =	vst v63  }
0x28: {  	_ =	swait.ge [sflag:s3], $0x4000  }
0x29: {  	[sflag:s3] =	ssyncset.done $0x0  }
0x2a: {  	s15 =	simm.s32 $0x200;
	[sflag:s3] =	ssyncadd.s32 $0xFFFFC000  }
0x2b: {  	[tilespmem:s7], [sflag:$0x1] =	stream.indirect.gather [hbm4b:s5+s6], $0x80, s15, s6, $0xb8;
	[tilespmem:$0x4800] =	vst v63  }
0x2c: {  	_ =	swait.ge [sflag:s8], $0x4000  }
0x2d: {  	[sflag:s8] =	ssyncset.done $0x0  }
0x2e: {  	s16 =	sadd.s32 $0x2000, s26;
	[sflag:s8] =	ssyncadd.s32 $0xFFFFC000  }
0x2f: {  	[hbm4b:s16+s2] =	stream.linear.scatter [tilespmem:s7], [sflag:$0x2], $0x4000, $0x38;
	[tilespmem:$0x4800] =	vst v63  }
0x30: {  	_ =	swait.ge [sflag:s3], $0x4000  }
0x31: {  	[sflag:s3] =	ssyncset.done $0x0  }
0x32: {  	s17 =	simm.s32 $0x280;
	[sflag:s3] =	ssyncadd.s32 $0xFFFFC000  }
0x33: {  	[tilespmem:s7], [sflag:$0x1] =	stream.indirect.gather [hbm4b:s5+s6], $0x80, s17, s6, $0xb8;
	[tilespmem:$0x4800] =	vst v63  }
0x34: {  	_ =	swait.ge [sflag:s8], $0x4000  }
0x35: {  	[sflag:s8] =	ssyncset.done $0x0  }
0x36: {  	s18 =	sadd.s32 $0x2800, s26;
	[sflag:s8] =	ssyncadd.s32 $0xFFFFC000  }
0x37: {  	[hbm4b:s18+s2] =	stream.linear.scatter [tilespmem:s7], [sflag:$0x2], $0x4000, $0x38;
	[tilespmem:$0x4800] =	vst v63  }
0x38: {  	_ =	swait.ge [sflag:s3], $0x4000  }
0x39: {  	[sflag:s3] =	ssyncset.done $0x0  }
0x3a: {  	s19 =	simm.s32 $0x300;
	[sflag:s3] =	ssyncadd.s32 $0xFFFFC000  }
0x3b: {  	[tilespmem:s7], [sflag:$0x1] =	stream.indirect.gather [hbm4b:s5+s6], $0x80, s19, s6, $0xb8;
	[tilespmem:$0x4800] =	vst v63  }
0x3c: {  	_ =	swait.ge [sflag:s8], $0x4000  }
0x3d: {  	[sflag:s8] =	ssyncset.done $0x0  }
0x3e: {  	s20 =	sadd.s32 $0x3000, s26;
	[sflag:s8] =	ssyncadd.s32 $0xFFFFC000  }
0x3f: {  	[hbm4b:s20+s2] =	stream.linear.scatter [tilespmem:s7], [sflag:$0x2], $0x4000, $0x38;
	[tilespmem:$0x4800] =	vst v63  }
0x40: {  	_ =	swait.ge [sflag:s3], $0x4000  }
0x41: {  	[sflag:s3] =	ssyncset.done $0x0  }
0x42: {  	s21 =	simm.s32 $0x380;
	[sflag:s3] =	ssyncadd.s32 $0xFFFFC000  }
0x43: {  	[tilespmem:s7], [sflag:$0x1] =	stream.indirect.gather [hbm4b:s5+s6], $0x80, s21, s6, $0xb8;
	[tilespmem:$0x4800] =	vst v63  }
0x44: {  	_ =	swait.ge [sflag:s8], $0x4000  }
0x45: {  	[sflag:s8] =	ssyncset.done $0x0  }
0x46: {  	s22 =	sadd.s32 $0x3800, s26;
	[sflag:s8] =	ssyncadd.s32 $0xFFFFC000  }
0x47: {  	[hbm4b:s22+s2] =	stream.linear.scatter [tilespmem:s7], [sflag:$0x2], $0x4000, $0x38;
	[tilespmem:$0x4800] =	vst v63  }
0x48: {  	_ =	swait.ge [sflag:s3], $0x4000  }
0x49: {  	[sflag:s3] =	ssyncset.done $0x0  }
0x4a: {  	s23 =	simm.s32 $0x400;
	[sflag:s3] =	ssyncadd.s32 $0xFFFFC000  }
0x4b: {  	[tilespmem:s7], [sflag:$0x1] =	stream.indirect.gather [hbm4b:s5+s6], $0x80, s23, s6, $0xb8;
	[tilespmem:$0x4800] =	vst v63  }
0x4c: {  	_ =	swait.ge [sflag:s8], $0x4000  }
0x4d: {  	[sflag:s8] =	ssyncset.done $0x0  }
0x4e: {  	s28 =	ssub.s32 $0x2, s25;
	s24 =	sadd.s32 $0x4000, s26;
	[sflag:s8] =	ssyncadd.s32 $0xFFFFC000  }
0x4f: {  	[hbm4b:s24+s2] =	stream.linear.scatter [tilespmem:s7], [sflag:$0x2], $0x4000, $0x38;
	[tilespmem:$0x4800] =	vst v63  }
0x50: {  	s29 =	sshrl.u32 s28, $0x1;
	_ =	swait.ge [sflag:s3], $0x4000  }
0x51: {  	s28 =	ssub.s32 s28, s29;
	[sflag:s3] =	ssyncset.done $0x0  }
0x52: {  	s25 =	simm.s32 $0x480;
	s28 =	smax.u32 s28, $0x1;
	[sflag:s3] =	ssyncadd.s32 $0xFFFFC000  }
0x53: {  	[tilespmem:s7], [sflag:$0x1] =	stream.indirect.gather [hbm4b:s5+s6], $0x80, s25, s6, $0xb8;
	[tilespmem:$0x4800] =	vst v63  }
0x54: {  	p0 =	sne.s32 s28, $0x1;
	_ =	swait.ge [sflag:s8], $0x4000  }
.Ltmp0:
0x55: {  	[sflag:s8] =	ssyncset.done $0x0;
	(pc) =	sbr.rel @!p0 .LBB2_2-.Ltmp0, $4  }
0x56: {  	s26 =	sadd.s32 $0x4800, s26;
	[sflag:s8] =	ssyncadd.s32 $0xFFFFC000  }
0x57: {  	[hbm4b:s26+s2] =	stream.linear.scatter [tilespmem:s7], [sflag:$0x2], $0x4000, $0x38;
	[tilespmem:$0x4800] =	vst v63  }
0x58: {  	_ =	swait.ge [sflag:s3], $0x4000  }
0x59: {  	s28 =	sadd.s32 $0xFFFFFFFF, s28;
	[sflag:s3] =	ssyncset.done $0x0  }
.LBB2_1:
0x5a: {  	p0 =	sne.s32 s28, $0x1;
	s28 =	sadd.s32 $0xFFFFFFFF, s28;
	[sflag:s3] =	ssyncadd.s32 $0xFFFFC000  }
0x5b: {  	[tilespmem:s2], [sflag:$0x2] =	stream.linear.gather [hbm4b:s4+s2], $0x500, $0x38;
	[tilespmem:$0x4800] =	vst v63  }
0x5c: {  	_ =	swait.ge [sflag:s3], $0x500  }
0x5d: {  	[sflag:s3] =	ssyncset.done $0x0  }
0x5e: {  	[sflag:s3] =	ssyncadd.s32 $0xFFFFFB00  }
0x5f: {  	[tilespmem:s7], [sflag:$0x1] =	stream.indirect.gather [hbm4b:s5+s6], $0x80, s2, s6, $0xb8;
	[tilespmem:$0x4800] =	vst v63  }
0x60: {  	_ =	swait.ge [sflag:s8], $0x4000  }
0x61: {  	[sflag:s8] =	ssyncset.done $0x0  }
0x62: {  	[sflag:s8] =	ssyncadd.s32 $0xFFFFC000  }
0x63: {  	[hbm4b:s9+s2] =	stream.linear.scatter [tilespmem:s7], [sflag:$0x2], $0x4000, $0x38;
	[tilespmem:$0x4800] =	vst v63  }
0x64: {  	_ =	swait.ge [sflag:s3], $0x4000  }
0x65: {  	[sflag:s3] =	ssyncset.done $0x0  }
0x66: {  	[sflag:s3] =	ssyncadd.s32 $0xFFFFC000  }
0x67: {  	[tilespmem:s7], [sflag:$0x1] =	stream.indirect.gather [hbm4b:s5+s6], $0x80, s6, s6, $0xb8;
	[tilespmem:$0x4800] =	vst v63  }
0x68: {  	_ =	swait.ge [sflag:s8], $0x4000  }
0x69: {  	[sflag:s8] =	ssyncset.done $0x0  }
0x6a: {  	[sflag:s8] =	ssyncadd.s32 $0xFFFFC000  }
0x6b: {  	[hbm4b:s10+s2] =	stream.linear.scatter [tilespmem:s7], [sflag:$0x2], $0x4000, $0x38;
	[tilespmem:$0x4800] =	vst v63  }
0x6c: {  	_ =	swait.ge [sflag:s3], $0x4000  }
0x6d: {  	[sflag:s3] =	ssyncset.done $0x0  }
0x6e: {  	[sflag:s3] =	ssyncadd.s32 $0xFFFFC000  }
0x6f: {  	[tilespmem:s7], [sflag:$0x1] =	stream.indirect.gather [hbm4b:s5+s6], $0x80, s11, s6, $0xb8;
	[tilespmem:$0x4800] =	vst v63  }
0x70: {  	_ =	swait.ge [sflag:s8], $0x4000  }
0x71: {  	[sflag:s8] =	ssyncset.done $0x0  }
0x72: {  	[sflag:s8] =	ssyncadd.s32 $0xFFFFC000  }
0x73: {  	[hbm4b:s12+s2] =	stream.linear.scatter [tilespmem:s7], [sflag:$0x2], $0x4000, $0x38;
	[tilespmem:$0x4800] =	vst v63  }
0x74: {  	_ =	swait.ge [sflag:s3], $0x4000  }
0x75: {  	[sflag:s3] =	ssyncset.done $0x0  }
0x76: {  	[sflag:s3] =	ssyncadd.s32 $0xFFFFC000  }
0x77: {  	[tilespmem:s7], [sflag:$0x1] =	stream.indirect.gather [hbm4b:s5+s6], $0x80, s13, s6, $0xb8;
	[tilespmem:$0x4800] =	vst v63  }
0x78: {  	_ =	swait.ge [sflag:s8], $0x4000  }
0x79: {  	[sflag:s8] =	ssyncset.done $0x0  }
0x7a: {  	[sflag:s8] =	ssyncadd.s32 $0xFFFFC000  }
0x7b: {  	[hbm4b:s14+s2] =	stream.linear.scatter [tilespmem:s7], [sflag:$0x2], $0x4000, $0x38;
	[tilespmem:$0x4800] =	vst v63  }
0x7c: {  	_ =	swait.ge [sflag:s3], $0x4000  }
0x7d: {  	[sflag:s3] =	ssyncset.done $0x0  }
0x7e: {  	[sflag:s3] =	ssyncadd.s32 $0xFFFFC000  }
0x7f: {  	[tilespmem:s7], [sflag:$0x1] =	stream.indirect.gather [hbm4b:s5+s6], $0x80, s15, s6, $0xb8;
	[tilespmem:$0x4800] =	vst v63  }
0x80: {  	_ =	swait.ge [sflag:s8], $0x4000  }
0x81: {  	[sflag:s8] =	ssyncset.done $0x0  }
0x82: {  	[sflag:s8] =	ssyncadd.s32 $0xFFFFC000  }
0x83: {  	[hbm4b:s16+s2] =	stream.linear.scatter [tilespmem:s7], [sflag:$0x2], $0x4000, $0x38;
	[tilespmem:$0x4800] =	vst v63  }
0x84: {  	_ =	swait.ge [sflag:s3], $0x4000  }
0x85: {  	[sflag:s3] =	ssyncset.done $0x0  }
0x86: {  	[sflag:s3] =	ssyncadd.s32 $0xFFFFC000  }
0x87: {  	[tilespmem:s7], [sflag:$0x1] =	stream.indirect.gather [hbm4b:s5+s6], $0x80, s17, s6, $0xb8;
	[tilespmem:$0x4800] =	vst v63  }
0x88: {  	_ =	swait.ge [sflag:s8], $0x4000  }
0x89: {  	[sflag:s8] =	ssyncset.done $0x0  }
0x8a: {  	[sflag:s8] =	ssyncadd.s32 $0xFFFFC000  }
0x8b: {  	[hbm4b:s18+s2] =	stream.linear.scatter [tilespmem:s7], [sflag:$0x2], $0x4000, $0x38;
	[tilespmem:$0x4800] =	vst v63  }
0x8c: {  	_ =	swait.ge [sflag:s3], $0x4000  }
0x8d: {  	[sflag:s3] =	ssyncset.done $0x0  }
0x8e: {  	[sflag:s3] =	ssyncadd.s32 $0xFFFFC000  }
0x8f: {  	[tilespmem:s7], [sflag:$0x1] =	stream.indirect.gather [hbm4b:s5+s6], $0x80, s19, s6, $0xb8;
	[tilespmem:$0x4800] =	vst v63  }
0x90: {  	_ =	swait.ge [sflag:s8], $0x4000  }
0x91: {  	[sflag:s8] =	ssyncset.done $0x0  }
0x92: {  	[sflag:s8] =	ssyncadd.s32 $0xFFFFC000  }
0x93: {  	[hbm4b:s20+s2] =	stream.linear.scatter [tilespmem:s7], [sflag:$0x2], $0x4000, $0x38;
	[tilespmem:$0x4800] =	vst v63  }
0x94: {  	_ =	swait.ge [sflag:s3], $0x4000  }
0x95: {  	[sflag:s3] =	ssyncset.done $0x0  }
0x96: {  	[sflag:s3] =	ssyncadd.s32 $0xFFFFC000  }
0x97: {  	[tilespmem:s7], [sflag:$0x1] =	stream.indirect.gather [hbm4b:s5+s6], $0x80, s21, s6, $0xb8;
	[tilespmem:$0x4800] =	vst v63  }
0x98: {  	_ =	swait.ge [sflag:s8], $0x4000  }
0x99: {  	[sflag:s8] =	ssyncset.done $0x0  }
0x9a: {  	[sflag:s8] =	ssyncadd.s32 $0xFFFFC000  }
0x9b: {  	[hbm4b:s22+s2] =	stream.linear.scatter [tilespmem:s7], [sflag:$0x2], $0x4000, $0x38;
	[tilespmem:$0x4800] =	vst v63  }
0x9c: {  	_ =	swait.ge [sflag:s3], $0x4000  }
0x9d: {  	[sflag:s3] =	ssyncset.done $0x0  }
0x9e: {  	[sflag:s3] =	ssyncadd.s32 $0xFFFFC000  }
0x9f: {  	[tilespmem:s7], [sflag:$0x1] =	stream.indirect.gather [hbm4b:s5+s6], $0x80, s23, s6, $0xb8;
	[tilespmem:$0x4800] =	vst v63  }
0xa0: {  	_ =	swait.ge [sflag:s8], $0x4000  }
0xa1: {  	[sflag:s8] =	ssyncset.done $0x0  }
0xa2: {  	[sflag:s8] =	ssyncadd.s32 $0xFFFFC000  }
0xa3: {  	[hbm4b:s24+s2] =	stream.linear.scatter [tilespmem:s7], [sflag:$0x2], $0x4000, $0x38;
	[tilespmem:$0x4800] =	vst v63  }
0xa4: {  	_ =	swait.ge [sflag:s3], $0x4000  }
0xa5: {  	[sflag:s3] =	ssyncset.done $0x0  }
0xa6: {  	[sflag:s3] =	ssyncadd.s32 $0xFFFFC000  }
0xa7: {  	[tilespmem:s7], [sflag:$0x1] =	stream.indirect.gather [hbm4b:s5+s6], $0x80, s25, s6, $0xb8;
	[tilespmem:$0x4800] =	vst v63  }
0xa8: {  	_ =	swait.ge [sflag:s8], $0x4000  }
.Ltmp1:
0xa9: {  	[sflag:s8] =	ssyncset.done $0x0;
	(pc) =	sbr.rel @p0 .LBB2_1-.Ltmp1, $4  }
0xaa: {  	[sflag:s8] =	ssyncadd.s32 $0xFFFFC000  }
0xab: {  	[hbm4b:s26+s2] =	stream.linear.scatter [tilespmem:s7], [sflag:$0x2], $0x4000, $0x38;
	[tilespmem:$0x4800] =	vst v63  }
0xac: {  	_ =	swait.ge [sflag:s3], $0x4000  }
0xad: {  	[sflag:s3] =	ssyncset.done $0x0  }
.LBB2_2:
0xae: {  	[sflag:s3] =	ssyncadd.s32 $0xFFFFC000  }
0xaf: {  	_ =	sfence.sel $0x180000  }
0xb0: {  	[bflag:$0x0] =	sbarrier.arrive $0xFFFF  }
0xb1: {  	p0 =	sne.s32 s0, $0x0;
	_ =	strace $0x9000004A  }
0xb2: {  	s0 =	sadd.s32 @!p0 $0x100000, s1;
	[bflag:$0x2] =	sbarrier.arrive $0xFFFF  }
0xb3: {  	[sflag:s0] =	ssyncadd.tile.s32 @!p0 $0x1;
	_ =	shalt  }
.Lfunc_end2:
_tile_overlayer_lowered:
.L_overlay_start_2:
0xb4: {  	(tag) =	ssettag $0x2  }
0xb5: {  	s0 =	rddreg [dreg:$0x0];
	s2 =	stileid.u32  }
0xb6: {  	s1 =	rddreg [dreg:$0x1];
	p0 =	sne.s32 s2, $0x0  }
0xb7: {  	s3 =	rddreg [dreg:$0x2];
	[bflag:$0x3] =	sbarrier.arrive $0xFFFF;
	s2 =	simm.s32 @!p0 $0x1C02  }
0xb8: {  	[timem:s3], [sflag:s2] =	dma.local @!p0 [hbm:s0], s1  }
0xb9: {  	s0 =	simm.s32 @!p0 $0x2  }
0xba: {  	_ =	swait.ge @!p0 [sflag:s0], s1  }
0xbb: {  	s1 =	ssub.s32 @!p0 $0x0, s1;
	[sflag:s0] =	ssyncset.done @!p0 $0x0  }
0xbc: {  	[sflag:s0] =	ssyncadd.s32 @!p0 s1  }
0xbd: {  	[bflag:$0x3] =	sbarrier.arrive $0xFFFF  }
0xbe: {  	_ =	shalt  }

// kernel: kernel.18.cloned.1.call-start
scs
__scs_entry_jumppad:
0x0: {  	(pc) =	sbr.rel $0x88, $3  }
0x1: {  	(tag) =	ssettag $0x0;
	lr =	simm.s32 $0x1  }
0x2: {  	[smem:$0x3F5B] =	sst lr;
	_ =	strace $0xD0000000  }
0x3: {  	_ = 	snop  }
0x4: {  	_ = 	snop  }
0x5: {  	_ = 	snop  }
0x6: {  	_ = 	snop  }
0x7: {  	_ = 	snop  }
__scs_overlays_trampoline_lowered:
0x8: {  	[smem:$0x3F6A] =	sst s0  }
0x9: {  	[smem:$0x3F6B] =	sst s1  }
0xa: {  	[smem:$0x3F6C] =	sst s2  }
0xb: {  	[smem:$0x3F6D] =	sst s3  }
0xc: {  	[smem:$0x3F6E] =	sst s4  }
0xd: {  	[smem:$0x3F6F] =	sst s5  }
0xe: {  	[smem:$0x3F70] =	sst s6  }
0xf: {  	[smem:$0x3F71] =	sst s7  }
0x10: {  	[smem:$0x3F72] =	sst s8  }
0x11: {  	[smem:$0x3F73] =	sst s9;
	s0 =	simm.s32 @!p0 $0x0  }
0x12: {  	s1 =	sld [smem:$0x3F59];
	s0 =	simm.s32 @p0 $0x1  }
0x13: {  	[smem:$0x3F74] =	sst s0;
	s0 =	simm.s32 @!p1 $0x0  }
0x14: {  	s2 =	sld [smem:$0x3F58];
	s0 =	simm.s32 @p1 $0x1  }
0x15: {  	[smem:$0x3F75] =	sst s0;
	s0 =	simm.s32 @!p2 $0x0  }
0x16: {  	s3 =	sld [smem:$0x3FDB];
	s0 =	simm.s32 @p2 $0x1  }
0x17: {  	s4 =	simm.s32 $0x1BF5;
	[smem:$0x3F77] =	sst s0  }
0x18: {  	s0 =	sld [smem:$0x3F5A];
	_ =	swait.ge [sflag:s4], $0x0  }
0x19: {  	s7 =	sld [smem:$0x3F5B]  }
0x1a: {  	s8 =	sadd.s32 $0xFFFFE003, lr  }
0x1b: {  	s9 =	sadd.s32 $0xFFFFFEF7, lr;
	s5 =	simm.s32 $0xFFFFFFFF;
	p2 =	slt.u32 s8, $0xFFFFF086  }
0x1c: {  	p1 =	slt.u32 s9, $0xF7A;
	s5 =	simm.s32 @!p2 $0x0  }
0x1d: {  	s5 =	simm.s32 @p1 $0x1;
	p0 =	seq.s32 s7, s2  }
0x1e: {  	s7 =	smul.u32 @!p0 $0xF7A, s2;
	p2 =	seq.s32 @!p0 s5, $0x0  }
0x1f: {  	s9 =	smul.u32 $0xF7A, s1;
	s8 =	simm.s32 @!p0 $0x1BF5;
	p2 =	por !p2, p0  }
0x20: {  	[sflag:s8] =	ssyncset.s32 @!p0 $0xFFFFF086;
	s6 =	sadd.s32 @!p0 s3, s7;
	s7 =	simm.s32 @!p0 $0x108  }
0x21: {  	s3 =	sadd.s32 s3, s9;
	s6 =	sadd.s32 @!p0 $0x88, s6;
	s7 =	simm.s32 @p2 $0x1082  }
0x22: {  	[simem:s7], [sflag:s8] =	dma.local @!p0 [hbm:s6], $0xF7A  }
0x23: {  	s9 =	sor.u32 $0xD0000000, s2;
	s6 =	simm.s32 $0x108;
	_ =	swait.ge @!p0 [sflag:s8], $0x0  }
0x24: {  	s3 =	sadd.s32 $0x88, s3;
	s6 =	simm.s32 @!p1 $0x1082;
	[sflag:s4] =	ssyncset.s32 $0xFFFFF086  }
0x25: {  	[simem:s6], [sflag:s4] =	dma.local [hbm:s3], $0xF7A  }
0x26: {  	[smem:$0x3F5B] =	sst s1;
	(tag) =	ssettag s2;
	_ =	strace s9  }
0x27: {  	s1 =	sld [smem:$0x3F6B]  }
0x28: {  	s2 =	sld [smem:$0x3F6C]  }
0x29: {  	s4 =	sld [smem:$0x3F6E]  }
0x2a: {  	p0 =	seq.s32 s5, $0x0;
	s5 =	sld [smem:$0x3F6F]  }
0x2b: {  	s6 =	sld [smem:$0x3F70]  }
0x2c: {  	s7 =	sld [smem:$0x3F71]  }
0x2d: {  	s3 =	simm.s32 $0x108;
	s8 =	sld [smem:$0x3F72]  }
0x2e: {  	s3 =	simm.s32 @!p0 $0x1082;
	s9 =	sld [smem:$0x3F73]  }
0x2f: {  	lr =	sadd.s32 s0, s3;
	s0 =	sld [smem:$0x3F6A]  }
0x30: {  	s3 =	sld [smem:$0x3F6D]  }
0x31: {  	[smem:$0x3F76] =	sst s10  }
0x32: {  	s10 =	sld [smem:$0x3F74];
	_ =	sdelay $0x3  }
0x33: {  	p0 =	seq.s32 s10, $0x1;
	s10 =	sld [smem:$0x3F76];
	_ =	sdelay $0x3  }
0x34: {  	[smem:$0x3F76] =	sst s10  }
0x35: {  	s10 =	sld [smem:$0x3F75];
	_ =	sdelay $0x3  }
0x36: {  	p1 =	seq.s32 s10, $0x1;
	s10 =	sld [smem:$0x3F76];
	_ =	sdelay $0x3  }
0x37: {  	[smem:$0x3F76] =	sst s10  }
0x38: {  	s10 =	sld [smem:$0x3F77]  }
0x39: {  	_ = 	snop;
	(pc) =	sbr.ind lr, $3  }
0x3a: {  	_ = 	snop  }
0x3b: {  	_ = 	snop  }
0x3c: {  	p2 =	seq.s32 s10, $0x1;
	s10 =	sld [smem:$0x3F76]  }
0x3d: {  	_ =	shalt  }
0x3e: {  	_ =	shalt  }
0x3f: {  	_ =	shalt  }
0x40: {  	_ =	shalt  }
0x41: {  	_ =	shalt  }
0x42: {  	_ =	shalt  }
0x43: {  	_ =	shalt  }
0x44: {  	_ =	shalt  }
0x45: {  	_ =	shalt  }
0x46: {  	_ =	shalt  }
0x47: {  	_ =	shalt  }
0x48: {  	_ =	shalt  }
0x49: {  	_ =	shalt  }
0x4a: {  	_ =	shalt  }
0x4b: {  	_ =	shalt  }
0x4c: {  	_ =	shalt  }
0x4d: {  	_ =	shalt  }
0x4e: {  	_ =	shalt  }
0x4f: {  	_ =	shalt  }
0x50: {  	_ =	shalt  }
0x51: {  	_ =	shalt  }
0x52: {  	_ =	shalt  }
0x53: {  	_ =	shalt  }
0x54: {  	_ =	shalt  }
0x55: {  	_ =	shalt  }
0x56: {  	_ =	shalt  }
0x57: {  	_ =	shalt  }
0x58: {  	_ =	shalt  }
0x59: {  	_ =	shalt  }
0x5a: {  	_ =	shalt  }
0x5b: {  	_ =	shalt  }
0x5c: {  	_ =	shalt  }
0x5d: {  	_ =	shalt  }
0x5e: {  	_ =	shalt  }
0x5f: {  	_ =	shalt  }
0x60: {  	_ =	shalt  }
0x61: {  	_ =	shalt  }
0x62: {  	_ =	shalt  }
0x63: {  	_ =	shalt  }
0x64: {  	_ =	shalt  }
0x65: {  	_ =	shalt  }
0x66: {  	_ =	shalt  }
0x67: {  	_ =	shalt  }
0x68: {  	_ =	shalt  }
0x69: {  	_ =	shalt  }
0x6a: {  	_ =	shalt  }
0x6b: {  	_ =	shalt  }
0x6c: {  	_ =	shalt  }
0x6d: {  	_ =	shalt  }
0x6e: {  	_ =	shalt  }
0x6f: {  	_ =	shalt  }
0x70: {  	_ =	shalt  }
0x71: {  	_ =	shalt  }
0x72: {  	_ =	shalt  }
0x73: {  	_ =	shalt  }
0x74: {  	_ =	shalt  }
0x75: {  	_ =	shalt  }
0x76: {  	_ =	shalt  }
0x77: {  	_ =	shalt  }
0x78: {  	_ =	shalt  }
0x79: {  	_ =	shalt  }
0x7a: {  	_ =	shalt  }
0x7b: {  	_ =	shalt  }
0x7c: {  	_ =	shalt  }
0x7d: {  	_ =	shalt  }
0x7e: {  	_ =	shalt  }
0x7f: {  	_ =	shalt  }
0x80: {  	_ =	shalt  }
0x81: {  	_ =	shalt  }
0x82: {  	_ =	shalt  }
0x83: {  	_ =	shalt  }
0x84: {  	_ =	shalt  }
0x85: {  	_ =	shalt  }
0x86: {  	_ =	shalt  }
0x87: {  	_ =	shalt  }
.Lfunc_end0:
.L_simem_size_0:
called_computation.2_lowered:
.L_overlay_start_0:
0x88: {  	s2 =	sld [smem:$0x3FD9]  }
0x89: {  	s3 =	sld [smem:$0x3FFE];
	_ =	sdelay $0x1  }
0x8a: {  	s1 =	srdreg.scid  }
0x8b: {  	s0 =	sand.u32 $0x1, s1  }
0x8c: {  	s16 =	sshll.u32 s0, $0xA;
	s2 =	sadd.s32 s3, s2  }
0x8d: {  	s2 =	sadd.s32 s2, s16  }
0x8e: {  	[smem:$0x3F82] =	sst s2  }
0x8f: {  	_ = 	snop  }
0x90: {  	(tm) =	ssettm $0x1  }
0x91: {  	s17 =	sld [smem:$0x3FFB];
	_ =	sdelay $0x3  }
0x92: {  	_ =	strace s17  }
0x93: {  	s2 =	sld [smem:$0x3FFC];
	_ =	sdelay $0x3  }
0x94: {  	_ =	strace s2  }
0x95: {  	s2 =	sld [smem:$0x3FFD];
	_ =	sdelay $0x3  }
0x96: {  	_ =	strace s2  }
0x97: {  	_ =	strace $0x8FFFFFFF  }
0x98: {  	s18 =	sld [smem:$0x3FDB];
	_ =	sdelay $0x1  }
0x99: {  	s19 =	simm.s32 $_scs_section_size  }
0x9a: {  	s4 =	simm.s32 $_size__tile_overlayer_lowered;
	s5 =	simm.s32 $_tile_overlayer_lowered  }
0x9b: {  	s22 =	simm.s32 $0x1BFF;
	s21 =	sshll.u32 s5, $0x1;
	s2 =	sadd.s32 s19, s18  }
0x9c: {  	s6 =	simm.s32 $0x0;
	s20 =	sshll.u32 s4, $0x1;
	s4 =	sadd.s32 s21, s2  }
0x9d: {  	[timem:s6], [sflag:s22] =	dma.local [hbm:s4], s20  }
0x9e: {  	_ =	swait.ge [sflag:s22], s20  }
0x9f: {  	s3 =	ssub.s32 $0x0, s20;
	[sflag:s22] =	ssyncset.done $0x0  }
0xa0: {  	[sflag:s22] =	ssyncadd.s32 s3;
	_ =	sdelay $0x1  }
0xa1: {  	s23 =	simm.s32 $0x1B8B  }
0xa2: {  	_ =	swait.ge [sflag:s23], $0x1  }
0xa3: {  	[sflag:s23] =	ssyncset.done $0x0  }
0xa4: {  	s25 =	simm.s32 $0x1B8E;
	s24 =	sld [smem:$0x3FFE];
	[sflag:s23] =	ssyncadd.s32 $0xFFFFFFFF  }
0xa5: {  	s26 =	simm.s32 $execute0_lowered;
	[smem:$0x3FD2] =	sst s25  }
0xa6: {  	s4 =	sshll.u32 s26, $0x1;
	_ =	strace $0x8000004C;
	[dreg:$0x1] =	wrdreg $0xFFFFFFFF  }
0xa7: {  	s28 =	simm.s32 $_size_execute0_lowered;
	s2 =	sadd.s32 s2, s4;
	[dreg:$0x0] =	wrdreg $0x0  }
0xa8: {  	s4 =	sshll.u32 s28, $0x1;
	[dreg:$0x2] =	wrdreg s2  }
0xa9: {  	[dreg:$0x3] =	wrdreg s4  }
0xaa: {  	[dreg:$0x4] =	wrdreg $0xC0  }
0xab: {  	_ =	task [dreg:s6], $0x5FFFF  }
0xac: {  	[dreg:$0x1] =	wrdreg $0xFFFFFFFF  }
0xad: {  	[dreg:$0x0] =	wrdreg $0x60  }
0xae: {  	[dreg:$0x2] =	wrdreg s24  }
0xaf: {  	[dreg:$0x3] =	wrdreg $0x9  }
0xb0: {  	_ =	task.clear_ibuf [dreg:s6], $0x4FFFF;
	_ =	strace $0x9000004C  }
0xb1: {  	s29 =	simm.s32 $0x9;
	_ =	strace $0x8000004E  }
0xb2: {  	_ =	swait.ge [sflag:s29], $0x1  }
0xb3: {  	[sflag:s29] =	ssyncadd.s32 $0xFFFFFFFF  }
0xb4: {  	_ =	strace $0x9000004E  }
0xb5: {  	_ =	sfence  }
0xb6: {  	s30 =	sld [smem:$0x0];
	_ =	sdelay $0x2  }
0xb7: {  	s31 =	sshll.u32 s1, $0xD;
	s1 =	sshrl.u32 s1, $0x2  }
0xb8: {  	s3 =	sand.u32 $0x4000, s31;
	s1 =	sadd.s32 s1, s30  }
0xb9: {  	s0 =	sor.u32 s3, s0;
	s1 =	sshll.u32 s1, $0x11  }
0xba: {  	s0 =	sor.u32 s1, s0  }
0xbb: {  	s0 =	sadd.s32 $0x8F2B, s0  }
0xbc: {  	[sflag:s0] =	ssyncadd.remote.s32 $0x1  }
0xbd: {  	_ =	sfence.sel $0xFFFF  }
0xbe: {  	[dreg:$0x0] =	wrdreg $0xFFFFFFFF;
	(pc) =	sbr.abs _section_cstart, $3  }
0xbf: {  	[dreg:$0x1] =	wrdreg $0xFFFFFFFF  }
0xc0: {  	_ =	task.clear_ibuf [dreg:s6], $0x2FFFF;
	_ =	strace $0x9FFFFFFF  }
0xc1: {  	(tm) =	ssettm $0x7FFFFFFF  }
tec
execute0_lowered:
.L_overlay_start_1:
0x0: {  	(tag) =	ssettag $0x1  }
0x1: {  	s1 =	srdreg.scid;
	s0 =	stileid.u32  }
0x2: {  	s25 =	sand.u32 $0x1, s1;
	s31 =	sshll.u32 s0, $0x1  }
0x3: {  	s9 =	rddreg [dreg:$0x0];
	s11 =	sor.u32 s25, s31  }
0x4: {  	s2 =	simm.s32 $0x0;
	s1 =	rddreg [dreg:$0x1];
	s3 =	sshll.u32 s11, $0x8  }
0x5: {  	[smem:$0x7FF] =	sst s2;
	s3 =	sadd.s32 s3, s9  }
0x6: {  	_ =	strace $0x8000004D;
	s4 =	sadd.s32 $0x8D200, s3;
	s3 =	simm.s32 $0x2  }
0x7: {  	[tilespmem:s2], [sflag:$0x2] =	stream.linear.gather [hbm4b:s4+s2], $0x500, $0x38;
	[tilespmem:$0x4800] =	vst v63  }
0x8: {  	_ =	swait.ge [sflag:s3], $0x500  }
0x9: {  	s6 =	simm.s32 $0x80;
	s7 =	simm.s32 $0x800;
	[sflag:s3] =	ssyncset.done $0x0  }
0xa: {  	s8 =	simm.s32 $0x1;
	s5 =	sadd.s32 $0x4D200, s9;
	[sflag:s3] =	ssyncadd.s32 $0xFFFFFB00  }
0xb: {  	[tilespmem:s7], [sflag:$0x1] =	stream.indirect.gather [hbm4b:s5+s6], $0x80, s2, s6, $0xb8;
	[tilespmem:$0x4800] =	vst v63  }
0xc: {  	s10 =	smul.u32 $0x5000, s11;
	_ =	swait.ge [sflag:s8], $0x4000  }
0xd: {  	s12 =	sadd.s32 $0x8F200, s9;
	[sflag:s8] =	ssyncset.done $0x0  }
0xe: {  	s9 =	sadd.s32 s12, s10;
	[sflag:s8] =	ssyncadd.s32 $0xFFFFC000  }
0xf: {  	[hbm4b:s9+s2] =	stream.linear.scatter [tilespmem:s7], [sflag:$0x2], $0x4000, $0x38;
	[tilespmem:$0x4800] =	vst v63  }
0x10: {  	_ =	swait.ge [sflag:s3], $0x4000  }
0x11: {  	[sflag:s3] =	ssyncset.done $0x0  }
0x12: {  	[sflag:s3] =	ssyncadd.s32 $0xFFFFC000  }
0x13: {  	[tilespmem:s7], [sflag:$0x1] =	stream.indirect.gather [hbm4b:s5+s6], $0x80, s6, s6, $0xb8;
	[tilespmem:$0x4800] =	vst v63  }
0x14: {  	_ =	swait.ge [sflag:s8], $0x4000  }
0x15: {  	[sflag:s8] =	ssyncset.done $0x0  }
0x16: {  	s10 =	sadd.s32 $0x800, s9;
	[sflag:s8] =	ssyncadd.s32 $0xFFFFC000  }
0x17: {  	[hbm4b:s10+s2] =	stream.linear.scatter [tilespmem:s7], [sflag:$0x2], $0x4000, $0x38;
	[tilespmem:$0x4800] =	vst v63  }
0x18: {  	_ =	swait.ge [sflag:s3], $0x4000  }
0x19: {  	[sflag:s3] =	ssyncset.done $0x0  }
0x1a: {  	s13 =	smul.u32 $0x28000, s11;
	s11 =	simm.s32 $0x100;
	[sflag:s3] =	ssyncadd.s32 $0xFFFFC000  }
0x1b: {  	[tilespmem:s7], [sflag:$0x1] =	stream.indirect.gather [hbm4b:s5+s6], $0x80, s11, s6, $0xb8;
	[tilespmem:$0x4800] =	vst v63  }
0x1c: {  	s13 =	sshrl.u32 s13, $0x3;
	_ =	swait.ge [sflag:s8], $0x4000  }
0x1d: {  	s26 =	sadd.s32 s12, s13;
	[sflag:s8] =	ssyncset.done $0x0  }
0x1e: {  	s12 =	sadd.s32 $0x1000, s26;
	[sflag:s8] =	ssyncadd.s32 $0xFFFFC000  }
0x1f: {  	[hbm4b:s12+s2] =	stream.linear.scatter [tilespmem:s7], [sflag:$0x2], $0x4000, $0x38;
	[tilespmem:$0x4800] =	vst v63  }
0x20: {  	_ =	swait.ge [sflag:s3], $0x4000  }
0x21: {  	[sflag:s3] =	ssyncset.done $0x0  }
0x22: {  	s13 =	simm.s32 $0x180;
	[sflag:s3] =	ssyncadd.s32 $0xFFFFC000  }
0x23: {  	[tilespmem:s7], [sflag:$0x1] =	stream.indirect.gather [hbm4b:s5+s6], $0x80, s13, s6, $0xb8;
	[tilespmem:$0x4800] =	vst v63  }
0x24: {  	_ =	swait.ge [sflag:s8], $0x4000  }
0x25: {  	[sflag:s8] =	ssyncset.done $0x0  }
0x26: {  	s14 =	sadd.s32 $0x1800, s26;
	[sflag:s8] =	ssyncadd.s32 $0xFFFFC000  }
0x27: {  	[hbm4b:s14+s2] =	stream.linear.scatter [tilespmem:s7], [sflag:$0x2], $0x4000, $0x38;
	[tilespmem:$0x4800] =	vst v63  }
0x28: {  	_ =	swait.ge [sflag:s3], $0x4000  }
0x29: {  	[sflag:s3] =	ssyncset.done $0x0  }
0x2a: {  	s15 =	simm.s32 $0x200;
	[sflag:s3] =	ssyncadd.s32 $0xFFFFC000  }
0x2b: {  	[tilespmem:s7], [sflag:$0x1] =	stream.indirect.gather [hbm4b:s5+s6], $0x80, s15, s6, $0xb8;
	[tilespmem:$0x4800] =	vst v63  }
0x2c: {  	_ =	swait.ge [sflag:s8], $0x4000  }
0x2d: {  	[sflag:s8] =	ssyncset.done $0x0  }
0x2e: {  	s16 =	sadd.s32 $0x2000, s26;
	[sflag:s8] =	ssyncadd.s32 $0xFFFFC000  }
0x2f: {  	[hbm4b:s16+s2] =	stream.linear.scatter [tilespmem:s7], [sflag:$0x2], $0x4000, $0x38;
	[tilespmem:$0x4800] =	vst v63  }
0x30: {  	_ =	swait.ge [sflag:s3], $0x4000  }
0x31: {  	[sflag:s3] =	ssyncset.done $0x0  }
0x32: {  	s17 =	simm.s32 $0x280;
	[sflag:s3] =	ssyncadd.s32 $0xFFFFC000  }
0x33: {  	[tilespmem:s7], [sflag:$0x1] =	stream.indirect.gather [hbm4b:s5+s6], $0x80, s17, s6, $0xb8;
	[tilespmem:$0x4800] =	vst v63  }
0x34: {  	_ =	swait.ge [sflag:s8], $0x4000  }
0x35: {  	[sflag:s8] =	ssyncset.done $0x0  }
0x36: {  	s18 =	sadd.s32 $0x2800, s26;
	[sflag:s8] =	ssyncadd.s32 $0xFFFFC000  }
0x37: {  	[hbm4b:s18+s2] =	stream.linear.scatter [tilespmem:s7], [sflag:$0x2], $0x4000, $0x38;
	[tilespmem:$0x4800] =	vst v63  }
0x38: {  	_ =	swait.ge [sflag:s3], $0x4000  }
0x39: {  	[sflag:s3] =	ssyncset.done $0x0  }
0x3a: {  	s19 =	simm.s32 $0x300;
	[sflag:s3] =	ssyncadd.s32 $0xFFFFC000  }
0x3b: {  	[tilespmem:s7], [sflag:$0x1] =	stream.indirect.gather [hbm4b:s5+s6], $0x80, s19, s6, $0xb8;
	[tilespmem:$0x4800] =	vst v63  }
0x3c: {  	_ =	swait.ge [sflag:s8], $0x4000  }
0x3d: {  	[sflag:s8] =	ssyncset.done $0x0  }
0x3e: {  	s20 =	sadd.s32 $0x3000, s26;
	[sflag:s8] =	ssyncadd.s32 $0xFFFFC000  }
0x3f: {  	[hbm4b:s20+s2] =	stream.linear.scatter [tilespmem:s7], [sflag:$0x2], $0x4000, $0x38;
	[tilespmem:$0x4800] =	vst v63  }
0x40: {  	_ =	swait.ge [sflag:s3], $0x4000  }
0x41: {  	[sflag:s3] =	ssyncset.done $0x0  }
0x42: {  	s21 =	simm.s32 $0x380;
	[sflag:s3] =	ssyncadd.s32 $0xFFFFC000  }
0x43: {  	[tilespmem:s7], [sflag:$0x1] =	stream.indirect.gather [hbm4b:s5+s6], $0x80, s21, s6, $0xb8;
	[tilespmem:$0x4800] =	vst v63  }
0x44: {  	_ =	swait.ge [sflag:s8], $0x4000  }
0x45: {  	[sflag:s8] =	ssyncset.done $0x0  }
0x46: {  	s22 =	sadd.s32 $0x3800, s26;
	[sflag:s8] =	ssyncadd.s32 $0xFFFFC000  }
0x47: {  	[hbm4b:s22+s2] =	stream.linear.scatter [tilespmem:s7], [sflag:$0x2], $0x4000, $0x38;
	[tilespmem:$0x4800] =	vst v63  }
0x48: {  	_ =	swait.ge [sflag:s3], $0x4000  }
0x49: {  	[sflag:s3] =	ssyncset.done $0x0  }
0x4a: {  	s23 =	simm.s32 $0x400;
	[sflag:s3] =	ssyncadd.s32 $0xFFFFC000  }
0x4b: {  	[tilespmem:s7], [sflag:$0x1] =	stream.indirect.gather [hbm4b:s5+s6], $0x80, s23, s6, $0xb8;
	[tilespmem:$0x4800] =	vst v63  }
0x4c: {  	_ =	swait.ge [sflag:s8], $0x4000  }
0x4d: {  	[sflag:s8] =	ssyncset.done $0x0  }
0x4e: {  	s28 =	ssub.s32 $0x2, s25;
	s24 =	sadd.s32 $0x4000, s26;
	[sflag:s8] =	ssyncadd.s32 $0xFFFFC000  }
0x4f: {  	[hbm4b:s24+s2] =	stream.linear.scatter [tilespmem:s7], [sflag:$0x2], $0x4000, $0x38;
	[tilespmem:$0x4800] =	vst v63  }
0x50: {  	s29 =	sshrl.u32 s28, $0x1;
	_ =	swait.ge [sflag:s3], $0x4000  }
0x51: {  	s28 =	ssub.s32 s28, s29;
	[sflag:s3] =	ssyncset.done $0x0  }
0x52: {  	s25 =	simm.s32 $0x480;
	s28 =	smax.u32 s28, $0x1;
	[sflag:s3] =	ssyncadd.s32 $0xFFFFC000  }
0x53: {  	[tilespmem:s7], [sflag:$0x1] =	stream.indirect.gather [hbm4b:s5+s6], $0x80, s25, s6, $0xb8;
	[tilespmem:$0x4800] =	vst v63  }
0x54: {  	p0 =	sne.s32 s28, $0x1;
	_ =	swait.ge [sflag:s8], $0x4000  }
.Ltmp0:
0x55: {  	[sflag:s8] =	ssyncset.done $0x0;
	(pc) =	sbr.rel @!p0 .LBB2_2-.Ltmp0, $4  }
0x56: {  	s26 =	sadd.s32 $0x4800, s26;
	[sflag:s8] =	ssyncadd.s32 $0xFFFFC000  }
0x57: {  	[hbm4b:s26+s2] =	stream.linear.scatter [tilespmem:s7], [sflag:$0x2], $0x4000, $0x38;
	[tilespmem:$0x4800] =	vst v63  }
0x58: {  	_ =	swait.ge [sflag:s3], $0x4000  }
0x59: {  	s28 =	sadd.s32 $0xFFFFFFFF, s28;
	[sflag:s3] =	ssyncset.done $0x0  }
.LBB2_1:
0x5a: {  	p0 =	sne.s32 s28, $0x1;
	s28 =	sadd.s32 $0xFFFFFFFF, s28;
	[sflag:s3] =	ssyncadd.s32 $0xFFFFC000  }
0x5b: {  	[tilespmem:s2], [sflag:$0x2] =	stream.linear.gather [hbm4b:s4+s2], $0x500, $0x38;
	[tilespmem:$0x4800] =	vst v63  }
0x5c: {  	_ =	swait.ge [sflag:s3], $0x500  }
0x5d: {  	[sflag:s3] =	ssyncset.done $0x0  }
0x5e: {  	[sflag:s3] =	ssyncadd.s32 $0xFFFFFB00  }
0x5f: {  	[tilespmem:s7], [sflag:$0x1] =	stream.indirect.gather [hbm4b:s5+s6], $0x80, s2, s6, $0xb8;
	[tilespmem:$0x4800] =	vst v63  }
0x60: {  	_ =	swait.ge [sflag:s8], $0x4000  }
0x61: {  	[sflag:s8] =	ssyncset.done $0x0  }
0x62: {  	[sflag:s8] =	ssyncadd.s32 $0xFFFFC000  }
0x63: {  	[hbm4b:s9+s2] =	stream.linear.scatter [tilespmem:s7], [sflag:$0x2], $0x4000, $0x38;
	[tilespmem:$0x4800] =	vst v63  }
0x64: {  	_ =	swait.ge [sflag:s3], $0x4000  }
0x65: {  	[sflag:s3] =	ssyncset.done $0x0  }
0x66: {  	[sflag:s3] =	ssyncadd.s32 $0xFFFFC000  }
0x67: {  	[tilespmem:s7], [sflag:$0x1] =	stream.indirect.gather [hbm4b:s5+s6], $0x80, s6, s6, $0xb8;
	[tilespmem:$0x4800] =	vst v63  }
0x68: {  	_ =	swait.ge [sflag:s8], $0x4000  }
0x69: {  	[sflag:s8] =	ssyncset.done $0x0  }
0x6a: {  	[sflag:s8] =	ssyncadd.s32 $0xFFFFC000  }
0x6b: {  	[hbm4b:s10+s2] =	stream.linear.scatter [tilespmem:s7], [sflag:$0x2], $0x4000, $0x38;
	[tilespmem:$0x4800] =	vst v63  }
0x6c: {  	_ =	swait.ge [sflag:s3], $0x4000  }
0x6d: {  	[sflag:s3] =	ssyncset.done $0x0  }
0x6e: {  	[sflag:s3] =	ssyncadd.s32 $0xFFFFC000  }
0x6f: {  	[tilespmem:s7], [sflag:$0x1] =	stream.indirect.gather [hbm4b:s5+s6], $0x80, s11, s6, $0xb8;
	[tilespmem:$0x4800] =	vst v63  }
0x70: {  	_ =	swait.ge [sflag:s8], $0x4000  }
0x71: {  	[sflag:s8] =	ssyncset.done $0x0  }
0x72: {  	[sflag:s8] =	ssyncadd.s32 $0xFFFFC000  }
0x73: {  	[hbm4b:s12+s2] =	stream.linear.scatter [tilespmem:s7], [sflag:$0x2], $0x4000, $0x38;
	[tilespmem:$0x4800] =	vst v63  }
0x74: {  	_ =	swait.ge [sflag:s3], $0x4000  }
0x75: {  	[sflag:s3] =	ssyncset.done $0x0  }
0x76: {  	[sflag:s3] =	ssyncadd.s32 $0xFFFFC000  }
0x77: {  	[tilespmem:s7], [sflag:$0x1] =	stream.indirect.gather [hbm4b:s5+s6], $0x80, s13, s6, $0xb8;
	[tilespmem:$0x4800] =	vst v63  }
0x78: {  	_ =	swait.ge [sflag:s8], $0x4000  }
0x79: {  	[sflag:s8] =	ssyncset.done $0x0  }
0x7a: {  	[sflag:s8] =	ssyncadd.s32 $0xFFFFC000  }
0x7b: {  	[hbm4b:s14+s2] =	stream.linear.scatter [tilespmem:s7], [sflag:$0x2], $0x4000, $0x38;
	[tilespmem:$0x4800] =	vst v63  }
0x7c: {  	_ =	swait.ge [sflag:s3], $0x4000  }
0x7d: {  	[sflag:s3] =	ssyncset.done $0x0  }
0x7e: {  	[sflag:s3] =	ssyncadd.s32 $0xFFFFC000  }
0x7f: {  	[tilespmem:s7], [sflag:$0x1] =	stream.indirect.gather [hbm4b:s5+s6], $0x80, s15, s6, $0xb8;
	[tilespmem:$0x4800] =	vst v63  }
0x80: {  	_ =	swait.ge [sflag:s8], $0x4000  }
0x81: {  	[sflag:s8] =	ssyncset.done $0x0  }
0x82: {  	[sflag:s8] =	ssyncadd.s32 $0xFFFFC000  }
0x83: {  	[hbm4b:s16+s2] =	stream.linear.scatter [tilespmem:s7], [sflag:$0x2], $0x4000, $0x38;
	[tilespmem:$0x4800] =	vst v63  }
0x84: {  	_ =	swait.ge [sflag:s3], $0x4000  }
0x85: {  	[sflag:s3] =	ssyncset.done $0x0  }
0x86: {  	[sflag:s3] =	ssyncadd.s32 $0xFFFFC000  }
0x87: {  	[tilespmem:s7], [sflag:$0x1] =	stream.indirect.gather [hbm4b:s5+s6], $0x80, s17, s6, $0xb8;
	[tilespmem:$0x4800] =	vst v63  }
0x88: {  	_ =	swait.ge [sflag:s8], $0x4000  }
0x89: {  	[sflag:s8] =	ssyncset.done $0x0  }
0x8a: {  	[sflag:s8] =	ssyncadd.s32 $0xFFFFC000  }
0x8b: {  	[hbm4b:s18+s2] =	stream.linear.scatter [tilespmem:s7], [sflag:$0x2], $0x4000, $0x38;
	[tilespmem:$0x4800] =	vst v63  }
0x8c: {  	_ =	swait.ge [sflag:s3], $0x4000  }
0x8d: {  	[sflag:s3] =	ssyncset.done $0x0  }
0x8e: {  	[sflag:s3] =	ssyncadd.s32 $0xFFFFC000  }
0x8f: {  	[tilespmem:s7], [sflag:$0x1] =	stream.indirect.gather [hbm4b:s5+s6], $0x80, s19, s6, $0xb8;
	[tilespmem:$0x4800] =	vst v63  }
0x90: {  	_ =	swait.ge [sflag:s8], $0x4000  }
0x91: {  	[sflag:s8] =	ssyncset.done $0x0  }
0x92: {  	[sflag:s8] =	ssyncadd.s32 $0xFFFFC000  }
0x93: {  	[hbm4b:s20+s2] =	stream.linear.scatter [tilespmem:s7], [sflag:$0x2], $0x4000, $0x38;
	[tilespmem:$0x4800] =	vst v63  }
0x94: {  	_ =	swait.ge [sflag:s3], $0x4000  }
0x95: {  	[sflag:s3] =	ssyncset.done $0x0  }
0x96: {  	[sflag:s3] =	ssyncadd.s32 $0xFFFFC000  }
0x97: {  	[tilespmem:s7], [sflag:$0x1] =	stream.indirect.gather [hbm4b:s5+s6], $0x80, s21, s6, $0xb8;
	[tilespmem:$0x4800] =	vst v63  }
0x98: {  	_ =	swait.ge [sflag:s8], $0x4000  }
0x99: {  	[sflag:s8] =	ssyncset.done $0x0  }
0x9a: {  	[sflag:s8] =	ssyncadd.s32 $0xFFFFC000  }
0x9b: {  	[hbm4b:s22+s2] =	stream.linear.scatter [tilespmem:s7], [sflag:$0x2], $0x4000, $0x38;
	[tilespmem:$0x4800] =	vst v63  }
0x9c: {  	_ =	swait.ge [sflag:s3], $0x4000  }
0x9d: {  	[sflag:s3] =	ssyncset.done $0x0  }
0x9e: {  	[sflag:s3] =	ssyncadd.s32 $0xFFFFC000  }
0x9f: {  	[tilespmem:s7], [sflag:$0x1] =	stream.indirect.gather [hbm4b:s5+s6], $0x80, s23, s6, $0xb8;
	[tilespmem:$0x4800] =	vst v63  }
0xa0: {  	_ =	swait.ge [sflag:s8], $0x4000  }
0xa1: {  	[sflag:s8] =	ssyncset.done $0x0  }
0xa2: {  	[sflag:s8] =	ssyncadd.s32 $0xFFFFC000  }
0xa3: {  	[hbm4b:s24+s2] =	stream.linear.scatter [tilespmem:s7], [sflag:$0x2], $0x4000, $0x38;
	[tilespmem:$0x4800] =	vst v63  }
0xa4: {  	_ =	swait.ge [sflag:s3], $0x4000  }
0xa5: {  	[sflag:s3] =	ssyncset.done $0x0  }
0xa6: {  	[sflag:s3] =	ssyncadd.s32 $0xFFFFC000  }
0xa7: {  	[tilespmem:s7], [sflag:$0x1] =	stream.indirect.gather [hbm4b:s5+s6], $0x80, s25, s6, $0xb8;
	[tilespmem:$0x4800] =	vst v63  }
0xa8: {  	_ =	swait.ge [sflag:s8], $0x4000  }
.Ltmp1:
0xa9: {  	[sflag:s8] =	ssyncset.done $0x0;
	(pc) =	sbr.rel @p0 .LBB2_1-.Ltmp1, $4  }
0xaa: {  	[sflag:s8] =	ssyncadd.s32 $0xFFFFC000  }
0xab: {  	[hbm4b:s26+s2] =	stream.linear.scatter [tilespmem:s7], [sflag:$0x2], $0x4000, $0x38;
	[tilespmem:$0x4800] =	vst v63  }
0xac: {  	_ =	swait.ge [sflag:s3], $0x4000  }
0xad: {  	[sflag:s3] =	ssyncset.done $0x0  }
.LBB2_2:
0xae: {  	[sflag:s3] =	ssyncadd.s32 $0xFFFFC000  }
0xaf: {  	_ =	sfence.sel $0x180000  }
0xb0: {  	[bflag:$0x0] =	sbarrier.arrive $0xFFFF  }
0xb1: {  	p0 =	sne.s32 s0, $0x0;
	_ =	strace $0x9000004D  }
0xb2: {  	s0 =	sadd.s32 @!p0 $0x100000, s1;
	[bflag:$0x2] =	sbarrier.arrive $0xFFFF  }
0xb3: {  	[sflag:s0] =	ssyncadd.tile.s32 @!p0 $0x1;
	_ =	shalt  }
.Lfunc_end2:
_tile_overlayer_lowered:
.L_overlay_start_2:
0xb4: {  	(tag) =	ssettag $0x2  }
0xb5: {  	s0 =	rddreg [dreg:$0x0];
	s2 =	stileid.u32  }
0xb6: {  	s1 =	rddreg [dreg:$0x1];
	p0 =	sne.s32 s2, $0x0  }
0xb7: {  	s3 =	rddreg [dreg:$0x2];
	[bflag:$0x3] =	sbarrier.arrive $0xFFFF;
	s2 =	simm.s32 @!p0 $0x1C02  }
0xb8: {  	[timem:s3], [sflag:s2] =	dma.local @!p0 [hbm:s0], s1  }
0xb9: {  	s0 =	simm.s32 @!p0 $0x2  }
0xba: {  	_ =	swait.ge @!p0 [sflag:s0], s1  }
0xbb: {  	s1 =	ssub.s32 @!p0 $0x0, s1;
	[sflag:s0] =	ssyncset.done @!p0 $0x0  }
0xbc: {  	[sflag:s0] =	ssyncadd.s32 @!p0 s1  }
0xbd: {  	[bflag:$0x3] =	sbarrier.arrive $0xFFFF  }
0xbe: {  	_ =	shalt  }

</sc_bundles>
